<compile_context>
chip_gen: v7x
topology: tpu7x:2x2x1
jax: 0.10.2.dev20260603
libtpu: 0.0.44.dev20260713+nightly
codegen_flags: <defaults>
</compile_context>

<pallas_src>
import functools

import jax
import jax.numpy as jnp
from jax import lax
from jax.experimental import pallas as pl
from jax.experimental.pallas import tpu as pltpu
from jax.experimental.pallas import tpu_sc as plsc

_MAX_K = 128
_SEQ = 2048
_D = 64
_T_ROWS = 2 * _MAX_K + 1
_Q_PER_TILE = _SEQ // 32
_QCOL = _SEQ // 4
_WIN = _QCOL + _Q_PER_TILE
_RING = 8


def _sc_body(w_hbm, out_hbm, tbuf, wext, sem):
    c = lax.axis_index("c")
    s = lax.axis_index("s")
    wid = s * 2 + c
    q0 = wid * _Q_PER_TILE

    pltpu.sync_copy(w_hbm, tbuf)
    c0 = [tbuf[pl.ds(j * 16, 16)] for j in range(4)]
    cz = [tbuf[pl.ds(256 * _D + j * 16, 16)] for j in range(4)]

    def _drain_one():
        pltpu.make_async_copy(wext.at[pl.ds(0, _QCOL), :],
                              out_hbm.at[0, pl.ds(0, _QCOL), :], sem).wait()

    for h4 in range(4):
        lo = _QCOL * h4 + _SEQ - 1 - (q0 + _Q_PER_TILE - 1)
        p = 1919 - lo
        a = jnp.clip(p, 0, _WIN)
        b = jnp.clip(p + _T_ROWS, 0, _WIN)

        def fill(vj):
            def body(i, _):
                for j in range(4):
                    wext[i, pl.ds(j * 16, 16)] = vj[j]
                return 0
            return body

        def spread(r, _):
            for j in range(4):
                wext[r, pl.ds(j * 16, 16)] = tbuf[pl.ds((r - p) * _D + j * 16,
                                                        16)]
            return 0

        lax.fori_loop(0, a, fill(c0), 0)
        lax.fori_loop(b, _WIN, fill(cz), 0)
        lax.fori_loop(a, b, spread, 0)

        def _start(k):
            src = wext.at[pl.ds(_Q_PER_TILE - 1 - k, _QCOL), :]
            dst = out_hbm.at[q0 + k, pl.ds(_QCOL * h4, _QCOL), :]
            pltpu.async_copy(src, dst, sem)

        for j in range(_RING):
            _start(j)

        def _steady(k, _):
            _drain_one()
            _start(_RING + k)
            return 0

        lax.fori_loop(0, _Q_PER_TILE - _RING, _steady, 0)
        for j in range(_RING):
            _drain_one()


def kernel(seq_len, emb_weight):
    del seq_len
    mesh = plsc.VectorSubcoreMesh(core_axis_name="c", subcore_axis_name="s")
    run = functools.partial(
        pl.kernel,
        mesh=mesh,
        out_type=jax.ShapeDtypeStruct((_SEQ, _SEQ, _D), jnp.float32),
        scratch_types=[
            pltpu.VMEM((_T_ROWS * _D,), jnp.float32),
            pltpu.VMEM((_WIN, _D), jnp.float32),
            pltpu.SemaphoreType.DMA,
        ],
        compiler_params=pltpu.CompilerParams(use_tc_tiling_on_sc=True),
    )(_sc_body)
    return run(emb_weight.reshape(-1))

# --- scband reference (transcript-rebuilt; emitter-appended) ---
"""Pipeline reference for scband-relative-position-embedding-81484119539793 (READ-ONLY COPY).

The authoritative reference and input builder live on the scoring server;
editing this copy changes nothing except your own understanding.
"""

import jax, jax.numpy as jnp
import numpy as np

MAX_K = 128
D_K = 64  # embed_dim // n_head = 768 // 12
SEQ_LEN = 2048


def setup_inputs(seed: int = 0) -> dict:
    key = jax.random.key(seed)
    emb_weight = jax.random.normal(key, (2 * MAX_K + 1, D_K), dtype=jnp.float32) * 0.02
    return {"seq_len": 2048, "emb_weight": emb_weight}


def reference(seq_len, emb_weight):
    # make_relative_position(seq_len, seq_len, max_k)
    idx = jnp.arange(SEQ_LEN) + (seq_len - SEQ_LEN)
    Q = idx[:, None]
    S = idx[None, :]
    rp = jnp.clip(S - Q, -MAX_K, MAX_K) + MAX_K  # int indices in [0, 2*max_k]
    # nn.Embedding lookup -> gather rows of the table
    out = jnp.take(emb_weight, rp, axis=0)  # [seq_len, seq_len, d_k]
    return out

if __name__ == "__main__":
    import jax
    _d = setup_inputs()
    print(jax.jit(kernel)(*tuple(_d.values())))

</pallas_src>

<mosaic_0001>
#map = affine_map<(d0, d1) -> (0)>
#map1 = affine_map<(d0, d1) -> (0, 0, 0)>
module attributes {stable_mosaic.version = 14 : i64} {
  func.func @_sc_body(%arg0: i32, %arg1: i32, %arg2: memref<16448xf32, #tpu.memory_space<hbm>>, %arg3: memref<2048x2048x64xf32, #tpu.memory_space<hbm>>, %arg4: memref<16448xf32, #tpu.memory_space<vmem>>, %arg5: memref<576x64xf32, #tpu.memory_space<vmem>>, %arg6: memref<!tpu.dma_semaphore, #tpu.memory_space<semaphore_mem>>) attributes {dimension_semantics = [#tpu.dimension_semantics<core_parallel>, #tpu.dimension_semantics<subcore_parallel>], iteration_bounds = array<i64: 2, 16>, scalar_prefetch = 0 : i64, scratch_operands = 3 : i64, tpu.core_type = #tpu.core_type<sc_vector_subcore>, window_params = [{transform_indices = #map}, {transform_indices = #map1}]} {
    %mul3A = arith.constant 2 : i32
    %mul3A_0 = arith.muli %arg1, %mul3A : i32
    %add3A = arith.addi %mul3A_0, %arg0 : i32
    %mul3A_1 = arith.constant 64 : i32
    %mul3A_2 = arith.muli %add3A, %mul3A_1 : i32
    "tpu.region"() ({
      %run_scoped3A = tpu.sem_alloc : memref<!tpu.dma_semaphore, #tpu.memory_space<semaphore_mem>>
      tpu.enqueue_dma source(%arg2 : memref<16448xf32, #tpu.memory_space<hbm>>) target(%arg4 : memref<16448xf32, #tpu.memory_space<vmem>>) target_semaphore(%run_scoped3A : memref<!tpu.dma_semaphore, #tpu.memory_space<semaphore_mem>>)
      tpu.wait_dma2 semaphore(%run_scoped3A : memref<!tpu.dma_semaphore, #tpu.memory_space<semaphore_mem>>) src(%arg2 : memref<16448xf32, #tpu.memory_space<hbm>>) dst(%arg4 : memref<16448xf32, #tpu.memory_space<vmem>>)
      tpu.yield
    }) : () -> ()
    %get3A = arith.constant 0 : index
    %get3A_3 = tpu.vector_load %arg4[%get3A] {strides = array<i32>} : memref<16448xf32, #tpu.memory_space<vmem>>, vector<16xf32>,
    %get3A_4 = vector.shape_cast %get3A_3 : vector<16xf32> to vector<16xf32>
    %get3A_5 = arith.constant 16 : index
    %get3A_6 = tpu.vector_load %arg4[%get3A_5] {strides = array<i32>} : memref<16448xf32, #tpu.memory_space<vmem>>, vector<16xf32>,
    %get3A_7 = vector.shape_cast %get3A_6 : vector<16xf32> to vector<16xf32>
    %get3A_8 = arith.constant 32 : index
    %get3A_9 = tpu.vector_load %arg4[%get3A_8] {strides = array<i32>} : memref<16448xf32, #tpu.memory_space<vmem>>, vector<16xf32>,
    %get3A_10 = vector.shape_cast %get3A_9 : vector<16xf32> to vector<16xf32>
    %get3A_11 = arith.constant 48 : index
    %get3A_12 = tpu.vector_load %arg4[%get3A_11] {strides = array<i32>} : memref<16448xf32, #tpu.memory_space<vmem>>, vector<16xf32>,
    %get3A_13 = vector.shape_cast %get3A_12 : vector<16xf32> to vector<16xf32>
    %get3A_14 = arith.constant 16384 : index
    %get3A_15 = tpu.vector_load %arg4[%get3A_14] {strides = array<i32>} : memref<16448xf32, #tpu.memory_space<vmem>>, vector<16xf32>,
    %get3A_16 = vector.shape_cast %get3A_15 : vector<16xf32> to vector<16xf32>
    %get3A_17 = arith.constant 16400 : index
    %get3A_18 = tpu.vector_load %arg4[%get3A_17] {strides = array<i32>} : memref<16448xf32, #tpu.memory_space<vmem>>, vector<16xf32>,
    %get3A_19 = vector.shape_cast %get3A_18 : vector<16xf32> to vector<16xf32>
    %get3A_20 = arith.constant 16416 : index
    %get3A_21 = tpu.vector_load %arg4[%get3A_20] {strides = array<i32>} : memref<16448xf32, #tpu.memory_space<vmem>>, vector<16xf32>,
    %get3A_22 = vector.shape_cast %get3A_21 : vector<16xf32> to vector<16xf32>
    %get3A_23 = arith.constant 16432 : index
    %get3A_24 = tpu.vector_load %arg4[%get3A_23] {strides = array<i32>} : memref<16448xf32, #tpu.memory_space<vmem>>, vector<16xf32>,
    %get3A_25 = vector.shape_cast %get3A_24 : vector<16xf32> to vector<16xf32>
    %add3A_26 = arith.constant 64 : i32
    %add3A_27 = arith.addi %mul3A_2, %add3A_26 : i32
    %sub3A = arith.constant 1 : i32
    %sub3A_28 = arith.subi %add3A_27, %sub3A : i32
    %sub3A_29 = arith.constant 2047 : i32
    %sub3A_30 = arith.subi %sub3A_29, %sub3A_28 : i32
    %sub3A_31 = arith.constant 1919 : i32
    %sub3A_32 = arith.subi %sub3A_31, %sub3A_30 : i32
    %jit3A = arith.constant 0 : i32
    %jit3A_33 = arith.constant 576 : i32
    %max3A = arith.maxsi %jit3A, %sub3A_32 : i32
    %min3A = arith.minsi %jit3A_33, %max3A : i32
    %add3A_34 = arith.constant 257 : i32
    %add3A_35 = arith.addi %sub3A_32, %add3A_34 : i32
    %jit3A_36 = arith.constant 0 : i32
    %jit3A_37 = arith.constant 576 : i32
    %max3A_38 = arith.maxsi %jit3A_36, %add3A_35 : i32
    %min3A_39 = arith.minsi %jit3A_37, %max3A_38 : i32
    %while3A = arith.constant 0 : i32
    %while3A_40 = arith.constant 0 : i32
    %while3A_41 = arith.subi %min3A, %while3A : i32
    %while3A_42 = arith.addi %while3A, %while3A_41 : i32
    %while3A_43 = arith.constant 1 : i32
    %while3A_44 = arith.divsi %while3A_41, %while3A_43 : i32
    %while3A_45 = arith.muli %while3A_44, %while3A_43 : i32
    %while3A_46 = arith.addi %while3A, %while3A_45 : i32
    %while3A_47 = arith.constant 1 : i32
    %while3A_48 = scf.for %while3A_1250 = %while3A to %while3A_46 step %while3A_47 iter_args(%while3A_1251 = %while3A_40) -> (i32)  : i32 {
      %swap3A = arith.index_cast %while3A_1250 : i32 to index
      %swap3A_1252 = arith.constant 0 : index
      %swap3A_1253 = tpu.vector_load %arg5[%swap3A, %swap3A_1252] {strides = array<i32>} : memref<576x64xf32, #tpu.memory_space<vmem>>, vector<1x16xf32>,
      %swap3A_1254 = vector.shape_cast %swap3A_1253 : vector<1x16xf32> to vector<16xf32>
      %swap3A_1255 = vector.shape_cast %get3A_4 : vector<16xf32> to vector<1x16xf32>
      tpu.vector_store %arg5[%swap3A, %swap3A_1252], %swap3A_1255 {strides = array<i32>} : memref<576x64xf32, #tpu.memory_space<vmem>>, vector<1x16xf32>,
      %swap3A_1256 = arith.index_cast %while3A_1250 : i32 to index
      %swap3A_1257 = arith.constant 16 : index
      %swap3A_1258 = tpu.vector_load %arg5[%swap3A_1256, %swap3A_1257] {strides = array<i32>} : memref<576x64xf32, #tpu.memory_space<vmem>>, vector<1x16xf32>,
      %swap3A_1259 = vector.shape_cast %swap3A_1258 : vector<1x16xf32> to vector<16xf32>
      %swap3A_1260 = vector.shape_cast %get3A_7 : vector<16xf32> to vector<1x16xf32>
      tpu.vector_store %arg5[%swap3A_1256, %swap3A_1257], %swap3A_1260 {strides = array<i32>} : memref<576x64xf32, #tpu.memory_space<vmem>>, vector<1x16xf32>,
      %swap3A_1261 = arith.index_cast %while3A_1250 : i32 to index
      %swap3A_1262 = arith.constant 32 : index
      %swap3A_1263 = tpu.vector_load %arg5[%swap3A_1261, %swap3A_1262] {strides = array<i32>} : memref<576x64xf32, #tpu.memory_space<vmem>>, vector<1x16xf32>,
      %swap3A_1264 = vector.shape_cast %swap3A_1263 : vector<1x16xf32> to vector<16xf32>
      %swap3A_1265 = vector.shape_cast %get3A_10 : vector<16xf32> to vector<1x16xf32>
      tpu.vector_store %arg5[%swap3A_1261, %swap3A_1262], %swap3A_1265 {strides = array<i32>} : memref<576x64xf32, #tpu.memory_space<vmem>>, vector<1x16xf32>,
      %swap3A_1266 = arith.index_cast %while3A_1250 : i32 to index
      %swap3A_1267 = arith.constant 48 : index
      %swap3A_1268 = tpu.vector_load %arg5[%swap3A_1266, %swap3A_1267] {strides = array<i32>} : memref<576x64xf32, #tpu.memory_space<vmem>>, vector<1x16xf32>,
      %swap3A_1269 = vector.shape_cast %swap3A_1268 : vector<1x16xf32> to vector<16xf32>
      %swap3A_1270 = vector.shape_cast %get3A_13 : vector<16xf32> to vector<1x16xf32>
      tpu.vector_store %arg5[%swap3A_1266, %swap3A_1267], %swap3A_1270 {strides = array<i32>} : memref<576x64xf32, #tpu.memory_space<vmem>>, vector<1x16xf32>,
      %while3A_1271 = arith.constant 0 : i32
      scf.yield %while3A_1271 : i32
    }
    %while3A_49 = arith.constant 1 : i32
    %while3A_50 = scf.for %while3A_1250 = %while3A_46 to %while3A_42 step %while3A_49 iter_args(%while3A_1251 = %while3A_48) -> (i32)  : i32 {
      %swap3A = arith.index_cast %while3A_1250 : i32 to index
      %swap3A_1252 = arith.constant 0 : index
      %swap3A_1253 = tpu.vector_load %arg5[%swap3A, %swap3A_1252] {strides = array<i32>} : memref<576x64xf32, #tpu.memory_space<vmem>>, vector<1x16xf32>,
      %swap3A_1254 = vector.shape_cast %swap3A_1253 : vector<1x16xf32> to vector<16xf32>
      %swap3A_1255 = vector.shape_cast %get3A_4 : vector<16xf32> to vector<1x16xf32>
      tpu.vector_store %arg5[%swap3A, %swap3A_1252], %swap3A_1255 {strides = array<i32>} : memref<576x64xf32, #tpu.memory_space<vmem>>, vector<1x16xf32>,
      %swap3A_1256 = arith.index_cast %while3A_1250 : i32 to index
      %swap3A_1257 = arith.constant 16 : index
      %swap3A_1258 = tpu.vector_load %arg5[%swap3A_1256, %swap3A_1257] {strides = array<i32>} : memref<576x64xf32, #tpu.memory_space<vmem>>, vector<1x16xf32>,
      %swap3A_1259 = vector.shape_cast %swap3A_1258 : vector<1x16xf32> to vector<16xf32>
      %swap3A_1260 = vector.shape_cast %get3A_7 : vector<16xf32> to vector<1x16xf32>
      tpu.vector_store %arg5[%swap3A_1256, %swap3A_1257], %swap3A_1260 {strides = array<i32>} : memref<576x64xf32, #tpu.memory_space<vmem>>, vector<1x16xf32>,
      %swap3A_1261 = arith.index_cast %while3A_1250 : i32 to index
      %swap3A_1262 = arith.constant 32 : index
      %swap3A_1263 = tpu.vector_load %arg5[%swap3A_1261, %swap3A_1262] {strides = array<i32>} : memref<576x64xf32, #tpu.memory_space<vmem>>, vector<1x16xf32>,
      %swap3A_1264 = vector.shape_cast %swap3A_1263 : vector<1x16xf32> to vector<16xf32>
      %swap3A_1265 = vector.shape_cast %get3A_10 : vector<16xf32> to vector<1x16xf32>
      tpu.vector_store %arg5[%swap3A_1261, %swap3A_1262], %swap3A_1265 {strides = array<i32>} : memref<576x64xf32, #tpu.memory_space<vmem>>, vector<1x16xf32>,
      %swap3A_1266 = arith.index_cast %while3A_1250 : i32 to index
      %swap3A_1267 = arith.constant 48 : index
      %swap3A_1268 = tpu.vector_load %arg5[%swap3A_1266, %swap3A_1267] {strides = array<i32>} : memref<576x64xf32, #tpu.memory_space<vmem>>, vector<1x16xf32>,
      %swap3A_1269 = vector.shape_cast %swap3A_1268 : vector<1x16xf32> to vector<16xf32>
      %swap3A_1270 = vector.shape_cast %get3A_13 : vector<16xf32> to vector<1x16xf32>
      tpu.vector_store %arg5[%swap3A_1266, %swap3A_1267], %swap3A_1270 {strides = array<i32>} : memref<576x64xf32, #tpu.memory_space<vmem>>, vector<1x16xf32>,
      %while3A_1271 = arith.constant 0 : i32
      scf.yield %while3A_1271 : i32
    }
    %while3A_51 = arith.constant 576 : i32
    %while3A_52 = arith.constant 0 : i32
    %while3A_53 = arith.subi %while3A_51, %min3A_39 : i32
    %while3A_54 = arith.addi %min3A_39, %while3A_53 : i32
    %while3A_55 = arith.constant 1 : i32
    %while3A_56 = arith.divsi %while3A_53, %while3A_55 : i32
    %while3A_57 = arith.muli %while3A_56, %while3A_55 : i32
    %while3A_58 = arith.addi %min3A_39, %while3A_57 : i32
    %while3A_59 = arith.constant 1 : i32
    %while3A_60 = scf.for %while3A_1250 = %min3A_39 to %while3A_58 step %while3A_59 iter_args(%while3A_1251 = %while3A_52) -> (i32)  : i32 {
      %swap3A = arith.index_cast %while3A_1250 : i32 to index
      %swap3A_1252 = arith.constant 0 : index
      %swap3A_1253 = tpu.vector_load %arg5[%swap3A, %swap3A_1252] {strides = array<i32>} : memref<576x64xf32, #tpu.memory_space<vmem>>, vector<1x16xf32>,
      %swap3A_1254 = vector.shape_cast %swap3A_1253 : vector<1x16xf32> to vector<16xf32>
      %swap3A_1255 = vector.shape_cast %get3A_16 : vector<16xf32> to vector<1x16xf32>
      tpu.vector_store %arg5[%swap3A, %swap3A_1252], %swap3A_1255 {strides = array<i32>} : memref<576x64xf32, #tpu.memory_space<vmem>>, vector<1x16xf32>,
      %swap3A_1256 = arith.index_cast %while3A_1250 : i32 to index
      %swap3A_1257 = arith.constant 16 : index
      %swap3A_1258 = tpu.vector_load %arg5[%swap3A_1256, %swap3A_1257] {strides = array<i32>} : memref<576x64xf32, #tpu.memory_space<vmem>>, vector<1x16xf32>,
      %swap3A_1259 = vector.shape_cast %swap3A_1258 : vector<1x16xf32> to vector<16xf32>
      %swap3A_1260 = vector.shape_cast %get3A_19 : vector<16xf32> to vector<1x16xf32>
      tpu.vector_store %arg5[%swap3A_1256, %swap3A_1257], %swap3A_1260 {strides = array<i32>} : memref<576x64xf32, #tpu.memory_space<vmem>>, vector<1x16xf32>,
      %swap3A_1261 = arith.index_cast %while3A_1250 : i32 to index
      %swap3A_1262 = arith.constant 32 : index
      %swap3A_1263 = tpu.vector_load %arg5[%swap3A_1261, %swap3A_1262] {strides = array<i32>} : memref<576x64xf32, #tpu.memory_space<vmem>>, vector<1x16xf32>,
      %swap3A_1264 = vector.shape_cast %swap3A_1263 : vector<1x16xf32> to vector<16xf32>
      %swap3A_1265 = vector.shape_cast %get3A_22 : vector<16xf32> to vector<1x16xf32>
      tpu.vector_store %arg5[%swap3A_1261, %swap3A_1262], %swap3A_1265 {strides = array<i32>} : memref<576x64xf32, #tpu.memory_space<vmem>>, vector<1x16xf32>,
      %swap3A_1266 = arith.index_cast %while3A_1250 : i32 to index
      %swap3A_1267 = arith.constant 48 : index
      %swap3A_1268 = tpu.vector_load %arg5[%swap3A_1266, %swap3A_1267] {strides = array<i32>} : memref<576x64xf32, #tpu.memory_space<vmem>>, vector<1x16xf32>,
      %swap3A_1269 = vector.shape_cast %swap3A_1268 : vector<1x16xf32> to vector<16xf32>
      %swap3A_1270 = vector.shape_cast %get3A_25 : vector<16xf32> to vector<1x16xf32>
      tpu.vector_store %arg5[%swap3A_1266, %swap3A_1267], %swap3A_1270 {strides = array<i32>} : memref<576x64xf32, #tpu.memory_space<vmem>>, vector<1x16xf32>,
      %while3A_1271 = arith.constant 0 : i32
      scf.yield %while3A_1271 : i32
    }
    %while3A_61 = arith.constant 1 : i32
    %while3A_62 = scf.for %while3A_1250 = %while3A_58 to %while3A_54 step %while3A_61 iter_args(%while3A_1251 = %while3A_60) -> (i32)  : i32 {
      %swap3A = arith.index_cast %while3A_1250 : i32 to index
      %swap3A_1252 = arith.constant 0 : index
      %swap3A_1253 = tpu.vector_load %arg5[%swap3A, %swap3A_1252] {strides = array<i32>} : memref<576x64xf32, #tpu.memory_space<vmem>>, vector<1x16xf32>,
      %swap3A_1254 = vector.shape_cast %swap3A_1253 : vector<1x16xf32> to vector<16xf32>
      %swap3A_1255 = vector.shape_cast %get3A_16 : vector<16xf32> to vector<1x16xf32>
      tpu.vector_store %arg5[%swap3A, %swap3A_1252], %swap3A_1255 {strides = array<i32>} : memref<576x64xf32, #tpu.memory_space<vmem>>, vector<1x16xf32>,
      %swap3A_1256 = arith.index_cast %while3A_1250 : i32 to index
      %swap3A_1257 = arith.constant 16 : index
      %swap3A_1258 = tpu.vector_load %arg5[%swap3A_1256, %swap3A_1257] {strides = array<i32>} : memref<576x64xf32, #tpu.memory_space<vmem>>, vector<1x16xf32>,
      %swap3A_1259 = vector.shape_cast %swap3A_1258 : vector<1x16xf32> to vector<16xf32>
      %swap3A_1260 = vector.shape_cast %get3A_19 : vector<16xf32> to vector<1x16xf32>
      tpu.vector_store %arg5[%swap3A_1256, %swap3A_1257], %swap3A_1260 {strides = array<i32>} : memref<576x64xf32, #tpu.memory_space<vmem>>, vector<1x16xf32>,
      %swap3A_1261 = arith.index_cast %while3A_1250 : i32 to index
      %swap3A_1262 = arith.constant 32 : index
      %swap3A_1263 = tpu.vector_load %arg5[%swap3A_1261, %swap3A_1262] {strides = array<i32>} : memref<576x64xf32, #tpu.memory_space<vmem>>, vector<1x16xf32>,
      %swap3A_1264 = vector.shape_cast %swap3A_1263 : vector<1x16xf32> to vector<16xf32>
      %swap3A_1265 = vector.shape_cast %get3A_22 : vector<16xf32> to vector<1x16xf32>
      tpu.vector_store %arg5[%swap3A_1261, %swap3A_1262], %swap3A_1265 {strides = array<i32>} : memref<576x64xf32, #tpu.memory_space<vmem>>, vector<1x16xf32>,
      %swap3A_1266 = arith.index_cast %while3A_1250 : i32 to index
      %swap3A_1267 = arith.constant 48 : index
      %swap3A_1268 = tpu.vector_load %arg5[%swap3A_1266, %swap3A_1267] {strides = array<i32>} : memref<576x64xf32, #tpu.memory_space<vmem>>, vector<1x16xf32>,
      %swap3A_1269 = vector.shape_cast %swap3A_1268 : vector<1x16xf32> to vector<16xf32>
      %swap3A_1270 = vector.shape_cast %get3A_25 : vector<16xf32> to vector<1x16xf32>
      tpu.vector_store %arg5[%swap3A_1266, %swap3A_1267], %swap3A_1270 {strides = array<i32>} : memref<576x64xf32, #tpu.memory_space<vmem>>, vector<1x16xf32>,
      %while3A_1271 = arith.constant 0 : i32
      scf.yield %while3A_1271 : i32
    }
    %while3A_63 = arith.constant 0 : i32
    %while3A_64 = arith.subi %min3A_39, %min3A : i32
    %while3A_65 = arith.addi %min3A, %while3A_64 : i32
    %while3A_66 = arith.constant 1 : i32
    %while3A_67 = arith.divsi %while3A_64, %while3A_66 : i32
    %while3A_68 = arith.muli %while3A_67, %while3A_66 : i32
    %while3A_69 = arith.addi %min3A, %while3A_68 : i32
    %while3A_70 = arith.constant 1 : i32
    %while3A_71 = scf.for %while3A_1250 = %min3A to %while3A_69 step %while3A_70 iter_args(%while3A_1251 = %while3A_63) -> (i32)  : i32 {
      %sub3A_1252 = arith.subi %while3A_1250, %sub3A_32 : i32
      %mul3A_1253 = arith.constant 64 : i32
      %mul3A_1254 = arith.muli %sub3A_1252, %mul3A_1253 : i32
      %add3A_1255 = arith.constant 0 : i32
      %add3A_1256 = arith.addi %mul3A_1254, %add3A_1255 : i32
      %get3A_1257 = arith.index_cast %add3A_1256 : i32 to index
      %get3A_1258 = tpu.vector_load %arg4[%get3A_1257] {strides = array<i32>} : memref<16448xf32, #tpu.memory_space<vmem>>, vector<16xf32>,
      %get3A_1259 = vector.shape_cast %get3A_1258 : vector<16xf32> to vector<16xf32>
      %swap3A = arith.index_cast %while3A_1250 : i32 to index
      %swap3A_1260 = arith.constant 0 : index
      %swap3A_1261 = tpu.vector_load %arg5[%swap3A, %swap3A_1260] {strides = array<i32>} : memref<576x64xf32, #tpu.memory_space<vmem>>, vector<1x16xf32>,
      %swap3A_1262 = vector.shape_cast %swap3A_1261 : vector<1x16xf32> to vector<16xf32>
      %swap3A_1263 = vector.shape_cast %get3A_1259 : vector<16xf32> to vector<1x16xf32>
      tpu.vector_store %arg5[%swap3A, %swap3A_1260], %swap3A_1263 {strides = array<i32>} : memref<576x64xf32, #tpu.memory_space<vmem>>, vector<1x16xf32>,
      %sub3A_1264 = arith.subi %while3A_1250, %sub3A_32 : i32
      %mul3A_1265 = arith.constant 64 : i32
      %mul3A_1266 = arith.muli %sub3A_1264, %mul3A_1265 : i32
      %add3A_1267 = arith.constant 16 : i32
      %add3A_1268 = arith.addi %mul3A_1266, %add3A_1267 : i32
      %get3A_1269 = arith.index_cast %add3A_1268 : i32 to index
      %get3A_1270 = tpu.vector_load %arg4[%get3A_1269] {strides = array<i32>} : memref<16448xf32, #tpu.memory_space<vmem>>, vector<16xf32>,
      %get3A_1271 = vector.shape_cast %get3A_1270 : vector<16xf32> to vector<16xf32>
      %swap3A_1272 = arith.index_cast %while3A_1250 : i32 to index
      %swap3A_1273 = arith.constant 16 : index
      %swap3A_1274 = tpu.vector_load %arg5[%swap3A_1272, %swap3A_1273] {strides = array<i32>} : memref<576x64xf32, #tpu.memory_space<vmem>>, vector<1x16xf32>,
      %swap3A_1275 = vector.shape_cast %swap3A_1274 : vector<1x16xf32> to vector<16xf32>
      %swap3A_1276 = vector.shape_cast %get3A_1271 : vector<16xf32> to vector<1x16xf32>
      tpu.vector_store %arg5[%swap3A_1272, %swap3A_1273], %swap3A_1276 {strides = array<i32>} : memref<576x64xf32, #tpu.memory_space<vmem>>, vector<1x16xf32>,
      %sub3A_1277 = arith.subi %while3A_1250, %sub3A_32 : i32
      %mul3A_1278 = arith.constant 64 : i32
      %mul3A_1279 = arith.muli %sub3A_1277, %mul3A_1278 : i32
      %add3A_1280 = arith.constant 32 : i32
      %add3A_1281 = arith.addi %mul3A_1279, %add3A_1280 : i32
      %get3A_1282 = arith.index_cast %add3A_1281 : i32 to index
      %get3A_1283 = tpu.vector_load %arg4[%get3A_1282] {strides = array<i32>} : memref<16448xf32, #tpu.memory_space<vmem>>, vector<16xf32>,
      %get3A_1284 = vector.shape_cast %get3A_1283 : vector<16xf32> to vector<16xf32>
      %swap3A_1285 = arith.index_cast %while3A_1250 : i32 to index
      %swap3A_1286 = arith.constant 32 : index
      %swap3A_1287 = tpu.vector_load %arg5[%swap3A_1285, %swap3A_1286] {strides = array<i32>} : memref<576x64xf32, #tpu.memory_space<vmem>>, vector<1x16xf32>,
      %swap3A_1288 = vector.shape_cast %swap3A_1287 : vector<1x16xf32> to vector<16xf32>
      %swap3A_1289 = vector.shape_cast %get3A_1284 : vector<16xf32> to vector<1x16xf32>
      tpu.vector_store %arg5[%swap3A_1285, %swap3A_1286], %swap3A_1289 {strides = array<i32>} : memref<576x64xf32, #tpu.memory_space<vmem>>, vector<1x16xf32>,
      %sub3A_1290 = arith.subi %while3A_1250, %sub3A_32 : i32
      %mul3A_1291 = arith.constant 64 : i32
      %mul3A_1292 = arith.muli %sub3A_1290, %mul3A_1291 : i32
      %add3A_1293 = arith.constant 48 : i32
      %add3A_1294 = arith.addi %mul3A_1292, %add3A_1293 : i32
      %get3A_1295 = arith.index_cast %add3A_1294 : i32 to index
      %get3A_1296 = tpu.vector_load %arg4[%get3A_1295] {strides = array<i32>} : memref<16448xf32, #tpu.memory_space<vmem>>, vector<16xf32>,
      %get3A_1297 = vector.shape_cast %get3A_1296 : vector<16xf32> to vector<16xf32>
      %swap3A_1298 = arith.index_cast %while3A_1250 : i32 to index
      %swap3A_1299 = arith.constant 48 : index
      %swap3A_1300 = tpu.vector_load %arg5[%swap3A_1298, %swap3A_1299] {strides = array<i32>} : memref<576x64xf32, #tpu.memory_space<vmem>>, vector<1x16xf32>,
      %swap3A_1301 = vector.shape_cast %swap3A_1300 : vector<1x16xf32> to vector<16xf32>
      %swap3A_1302 = vector.shape_cast %get3A_1297 : vector<16xf32> to vector<1x16xf32>
      tpu.vector_store %arg5[%swap3A_1298, %swap3A_1299], %swap3A_1302 {strides = array<i32>} : memref<576x64xf32, #tpu.memory_space<vmem>>, vector<1x16xf32>,
      %while3A_1303 = arith.constant 0 : i32
      scf.yield %while3A_1303 : i32
    }
    %while3A_72 = arith.constant 1 : i32
    %while3A_73 = scf.for %while3A_1250 = %while3A_69 to %while3A_65 step %while3A_72 iter_args(%while3A_1251 = %while3A_71) -> (i32)  : i32 {
      %sub3A_1252 = arith.subi %while3A_1250, %sub3A_32 : i32
      %mul3A_1253 = arith.constant 64 : i32
      %mul3A_1254 = arith.muli %sub3A_1252, %mul3A_1253 : i32
      %add3A_1255 = arith.constant 0 : i32
      %add3A_1256 = arith.addi %mul3A_1254, %add3A_1255 : i32
      %get3A_1257 = arith.index_cast %add3A_1256 : i32 to index
      %get3A_1258 = tpu.vector_load %arg4[%get3A_1257] {strides = array<i32>} : memref<16448xf32, #tpu.memory_space<vmem>>, vector<16xf32>,
      %get3A_1259 = vector.shape_cast %get3A_1258 : vector<16xf32> to vector<16xf32>
      %swap3A = arith.index_cast %while3A_1250 : i32 to index
      %swap3A_1260 = arith.constant 0 : index
      %swap3A_1261 = tpu.vector_load %arg5[%swap3A, %swap3A_1260] {strides = array<i32>} : memref<576x64xf32, #tpu.memory_space<vmem>>, vector<1x16xf32>,
      %swap3A_1262 = vector.shape_cast %swap3A_1261 : vector<1x16xf32> to vector<16xf32>
      %swap3A_1263 = vector.shape_cast %get3A_1259 : vector<16xf32> to vector<1x16xf32>
      tpu.vector_store %arg5[%swap3A, %swap3A_1260], %swap3A_1263 {strides = array<i32>} : memref<576x64xf32, #tpu.memory_space<vmem>>, vector<1x16xf32>,
      %sub3A_1264 = arith.subi %while3A_1250, %sub3A_32 : i32
      %mul3A_1265 = arith.constant 64 : i32
      %mul3A_1266 = arith.muli %sub3A_1264, %mul3A_1265 : i32
      %add3A_1267 = arith.constant 16 : i32
      %add3A_1268 = arith.addi %mul3A_1266, %add3A_1267 : i32
      %get3A_1269 = arith.index_cast %add3A_1268 : i32 to index
      %get3A_1270 = tpu.vector_load %arg4[%get3A_1269] {strides = array<i32>} : memref<16448xf32, #tpu.memory_space<vmem>>, vector<16xf32>,
      %get3A_1271 = vector.shape_cast %get3A_1270 : vector<16xf32> to vector<16xf32>
      %swap3A_1272 = arith.index_cast %while3A_1250 : i32 to index
      %swap3A_1273 = arith.constant 16 : index
      %swap3A_1274 = tpu.vector_load %arg5[%swap3A_1272, %swap3A_1273] {strides = array<i32>} : memref<576x64xf32, #tpu.memory_space<vmem>>, vector<1x16xf32>,
      %swap3A_1275 = vector.shape_cast %swap3A_1274 : vector<1x16xf32> to vector<16xf32>
      %swap3A_1276 = vector.shape_cast %get3A_1271 : vector<16xf32> to vector<1x16xf32>
      tpu.vector_store %arg5[%swap3A_1272, %swap3A_1273], %swap3A_1276 {strides = array<i32>} : memref<576x64xf32, #tpu.memory_space<vmem>>, vector<1x16xf32>,
      %sub3A_1277 = arith.subi %while3A_1250, %sub3A_32 : i32
      %mul3A_1278 = arith.constant 64 : i32
      %mul3A_1279 = arith.muli %sub3A_1277, %mul3A_1278 : i32
      %add3A_1280 = arith.constant 32 : i32
      %add3A_1281 = arith.addi %mul3A_1279, %add3A_1280 : i32
      %get3A_1282 = arith.index_cast %add3A_1281 : i32 to index
      %get3A_1283 = tpu.vector_load %arg4[%get3A_1282] {strides = array<i32>} : memref<16448xf32, #tpu.memory_space<vmem>>, vector<16xf32>,
      %get3A_1284 = vector.shape_cast %get3A_1283 : vector<16xf32> to vector<16xf32>
      %swap3A_1285 = arith.index_cast %while3A_1250 : i32 to index
      %swap3A_1286 = arith.constant 32 : index
      %swap3A_1287 = tpu.vector_load %arg5[%swap3A_1285, %swap3A_1286] {strides = array<i32>} : memref<576x64xf32, #tpu.memory_space<vmem>>, vector<1x16xf32>,
      %swap3A_1288 = vector.shape_cast %swap3A_1287 : vector<1x16xf32> to vector<16xf32>
      %swap3A_1289 = vector.shape_cast %get3A_1284 : vector<16xf32> to vector<1x16xf32>
      tpu.vector_store %arg5[%swap3A_1285, %swap3A_1286], %swap3A_1289 {strides = array<i32>} : memref<576x64xf32, #tpu.memory_space<vmem>>, vector<1x16xf32>,
      %sub3A_1290 = arith.subi %while3A_1250, %sub3A_32 : i32
      %mul3A_1291 = arith.constant 64 : i32
      %mul3A_1292 = arith.muli %sub3A_1290, %mul3A_1291 : i32
      %add3A_1293 = arith.constant 48 : i32
      %add3A_1294 = arith.addi %mul3A_1292, %add3A_1293 : i32
      %get3A_1295 = arith.index_cast %add3A_1294 : i32 to index
      %get3A_1296 = tpu.vector_load %arg4[%get3A_1295] {strides = array<i32>} : memref<16448xf32, #tpu.memory_space<vmem>>, vector<16xf32>,
      %get3A_1297 = vector.shape_cast %get3A_1296 : vector<16xf32> to vector<16xf32>
      %swap3A_1298 = arith.index_cast %while3A_1250 : i32 to index
      %swap3A_1299 = arith.constant 48 : index
      %swap3A_1300 = tpu.vector_load %arg5[%swap3A_1298, %swap3A_1299] {strides = array<i32>} : memref<576x64xf32, #tpu.memory_space<vmem>>, vector<1x16xf32>,
      %swap3A_1301 = vector.shape_cast %swap3A_1300 : vector<1x16xf32> to vector<16xf32>
      %swap3A_1302 = vector.shape_cast %get3A_1297 : vector<16xf32> to vector<1x16xf32>
      tpu.vector_store %arg5[%swap3A_1298, %swap3A_1299], %swap3A_1302 {strides = array<i32>} : memref<576x64xf32, #tpu.memory_space<vmem>>, vector<1x16xf32>,
      %while3A_1303 = arith.constant 0 : i32
      scf.yield %while3A_1303 : i32
    }
    %add3A_74 = arith.constant 0 : i32
    %add3A_75 = arith.addi %mul3A_2, %add3A_74 : i32
    %dma_start3A = arith.constant 63 : i32
    %dma_start3A_76 = arith.constant 0 : i32
    %dma_start3A_77 = tpu.memref_slice %arg5[%dma_start3A, %dma_start3A_76] : memref<576x64xf32, #tpu.memory_space<vmem>> -> memref<512x64xf32, #tpu.memory_space<vmem>>
    %dma_start3A_78 = arith.constant 0 : i32
    %dma_start3A_79 = arith.constant 0 : i32
    %dma_start3A_80 = tpu.memref_slice %arg3[%add3A_75, %dma_start3A_78, %dma_start3A_79] : memref<2048x2048x64xf32, #tpu.memory_space<hbm>> -> memref<1x512x64xf32, #tpu.memory_space<hbm>>
    %dma_start3A_81 = tpu.memref_squeeze %dma_start3A_80 : memref<1x512x64xf32, #tpu.memory_space<hbm>> -> memref<512x64xf32, #tpu.memory_space<hbm>>
    %dma_start3A_82 = arith.constant 0 : i32
    %dma_start3A_83 = arith.constant 0 : i32
    %dma_start3A_84 = tpu.memref_slice %arg3[%add3A_75, %dma_start3A_82, %dma_start3A_83] : memref<2048x2048x64xf32, #tpu.memory_space<hbm>> -> memref<1x512x64xf32, #tpu.memory_space<hbm>>
    %dma_start3A_85 = tpu.memref_squeeze %dma_start3A_84 : memref<1x512x64xf32, #tpu.memory_space<hbm>> -> memref<512x64xf32, #tpu.memory_space<hbm>>
    %dma_start3A_86 = arith.constant 63 : i32
    %dma_start3A_87 = arith.constant 0 : i32
    %dma_start3A_88 = tpu.memref_slice %arg5[%dma_start3A_86, %dma_start3A_87] : memref<576x64xf32, #tpu.memory_space<vmem>> -> memref<512x64xf32, #tpu.memory_space<vmem>>
    tpu.enqueue_dma source(%dma_start3A_88 : memref<512x64xf32, #tpu.memory_space<vmem>>) target(%dma_start3A_85 : memref<512x64xf32, #tpu.memory_space<hbm>>) target_semaphore(%arg6 : memref<!tpu.dma_semaphore, #tpu.memory_space<semaphore_mem>>)
    %add3A_89 = arith.constant 1 : i32
    %add3A_90 = arith.addi %mul3A_2, %add3A_89 : i32
    %dma_start3A_91 = arith.constant 62 : i32
    %dma_start3A_92 = arith.constant 0 : i32
    %dma_start3A_93 = tpu.memref_slice %arg5[%dma_start3A_91, %dma_start3A_92] : memref<576x64xf32, #tpu.memory_space<vmem>> -> memref<512x64xf32, #tpu.memory_space<vmem>>
    %dma_start3A_94 = arith.constant 0 : i32
    %dma_start3A_95 = arith.constant 0 : i32
    %dma_start3A_96 = tpu.memref_slice %arg3[%add3A_90, %dma_start3A_94, %dma_start3A_95] : memref<2048x2048x64xf32, #tpu.memory_space<hbm>> -> memref<1x512x64xf32, #tpu.memory_space<hbm>>
    %dma_start3A_97 = tpu.memref_squeeze %dma_start3A_96 : memref<1x512x64xf32, #tpu.memory_space<hbm>> -> memref<512x64xf32, #tpu.memory_space<hbm>>
    %dma_start3A_98 = arith.constant 0 : i32
    %dma_start3A_99 = arith.constant 0 : i32
    %dma_start3A_100 = tpu.memref_slice %arg3[%add3A_90, %dma_start3A_98, %dma_start3A_99] : memref<2048x2048x64xf32, #tpu.memory_space<hbm>> -> memref<1x512x64xf32, #tpu.memory_space<hbm>>
    %dma_start3A_101 = tpu.memref_squeeze %dma_start3A_100 : memref<1x512x64xf32, #tpu.memory_space<hbm>> -> memref<512x64xf32, #tpu.memory_space<hbm>>
    %dma_start3A_102 = arith.constant 62 : i32
    %dma_start3A_103 = arith.constant 0 : i32
    %dma_start3A_104 = tpu.memref_slice %arg5[%dma_start3A_102, %dma_start3A_103] : memref<576x64xf32, #tpu.memory_space<vmem>> -> memref<512x64xf32, #tpu.memory_space<vmem>>
    tpu.enqueue_dma source(%dma_start3A_104 : memref<512x64xf32, #tpu.memory_space<vmem>>) target(%dma_start3A_101 : memref<512x64xf32, #tpu.memory_space<hbm>>) target_semaphore(%arg6 : memref<!tpu.dma_semaphore, #tpu.memory_space<semaphore_mem>>)
    %add3A_105 = arith.constant 2 : i32
    %add3A_106 = arith.addi %mul3A_2, %add3A_105 : i32
    %dma_start3A_107 = arith.constant 61 : i32
    %dma_start3A_108 = arith.constant 0 : i32
    %dma_start3A_109 = tpu.memref_slice %arg5[%dma_start3A_107, %dma_start3A_108] : memref<576x64xf32, #tpu.memory_space<vmem>> -> memref<512x64xf32, #tpu.memory_space<vmem>>
    %dma_start3A_110 = arith.constant 0 : i32
    %dma_start3A_111 = arith.constant 0 : i32
    %dma_start3A_112 = tpu.memref_slice %arg3[%add3A_106, %dma_start3A_110, %dma_start3A_111] : memref<2048x2048x64xf32, #tpu.memory_space<hbm>> -> memref<1x512x64xf32, #tpu.memory_space<hbm>>
    %dma_start3A_113 = tpu.memref_squeeze %dma_start3A_112 : memref<1x512x64xf32, #tpu.memory_space<hbm>> -> memref<512x64xf32, #tpu.memory_space<hbm>>
    %dma_start3A_114 = arith.constant 0 : i32
    %dma_start3A_115 = arith.constant 0 : i32
    %dma_start3A_116 = tpu.memref_slice %arg3[%add3A_106, %dma_start3A_114, %dma_start3A_115] : memref<2048x2048x64xf32, #tpu.memory_space<hbm>> -> memref<1x512x64xf32, #tpu.memory_space<hbm>>
    %dma_start3A_117 = tpu.memref_squeeze %dma_start3A_116 : memref<1x512x64xf32, #tpu.memory_space<hbm>> -> memref<512x64xf32, #tpu.memory_space<hbm>>
    %dma_start3A_118 = arith.constant 61 : i32
    %dma_start3A_119 = arith.constant 0 : i32
    %dma_start3A_120 = tpu.memref_slice %arg5[%dma_start3A_118, %dma_start3A_119] : memref<576x64xf32, #tpu.memory_space<vmem>> -> memref<512x64xf32, #tpu.memory_space<vmem>>
    tpu.enqueue_dma source(%dma_start3A_120 : memref<512x64xf32, #tpu.memory_space<vmem>>) target(%dma_start3A_117 : memref<512x64xf32, #tpu.memory_space<hbm>>) target_semaphore(%arg6 : memref<!tpu.dma_semaphore, #tpu.memory_space<semaphore_mem>>)
    %add3A_121 = arith.constant 3 : i32
    %add3A_122 = arith.addi %mul3A_2, %add3A_121 : i32
    %dma_start3A_123 = arith.constant 60 : i32
    %dma_start3A_124 = arith.constant 0 : i32
    %dma_start3A_125 = tpu.memref_slice %arg5[%dma_start3A_123, %dma_start3A_124] : memref<576x64xf32, #tpu.memory_space<vmem>> -> memref<512x64xf32, #tpu.memory_space<vmem>>
    %dma_start3A_126 = arith.constant 0 : i32
    %dma_start3A_127 = arith.constant 0 : i32
    %dma_start3A_128 = tpu.memref_slice %arg3[%add3A_122, %dma_start3A_126, %dma_start3A_127] : memref<2048x2048x64xf32, #tpu.memory_space<hbm>> -> memref<1x512x64xf32, #tpu.memory_space<hbm>>
    %dma_start3A_129 = tpu.memref_squeeze %dma_start3A_128 : memref<1x512x64xf32, #tpu.memory_space<hbm>> -> memref<512x64xf32, #tpu.memory_space<hbm>>
    %dma_start3A_130 = arith.constant 0 : i32
    %dma_start3A_131 = arith.constant 0 : i32
    %dma_start3A_132 = tpu.memref_slice %arg3[%add3A_122, %dma_start3A_130, %dma_start3A_131] : memref<2048x2048x64xf32, #tpu.memory_space<hbm>> -> memref<1x512x64xf32, #tpu.memory_space<hbm>>
    %dma_start3A_133 = tpu.memref_squeeze %dma_start3A_132 : memref<1x512x64xf32, #tpu.memory_space<hbm>> -> memref<512x64xf32, #tpu.memory_space<hbm>>
    %dma_start3A_134 = arith.constant 60 : i32
    %dma_start3A_135 = arith.constant 0 : i32
    %dma_start3A_136 = tpu.memref_slice %arg5[%dma_start3A_134, %dma_start3A_135] : memref<576x64xf32, #tpu.memory_space<vmem>> -> memref<512x64xf32, #tpu.memory_space<vmem>>
    tpu.enqueue_dma source(%dma_start3A_136 : memref<512x64xf32, #tpu.memory_space<vmem>>) target(%dma_start3A_133 : memref<512x64xf32, #tpu.memory_space<hbm>>) target_semaphore(%arg6 : memref<!tpu.dma_semaphore, #tpu.memory_space<semaphore_mem>>)
    %add3A_137 = arith.constant 4 : i32
    %add3A_138 = arith.addi %mul3A_2, %add3A_137 : i32
    %dma_start3A_139 = arith.constant 59 : i32
    %dma_start3A_140 = arith.constant 0 : i32
    %dma_start3A_141 = tpu.memref_slice %arg5[%dma_start3A_139, %dma_start3A_140] : memref<576x64xf32, #tpu.memory_space<vmem>> -> memref<512x64xf32, #tpu.memory_space<vmem>>
    %dma_start3A_142 = arith.constant 0 : i32
    %dma_start3A_143 = arith.constant 0 : i32
    %dma_start3A_144 = tpu.memref_slice %arg3[%add3A_138, %dma_start3A_142, %dma_start3A_143] : memref<2048x2048x64xf32, #tpu.memory_space<hbm>> -> memref<1x512x64xf32, #tpu.memory_space<hbm>>
    %dma_start3A_145 = tpu.memref_squeeze %dma_start3A_144 : memref<1x512x64xf32, #tpu.memory_space<hbm>> -> memref<512x64xf32, #tpu.memory_space<hbm>>
    %dma_start3A_146 = arith.constant 0 : i32
    %dma_start3A_147 = arith.constant 0 : i32
    %dma_start3A_148 = tpu.memref_slice %arg3[%add3A_138, %dma_start3A_146, %dma_start3A_147] : memref<2048x2048x64xf32, #tpu.memory_space<hbm>> -> memref<1x512x64xf32, #tpu.memory_space<hbm>>
    %dma_start3A_149 = tpu.memref_squeeze %dma_start3A_148 : memref<1x512x64xf32, #tpu.memory_space<hbm>> -> memref<512x64xf32, #tpu.memory_space<hbm>>
    %dma_start3A_150 = arith.constant 59 : i32
    %dma_start3A_151 = arith.constant 0 : i32
    %dma_start3A_152 = tpu.memref_slice %arg5[%dma_start3A_150, %dma_start3A_151] : memref<576x64xf32, #tpu.memory_space<vmem>> -> memref<512x64xf32, #tpu.memory_space<vmem>>
    tpu.enqueue_dma source(%dma_start3A_152 : memref<512x64xf32, #tpu.memory_space<vmem>>) target(%dma_start3A_149 : memref<512x64xf32, #tpu.memory_space<hbm>>) target_semaphore(%arg6 : memref<!tpu.dma_semaphore, #tpu.memory_space<semaphore_mem>>)
    %add3A_153 = arith.constant 5 : i32
    %add3A_154 = arith.addi %mul3A_2, %add3A_153 : i32
    %dma_start3A_155 = arith.constant 58 : i32
    %dma_start3A_156 = arith.constant 0 : i32
    %dma_start3A_157 = tpu.memref_slice %arg5[%dma_start3A_155, %dma_start3A_156] : memref<576x64xf32, #tpu.memory_space<vmem>> -> memref<512x64xf32, #tpu.memory_space<vmem>>
    %dma_start3A_158 = arith.constant 0 : i32
    %dma_start3A_159 = arith.constant 0 : i32
    %dma_start3A_160 = tpu.memref_slice %arg3[%add3A_154, %dma_start3A_158, %dma_start3A_159] : memref<2048x2048x64xf32, #tpu.memory_space<hbm>> -> memref<1x512x64xf32, #tpu.memory_space<hbm>>
    %dma_start3A_161 = tpu.memref_squeeze %dma_start3A_160 : memref<1x512x64xf32, #tpu.memory_space<hbm>> -> memref<512x64xf32, #tpu.memory_space<hbm>>
    %dma_start3A_162 = arith.constant 0 : i32
    %dma_start3A_163 = arith.constant 0 : i32
    %dma_start3A_164 = tpu.memref_slice %arg3[%add3A_154, %dma_start3A_162, %dma_start3A_163] : memref<2048x2048x64xf32, #tpu.memory_space<hbm>> -> memref<1x512x64xf32, #tpu.memory_space<hbm>>
    %dma_start3A_165 = tpu.memref_squeeze %dma_start3A_164 : memref<1x512x64xf32, #tpu.memory_space<hbm>> -> memref<512x64xf32, #tpu.memory_space<hbm>>
    %dma_start3A_166 = arith.constant 58 : i32
    %dma_start3A_167 = arith.constant 0 : i32
    %dma_start3A_168 = tpu.memref_slice %arg5[%dma_start3A_166, %dma_start3A_167] : memref<576x64xf32, #tpu.memory_space<vmem>> -> memref<512x64xf32, #tpu.memory_space<vmem>>
    tpu.enqueue_dma source(%dma_start3A_168 : memref<512x64xf32, #tpu.memory_space<vmem>>) target(%dma_start3A_165 : memref<512x64xf32, #tpu.memory_space<hbm>>) target_semaphore(%arg6 : memref<!tpu.dma_semaphore, #tpu.memory_space<semaphore_mem>>)
    %add3A_169 = arith.constant 6 : i32
    %add3A_170 = arith.addi %mul3A_2, %add3A_169 : i32
    %dma_start3A_171 = arith.constant 57 : i32
    %dma_start3A_172 = arith.constant 0 : i32
    %dma_start3A_173 = tpu.memref_slice %arg5[%dma_start3A_171, %dma_start3A_172] : memref<576x64xf32, #tpu.memory_space<vmem>> -> memref<512x64xf32, #tpu.memory_space<vmem>>
    %dma_start3A_174 = arith.constant 0 : i32
    %dma_start3A_175 = arith.constant 0 : i32
    %dma_start3A_176 = tpu.memref_slice %arg3[%add3A_170, %dma_start3A_174, %dma_start3A_175] : memref<2048x2048x64xf32, #tpu.memory_space<hbm>> -> memref<1x512x64xf32, #tpu.memory_space<hbm>>
    %dma_start3A_177 = tpu.memref_squeeze %dma_start3A_176 : memref<1x512x64xf32, #tpu.memory_space<hbm>> -> memref<512x64xf32, #tpu.memory_space<hbm>>
    %dma_start3A_178 = arith.constant 0 : i32
    %dma_start3A_179 = arith.constant 0 : i32
    %dma_start3A_180 = tpu.memref_slice %arg3[%add3A_170, %dma_start3A_178, %dma_start3A_179] : memref<2048x2048x64xf32, #tpu.memory_space<hbm>> -> memref<1x512x64xf32, #tpu.memory_space<hbm>>
    %dma_start3A_181 = tpu.memref_squeeze %dma_start3A_180 : memref<1x512x64xf32, #tpu.memory_space<hbm>> -> memref<512x64xf32, #tpu.memory_space<hbm>>
    %dma_start3A_182 = arith.constant 57 : i32
    %dma_start3A_183 = arith.constant 0 : i32
    %dma_start3A_184 = tpu.memref_slice %arg5[%dma_start3A_182, %dma_start3A_183] : memref<576x64xf32, #tpu.memory_space<vmem>> -> memref<512x64xf32, #tpu.memory_space<vmem>>
    tpu.enqueue_dma source(%dma_start3A_184 : memref<512x64xf32, #tpu.memory_space<vmem>>) target(%dma_start3A_181 : memref<512x64xf32, #tpu.memory_space<hbm>>) target_semaphore(%arg6 : memref<!tpu.dma_semaphore, #tpu.memory_space<semaphore_mem>>)
    %add3A_185 = arith.constant 7 : i32
    %add3A_186 = arith.addi %mul3A_2, %add3A_185 : i32
    %dma_start3A_187 = arith.constant 56 : i32
    %dma_start3A_188 = arith.constant 0 : i32
    %dma_start3A_189 = tpu.memref_slice %arg5[%dma_start3A_187, %dma_start3A_188] : memref<576x64xf32, #tpu.memory_space<vmem>> -> memref<512x64xf32, #tpu.memory_space<vmem>>
    %dma_start3A_190 = arith.constant 0 : i32
    %dma_start3A_191 = arith.constant 0 : i32
    %dma_start3A_192 = tpu.memref_slice %arg3[%add3A_186, %dma_start3A_190, %dma_start3A_191] : memref<2048x2048x64xf32, #tpu.memory_space<hbm>> -> memref<1x512x64xf32, #tpu.memory_space<hbm>>
    %dma_start3A_193 = tpu.memref_squeeze %dma_start3A_192 : memref<1x512x64xf32, #tpu.memory_space<hbm>> -> memref<512x64xf32, #tpu.memory_space<hbm>>
    %dma_start3A_194 = arith.constant 0 : i32
    %dma_start3A_195 = arith.constant 0 : i32
    %dma_start3A_196 = tpu.memref_slice %arg3[%add3A_186, %dma_start3A_194, %dma_start3A_195] : memref<2048x2048x64xf32, #tpu.memory_space<hbm>> -> memref<1x512x64xf32, #tpu.memory_space<hbm>>
    %dma_start3A_197 = tpu.memref_squeeze %dma_start3A_196 : memref<1x512x64xf32, #tpu.memory_space<hbm>> -> memref<512x64xf32, #tpu.memory_space<hbm>>
    %dma_start3A_198 = arith.constant 56 : i32
    %dma_start3A_199 = arith.constant 0 : i32
    %dma_start3A_200 = tpu.memref_slice %arg5[%dma_start3A_198, %dma_start3A_199] : memref<576x64xf32, #tpu.memory_space<vmem>> -> memref<512x64xf32, #tpu.memory_space<vmem>>
    tpu.enqueue_dma source(%dma_start3A_200 : memref<512x64xf32, #tpu.memory_space<vmem>>) target(%dma_start3A_197 : memref<512x64xf32, #tpu.memory_space<hbm>>) target_semaphore(%arg6 : memref<!tpu.dma_semaphore, #tpu.memory_space<semaphore_mem>>)
    %scan3A = arith.constant 0 : i32
    %scan3A_201 = arith.constant 0 : i32
    %scan3A_202 = arith.constant 56 : i32
    %scan3A_203 = arith.addi %scan3A_201, %scan3A_202 : i32
    %scan3A_204 = arith.constant 1 : i32
    %scan3A_205 = scf.for %scan3A_1250 = %scan3A_201 to %scan3A_203 step %scan3A_204 iter_args(%scan3A_1251 = %scan3A) -> (i32)  : i32 {
      %dma_wait3A_1252 = arith.constant 0 : i32
      %dma_wait3A_1253 = arith.constant 0 : i32
      %dma_wait3A_1254 = arith.constant 0 : i32
      %dma_wait3A_1255 = tpu.memref_slice %arg5[%dma_wait3A_1253, %dma_wait3A_1254] : memref<576x64xf32, #tpu.memory_space<vmem>> -> memref<512x64xf32, #tpu.memory_space<vmem>>
      %dma_wait3A_1256 = arith.constant 0 : i32
      %dma_wait3A_1257 = arith.constant 0 : i32
      %dma_wait3A_1258 = tpu.memref_slice %arg3[%dma_wait3A_1252, %dma_wait3A_1256, %dma_wait3A_1257] : memref<2048x2048x64xf32, #tpu.memory_space<hbm>> -> memref<1x512x64xf32, #tpu.memory_space<hbm>>
      %dma_wait3A_1259 = tpu.memref_squeeze %dma_wait3A_1258 : memref<1x512x64xf32, #tpu.memory_space<hbm>> -> memref<512x64xf32, #tpu.memory_space<hbm>>
      %dma_wait3A_1260 = arith.constant 0 : i32
      %dma_wait3A_1261 = arith.constant 0 : i32
      %dma_wait3A_1262 = tpu.memref_slice %arg3[%dma_wait3A_1252, %dma_wait3A_1260, %dma_wait3A_1261] : memref<2048x2048x64xf32, #tpu.memory_space<hbm>> -> memref<1x512x64xf32, #tpu.memory_space<hbm>>
      %dma_wait3A_1263 = tpu.memref_squeeze %dma_wait3A_1262 : memref<1x512x64xf32, #tpu.memory_space<hbm>> -> memref<512x64xf32, #tpu.memory_space<hbm>>
      %dma_wait3A_1264 = arith.constant 0 : i32
      %dma_wait3A_1265 = arith.constant 0 : i32
      %dma_wait3A_1266 = tpu.memref_slice %arg5[%dma_wait3A_1264, %dma_wait3A_1265] : memref<576x64xf32, #tpu.memory_space<vmem>> -> memref<512x64xf32, #tpu.memory_space<vmem>>
      tpu.wait_dma2 semaphore(%arg6 : memref<!tpu.dma_semaphore, #tpu.memory_space<semaphore_mem>>) src(%dma_wait3A_1266 : memref<512x64xf32, #tpu.memory_space<vmem>>) dst(%dma_wait3A_1263 : memref<512x64xf32, #tpu.memory_space<hbm>>)
      %add3A_1267 = arith.constant 8 : i32
      %add3A_1268 = arith.addi %add3A_1267, %scan3A_1250 : i32
      %sub3A_1269 = arith.constant 63 : i32
      %sub3A_1270 = arith.subi %sub3A_1269, %add3A_1268 : i32
      %add3A_1271 = arith.addi %mul3A_2, %add3A_1268 : i32
      %dma_start3A_1272 = arith.constant 0 : i32
      %dma_start3A_1273 = tpu.memref_slice %arg5[%sub3A_1270, %dma_start3A_1272] : memref<576x64xf32, #tpu.memory_space<vmem>> -> memref<512x64xf32, #tpu.memory_space<vmem>>
      %dma_start3A_1274 = arith.constant 0 : i32
      %dma_start3A_1275 = arith.constant 0 : i32
      %dma_start3A_1276 = tpu.memref_slice %arg3[%add3A_1271, %dma_start3A_1274, %dma_start3A_1275] : memref<2048x2048x64xf32, #tpu.memory_space<hbm>> -> memref<1x512x64xf32, #tpu.memory_space<hbm>>
      %dma_start3A_1277 = tpu.memref_squeeze %dma_start3A_1276 : memref<1x512x64xf32, #tpu.memory_space<hbm>> -> memref<512x64xf32, #tpu.memory_space<hbm>>
      %dma_start3A_1278 = arith.constant 0 : i32
      %dma_start3A_1279 = arith.constant 0 : i32
      %dma_start3A_1280 = tpu.memref_slice %arg3[%add3A_1271, %dma_start3A_1278, %dma_start3A_1279] : memref<2048x2048x64xf32, #tpu.memory_space<hbm>> -> memref<1x512x64xf32, #tpu.memory_space<hbm>>
      %dma_start3A_1281 = tpu.memref_squeeze %dma_start3A_1280 : memref<1x512x64xf32, #tpu.memory_space<hbm>> -> memref<512x64xf32, #tpu.memory_space<hbm>>
      %dma_start3A_1282 = arith.constant 0 : i32
      %dma_start3A_1283 = tpu.memref_slice %arg5[%sub3A_1270, %dma_start3A_1282] : memref<576x64xf32, #tpu.memory_space<vmem>> -> memref<512x64xf32, #tpu.memory_space<vmem>>
      tpu.enqueue_dma source(%dma_start3A_1283 : memref<512x64xf32, #tpu.memory_space<vmem>>) target(%dma_start3A_1281 : memref<512x64xf32, #tpu.memory_space<hbm>>) target_semaphore(%arg6 : memref<!tpu.dma_semaphore, #tpu.memory_space<semaphore_mem>>)
      %scan3A_1284 = arith.constant 0 : i32
      scf.yield %scan3A_1284 : i32
    }
    %scan3A_206 = arith.constant 56 : i32
    %dma_wait3A = arith.constant 0 : i32
    %dma_wait3A_207 = arith.constant 0 : i32
    %dma_wait3A_208 = arith.constant 0 : i32
    %dma_wait3A_209 = tpu.memref_slice %arg5[%dma_wait3A_207, %dma_wait3A_208] : memref<576x64xf32, #tpu.memory_space<vmem>> -> memref<512x64xf32, #tpu.memory_space<vmem>>
    %dma_wait3A_210 = arith.constant 0 : i32
    %dma_wait3A_211 = arith.constant 0 : i32
    %dma_wait3A_212 = tpu.memref_slice %arg3[%dma_wait3A, %dma_wait3A_210, %dma_wait3A_211] : memref<2048x2048x64xf32, #tpu.memory_space<hbm>> -> memref<1x512x64xf32, #tpu.memory_space<hbm>>
    %dma_wait3A_213 = tpu.memref_squeeze %dma_wait3A_212 : memref<1x512x64xf32, #tpu.memory_space<hbm>> -> memref<512x64xf32, #tpu.memory_space<hbm>>
    %dma_wait3A_214 = arith.constant 0 : i32
    %dma_wait3A_215 = arith.constant 0 : i32
    %dma_wait3A_216 = tpu.memref_slice %arg3[%dma_wait3A, %dma_wait3A_214, %dma_wait3A_215] : memref<2048x2048x64xf32, #tpu.memory_space<hbm>> -> memref<1x512x64xf32, #tpu.memory_space<hbm>>
    %dma_wait3A_217 = tpu.memref_squeeze %dma_wait3A_216 : memref<1x512x64xf32, #tpu.memory_space<hbm>> -> memref<512x64xf32, #tpu.memory_space<hbm>>
    %dma_wait3A_218 = arith.constant 0 : i32
    %dma_wait3A_219 = arith.constant 0 : i32
    %dma_wait3A_220 = tpu.memref_slice %arg5[%dma_wait3A_218, %dma_wait3A_219] : memref<576x64xf32, #tpu.memory_space<vmem>> -> memref<512x64xf32, #tpu.memory_space<vmem>>
    tpu.wait_dma2 semaphore(%arg6 : memref<!tpu.dma_semaphore, #tpu.memory_space<semaphore_mem>>) src(%dma_wait3A_220 : memref<512x64xf32, #tpu.memory_space<vmem>>) dst(%dma_wait3A_217 : memref<512x64xf32, #tpu.memory_space<hbm>>)
    %dma_wait3A_221 = arith.constant 0 : i32
    %dma_wait3A_222 = arith.constant 0 : i32
    %dma_wait3A_223 = arith.constant 0 : i32
    %dma_wait3A_224 = tpu.memref_slice %arg5[%dma_wait3A_222, %dma_wait3A_223] : memref<576x64xf32, #tpu.memory_space<vmem>> -> memref<512x64xf32, #tpu.memory_space<vmem>>
    %dma_wait3A_225 = arith.constant 0 : i32
    %dma_wait3A_226 = arith.constant 0 : i32
    %dma_wait3A_227 = tpu.memref_slice %arg3[%dma_wait3A_221, %dma_wait3A_225, %dma_wait3A_226] : memref<2048x2048x64xf32, #tpu.memory_space<hbm>> -> memref<1x512x64xf32, #tpu.memory_space<hbm>>
    %dma_wait3A_228 = tpu.memref_squeeze %dma_wait3A_227 : memref<1x512x64xf32, #tpu.memory_space<hbm>> -> memref<512x64xf32, #tpu.memory_space<hbm>>
    %dma_wait3A_229 = arith.constant 0 : i32
    %dma_wait3A_230 = arith.constant 0 : i32
    %dma_wait3A_231 = tpu.memref_slice %arg3[%dma_wait3A_221, %dma_wait3A_229, %dma_wait3A_230] : memref<2048x2048x64xf32, #tpu.memory_space<hbm>> -> memref<1x512x64xf32, #tpu.memory_space<hbm>>
    %dma_wait3A_232 = tpu.memref_squeeze %dma_wait3A_231 : memref<1x512x64xf32, #tpu.memory_space<hbm>> -> memref<512x64xf32, #tpu.memory_space<hbm>>
    %dma_wait3A_233 = arith.constant 0 : i32
    %dma_wait3A_234 = arith.constant 0 : i32
    %dma_wait3A_235 = tpu.memref_slice %arg5[%dma_wait3A_233, %dma_wait3A_234] : memref<576x64xf32, #tpu.memory_space<vmem>> -> memref<512x64xf32, #tpu.memory_space<vmem>>
    tpu.wait_dma2 semaphore(%arg6 : memref<!tpu.dma_semaphore, #tpu.memory_space<semaphore_mem>>) src(%dma_wait3A_235 : memref<512x64xf32, #tpu.memory_space<vmem>>) dst(%dma_wait3A_232 : memref<512x64xf32, #tpu.memory_space<hbm>>)
    %dma_wait3A_236 = arith.constant 0 : i32
    %dma_wait3A_237 = arith.constant 0 : i32
    %dma_wait3A_238 = arith.constant 0 : i32
    %dma_wait3A_239 = tpu.memref_slice %arg5[%dma_wait3A_237, %dma_wait3A_238] : memref<576x64xf32, #tpu.memory_space<vmem>> -> memref<512x64xf32, #tpu.memory_space<vmem>>
    %dma_wait3A_240 = arith.constant 0 : i32
    %dma_wait3A_241 = arith.constant 0 : i32
    %dma_wait3A_242 = tpu.memref_slice %arg3[%dma_wait3A_236, %dma_wait3A_240, %dma_wait3A_241] : memref<2048x2048x64xf32, #tpu.memory_space<hbm>> -> memref<1x512x64xf32, #tpu.memory_space<hbm>>
    %dma_wait3A_243 = tpu.memref_squeeze %dma_wait3A_242 : memref<1x512x64xf32, #tpu.memory_space<hbm>> -> memref<512x64xf32, #tpu.memory_space<hbm>>
    %dma_wait3A_244 = arith.constant 0 : i32
    %dma_wait3A_245 = arith.constant 0 : i32
    %dma_wait3A_246 = tpu.memref_slice %arg3[%dma_wait3A_236, %dma_wait3A_244, %dma_wait3A_245] : memref<2048x2048x64xf32, #tpu.memory_space<hbm>> -> memref<1x512x64xf32, #tpu.memory_space<hbm>>
    %dma_wait3A_247 = tpu.memref_squeeze %dma_wait3A_246 : memref<1x512x64xf32, #tpu.memory_space<hbm>> -> memref<512x64xf32, #tpu.memory_space<hbm>>
    %dma_wait3A_248 = arith.constant 0 : i32
    %dma_wait3A_249 = arith.constant 0 : i32
    %dma_wait3A_250 = tpu.memref_slice %arg5[%dma_wait3A_248, %dma_wait3A_249] : memref<576x64xf32, #tpu.memory_space<vmem>> -> memref<512x64xf32, #tpu.memory_space<vmem>>
    tpu.wait_dma2 semaphore(%arg6 : memref<!tpu.dma_semaphore, #tpu.memory_space<semaphore_mem>>) src(%dma_wait3A_250 : memref<512x64xf32, #tpu.memory_space<vmem>>) dst(%dma_wait3A_247 : memref<512x64xf32, #tpu.memory_space<hbm>>)
    %dma_wait3A_251 = arith.constant 0 : i32
    %dma_wait3A_252 = arith.constant 0 : i32
    %dma_wait3A_253 = arith.constant 0 : i32
    %dma_wait3A_254 = tpu.memref_slice %arg5[%dma_wait3A_252, %dma_wait3A_253] : memref<576x64xf32, #tpu.memory_space<vmem>> -> memref<512x64xf32, #tpu.memory_space<vmem>>
    %dma_wait3A_255 = arith.constant 0 : i32
    %dma_wait3A_256 = arith.constant 0 : i32
    %dma_wait3A_257 = tpu.memref_slice %arg3[%dma_wait3A_251, %dma_wait3A_255, %dma_wait3A_256] : memref<2048x2048x64xf32, #tpu.memory_space<hbm>> -> memref<1x512x64xf32, #tpu.memory_space<hbm>>
    %dma_wait3A_258 = tpu.memref_squeeze %dma_wait3A_257 : memref<1x512x64xf32, #tpu.memory_space<hbm>> -> memref<512x64xf32, #tpu.memory_space<hbm>>
    %dma_wait3A_259 = arith.constant 0 : i32
    %dma_wait3A_260 = arith.constant 0 : i32
    %dma_wait3A_261 = tpu.memref_slice %arg3[%dma_wait3A_251, %dma_wait3A_259, %dma_wait3A_260] : memref<2048x2048x64xf32, #tpu.memory_space<hbm>> -> memref<1x512x64xf32, #tpu.memory_space<hbm>>
    %dma_wait3A_262 = tpu.memref_squeeze %dma_wait3A_261 : memref<1x512x64xf32, #tpu.memory_space<hbm>> -> memref<512x64xf32, #tpu.memory_space<hbm>>
    %dma_wait3A_263 = arith.constant 0 : i32
    %dma_wait3A_264 = arith.constant 0 : i32
    %dma_wait3A_265 = tpu.memref_slice %arg5[%dma_wait3A_263, %dma_wait3A_264] : memref<576x64xf32, #tpu.memory_space<vmem>> -> memref<512x64xf32, #tpu.memory_space<vmem>>
    tpu.wait_dma2 semaphore(%arg6 : memref<!tpu.dma_semaphore, #tpu.memory_space<semaphore_mem>>) src(%dma_wait3A_265 : memref<512x64xf32, #tpu.memory_space<vmem>>) dst(%dma_wait3A_262 : memref<512x64xf32, #tpu.memory_space<hbm>>)
    %dma_wait3A_266 = arith.constant 0 : i32
    %dma_wait3A_267 = arith.constant 0 : i32
    %dma_wait3A_268 = arith.constant 0 : i32
    %dma_wait3A_269 = tpu.memref_slice %arg5[%dma_wait3A_267, %dma_wait3A_268] : memref<576x64xf32, #tpu.memory_space<vmem>> -> memref<512x64xf32, #tpu.memory_space<vmem>>
    %dma_wait3A_270 = arith.constant 0 : i32
    %dma_wait3A_271 = arith.constant 0 : i32
    %dma_wait3A_272 = tpu.memref_slice %arg3[%dma_wait3A_266, %dma_wait3A_270, %dma_wait3A_271] : memref<2048x2048x64xf32, #tpu.memory_space<hbm>> -> memref<1x512x64xf32, #tpu.memory_space<hbm>>
    %dma_wait3A_273 = tpu.memref_squeeze %dma_wait3A_272 : memref<1x512x64xf32, #tpu.memory_space<hbm>> -> memref<512x64xf32, #tpu.memory_space<hbm>>
    %dma_wait3A_274 = arith.constant 0 : i32
    %dma_wait3A_275 = arith.constant 0 : i32
    %dma_wait3A_276 = tpu.memref_slice %arg3[%dma_wait3A_266, %dma_wait3A_274, %dma_wait3A_275] : memref<2048x2048x64xf32, #tpu.memory_space<hbm>> -> memref<1x512x64xf32, #tpu.memory_space<hbm>>
    %dma_wait3A_277 = tpu.memref_squeeze %dma_wait3A_276 : memref<1x512x64xf32, #tpu.memory_space<hbm>> -> memref<512x64xf32, #tpu.memory_space<hbm>>
    %dma_wait3A_278 = arith.constant 0 : i32
    %dma_wait3A_279 = arith.constant 0 : i32
    %dma_wait3A_280 = tpu.memref_slice %arg5[%dma_wait3A_278, %dma_wait3A_279] : memref<576x64xf32, #tpu.memory_space<vmem>> -> memref<512x64xf32, #tpu.memory_space<vmem>>
    tpu.wait_dma2 semaphore(%arg6 : memref<!tpu.dma_semaphore, #tpu.memory_space<semaphore_mem>>) src(%dma_wait3A_280 : memref<512x64xf32, #tpu.memory_space<vmem>>) dst(%dma_wait3A_277 : memref<512x64xf32, #tpu.memory_space<hbm>>)
    %dma_wait3A_281 = arith.constant 0 : i32
    %dma_wait3A_282 = arith.constant 0 : i32
    %dma_wait3A_283 = arith.constant 0 : i32
    %dma_wait3A_284 = tpu.memref_slice %arg5[%dma_wait3A_282, %dma_wait3A_283] : memref<576x64xf32, #tpu.memory_space<vmem>> -> memref<512x64xf32, #tpu.memory_space<vmem>>
    %dma_wait3A_285 = arith.constant 0 : i32
    %dma_wait3A_286 = arith.constant 0 : i32
    %dma_wait3A_287 = tpu.memref_slice %arg3[%dma_wait3A_281, %dma_wait3A_285, %dma_wait3A_286] : memref<2048x2048x64xf32, #tpu.memory_space<hbm>> -> memref<1x512x64xf32, #tpu.memory_space<hbm>>
    %dma_wait3A_288 = tpu.memref_squeeze %dma_wait3A_287 : memref<1x512x64xf32, #tpu.memory_space<hbm>> -> memref<512x64xf32, #tpu.memory_space<hbm>>
    %dma_wait3A_289 = arith.constant 0 : i32
    %dma_wait3A_290 = arith.constant 0 : i32
    %dma_wait3A_291 = tpu.memref_slice %arg3[%dma_wait3A_281, %dma_wait3A_289, %dma_wait3A_290] : memref<2048x2048x64xf32, #tpu.memory_space<hbm>> -> memref<1x512x64xf32, #tpu.memory_space<hbm>>
    %dma_wait3A_292 = tpu.memref_squeeze %dma_wait3A_291 : memref<1x512x64xf32, #tpu.memory_space<hbm>> -> memref<512x64xf32, #tpu.memory_space<hbm>>
    %dma_wait3A_293 = arith.constant 0 : i32
    %dma_wait3A_294 = arith.constant 0 : i32
    %dma_wait3A_295 = tpu.memref_slice %arg5[%dma_wait3A_293, %dma_wait3A_294] : memref<576x64xf32, #tpu.memory_space<vmem>> -> memref<512x64xf32, #tpu.memory_space<vmem>>
    tpu.wait_dma2 semaphore(%arg6 : memref<!tpu.dma_semaphore, #tpu.memory_space<semaphore_mem>>) src(%dma_wait3A_295 : memref<512x64xf32, #tpu.memory_space<vmem>>) dst(%dma_wait3A_292 : memref<512x64xf32, #tpu.memory_space<hbm>>)
    %dma_wait3A_296 = arith.constant 0 : i32
    %dma_wait3A_297 = arith.constant 0 : i32
    %dma_wait3A_298 = arith.constant 0 : i32
    %dma_wait3A_299 = tpu.memref_slice %arg5[%dma_wait3A_297, %dma_wait3A_298] : memref<576x64xf32, #tpu.memory_space<vmem>> -> memref<512x64xf32, #tpu.memory_space<vmem>>
    %dma_wait3A_300 = arith.constant 0 : i32
    %dma_wait3A_301 = arith.constant 0 : i32
    %dma_wait3A_302 = tpu.memref_slice %arg3[%dma_wait3A_296, %dma_wait3A_300, %dma_wait3A_301] : memref<2048x2048x64xf32, #tpu.memory_space<hbm>> -> memref<1x512x64xf32, #tpu.memory_space<hbm>>
    %dma_wait3A_303 = tpu.memref_squeeze %dma_wait3A_302 : memref<1x512x64xf32, #tpu.memory_space<hbm>> -> memref<512x64xf32, #tpu.memory_space<hbm>>
    %dma_wait3A_304 = arith.constant 0 : i32
    %dma_wait3A_305 = arith.constant 0 : i32
    %dma_wait3A_306 = tpu.memref_slice %arg3[%dma_wait3A_296, %dma_wait3A_304, %dma_wait3A_305] : memref<2048x2048x64xf32, #tpu.memory_space<hbm>> -> memref<1x512x64xf32, #tpu.memory_space<hbm>>
    %dma_wait3A_307 = tpu.memref_squeeze %dma_wait3A_306 : memref<1x512x64xf32, #tpu.memory_space<hbm>> -> memref<512x64xf32, #tpu.memory_space<hbm>>
    %dma_wait3A_308 = arith.constant 0 : i32
    %dma_wait3A_309 = arith.constant 0 : i32
    %dma_wait3A_310 = tpu.memref_slice %arg5[%dma_wait3A_308, %dma_wait3A_309] : memref<576x64xf32, #tpu.memory_space<vmem>> -> memref<512x64xf32, #tpu.memory_space<vmem>>
    tpu.wait_dma2 semaphore(%arg6 : memref<!tpu.dma_semaphore, #tpu.memory_space<semaphore_mem>>) src(%dma_wait3A_310 : memref<512x64xf32, #tpu.memory_space<vmem>>) dst(%dma_wait3A_307 : memref<512x64xf32, #tpu.memory_space<hbm>>)
    %dma_wait3A_311 = arith.constant 0 : i32
    %dma_wait3A_312 = arith.constant 0 : i32
    %dma_wait3A_313 = arith.constant 0 : i32
    %dma_wait3A_314 = tpu.memref_slice %arg5[%dma_wait3A_312, %dma_wait3A_313] : memref<576x64xf32, #tpu.memory_space<vmem>> -> memref<512x64xf32, #tpu.memory_space<vmem>>
    %dma_wait3A_315 = arith.constant 0 : i32
    %dma_wait3A_316 = arith.constant 0 : i32
    %dma_wait3A_317 = tpu.memref_slice %arg3[%dma_wait3A_311, %dma_wait3A_315, %dma_wait3A_316] : memref<2048x2048x64xf32, #tpu.memory_space<hbm>> -> memref<1x512x64xf32, #tpu.memory_space<hbm>>
    %dma_wait3A_318 = tpu.memref_squeeze %dma_wait3A_317 : memref<1x512x64xf32, #tpu.memory_space<hbm>> -> memref<512x64xf32, #tpu.memory_space<hbm>>
    %dma_wait3A_319 = arith.constant 0 : i32
    %dma_wait3A_320 = arith.constant 0 : i32
    %dma_wait3A_321 = tpu.memref_slice %arg3[%dma_wait3A_311, %dma_wait3A_319, %dma_wait3A_320] : memref<2048x2048x64xf32, #tpu.memory_space<hbm>> -> memref<1x512x64xf32, #tpu.memory_space<hbm>>
    %dma_wait3A_322 = tpu.memref_squeeze %dma_wait3A_321 : memref<1x512x64xf32, #tpu.memory_space<hbm>> -> memref<512x64xf32, #tpu.memory_space<hbm>>
    %dma_wait3A_323 = arith.constant 0 : i32
    %dma_wait3A_324 = arith.constant 0 : i32
    %dma_wait3A_325 = tpu.memref_slice %arg5[%dma_wait3A_323, %dma_wait3A_324] : memref<576x64xf32, #tpu.memory_space<vmem>> -> memref<512x64xf32, #tpu.memory_space<vmem>>
    tpu.wait_dma2 semaphore(%arg6 : memref<!tpu.dma_semaphore, #tpu.memory_space<semaphore_mem>>) src(%dma_wait3A_325 : memref<512x64xf32, #tpu.memory_space<vmem>>) dst(%dma_wait3A_322 : memref<512x64xf32, #tpu.memory_space<hbm>>)
    %add3A_326 = arith.constant 64 : i32
    %add3A_327 = arith.addi %mul3A_2, %add3A_326 : i32
    %sub3A_328 = arith.constant 1 : i32
    %sub3A_329 = arith.subi %add3A_327, %sub3A_328 : i32
    %sub3A_330 = arith.constant 2559 : i32
    %sub3A_331 = arith.subi %sub3A_330, %sub3A_329 : i32
    %sub3A_332 = arith.constant 1919 : i32
    %sub3A_333 = arith.subi %sub3A_332, %sub3A_331 : i32
    %jit3A_334 = arith.constant 0 : i32
    %jit3A_335 = arith.constant 576 : i32
    %max3A_336 = arith.maxsi %jit3A_334, %sub3A_333 : i32
    %min3A_337 = arith.minsi %jit3A_335, %max3A_336 : i32
    %add3A_338 = arith.constant 257 : i32
    %add3A_339 = arith.addi %sub3A_333, %add3A_338 : i32
    %jit3A_340 = arith.constant 0 : i32
    %jit3A_341 = arith.constant 576 : i32
    %max3A_342 = arith.maxsi %jit3A_340, %add3A_339 : i32
    %min3A_343 = arith.minsi %jit3A_341, %max3A_342 : i32
    %while3A_344 = arith.constant 0 : i32
    %while3A_345 = arith.constant 0 : i32
    %while3A_346 = arith.subi %min3A_337, %while3A_344 : i32
    %while3A_347 = arith.addi %while3A_344, %while3A_346 : i32
    %while3A_348 = arith.constant 1 : i32
    %while3A_349 = arith.divsi %while3A_346, %while3A_348 : i32
    %while3A_350 = arith.muli %while3A_349, %while3A_348 : i32
    %while3A_351 = arith.addi %while3A_344, %while3A_350 : i32
    %while3A_352 = arith.constant 1 : i32
    %while3A_353 = scf.for %while3A_1250 = %while3A_344 to %while3A_351 step %while3A_352 iter_args(%while3A_1251 = %while3A_345) -> (i32)  : i32 {
      %swap3A = arith.index_cast %while3A_1250 : i32 to index
      %swap3A_1252 = arith.constant 0 : index
      %swap3A_1253 = tpu.vector_load %arg5[%swap3A, %swap3A_1252] {strides = array<i32>} : memref<576x64xf32, #tpu.memory_space<vmem>>, vector<1x16xf32>,
      %swap3A_1254 = vector.shape_cast %swap3A_1253 : vector<1x16xf32> to vector<16xf32>
      %swap3A_1255 = vector.shape_cast %get3A_4 : vector<16xf32> to vector<1x16xf32>
      tpu.vector_store %arg5[%swap3A, %swap3A_1252], %swap3A_1255 {strides = array<i32>} : memref<576x64xf32, #tpu.memory_space<vmem>>, vector<1x16xf32>,
      %swap3A_1256 = arith.index_cast %while3A_1250 : i32 to index
      %swap3A_1257 = arith.constant 16 : index
      %swap3A_1258 = tpu.vector_load %arg5[%swap3A_1256, %swap3A_1257] {strides = array<i32>} : memref<576x64xf32, #tpu.memory_space<vmem>>, vector<1x16xf32>,
      %swap3A_1259 = vector.shape_cast %swap3A_1258 : vector<1x16xf32> to vector<16xf32>
      %swap3A_1260 = vector.shape_cast %get3A_7 : vector<16xf32> to vector<1x16xf32>
      tpu.vector_store %arg5[%swap3A_1256, %swap3A_1257], %swap3A_1260 {strides = array<i32>} : memref<576x64xf32, #tpu.memory_space<vmem>>, vector<1x16xf32>,
      %swap3A_1261 = arith.index_cast %while3A_1250 : i32 to index
      %swap3A_1262 = arith.constant 32 : index
      %swap3A_1263 = tpu.vector_load %arg5[%swap3A_1261, %swap3A_1262] {strides = array<i32>} : memref<576x64xf32, #tpu.memory_space<vmem>>, vector<1x16xf32>,
      %swap3A_1264 = vector.shape_cast %swap3A_1263 : vector<1x16xf32> to vector<16xf32>
      %swap3A_1265 = vector.shape_cast %get3A_10 : vector<16xf32> to vector<1x16xf32>
      tpu.vector_store %arg5[%swap3A_1261, %swap3A_1262], %swap3A_1265 {strides = array<i32>} : memref<576x64xf32, #tpu.memory_space<vmem>>, vector<1x16xf32>,
      %swap3A_1266 = arith.index_cast %while3A_1250 : i32 to index
      %swap3A_1267 = arith.constant 48 : index
      %swap3A_1268 = tpu.vector_load %arg5[%swap3A_1266, %swap3A_1267] {strides = array<i32>} : memref<576x64xf32, #tpu.memory_space<vmem>>, vector<1x16xf32>,
      %swap3A_1269 = vector.shape_cast %swap3A_1268 : vector<1x16xf32> to vector<16xf32>
      %swap3A_1270 = vector.shape_cast %get3A_13 : vector<16xf32> to vector<1x16xf32>
      tpu.vector_store %arg5[%swap3A_1266, %swap3A_1267], %swap3A_1270 {strides = array<i32>} : memref<576x64xf32, #tpu.memory_space<vmem>>, vector<1x16xf32>,
      %while3A_1271 = arith.constant 0 : i32
      scf.yield %while3A_1271 : i32
    }
    %while3A_354 = arith.constant 1 : i32
    %while3A_355 = scf.for %while3A_1250 = %while3A_351 to %while3A_347 step %while3A_354 iter_args(%while3A_1251 = %while3A_353) -> (i32)  : i32 {
      %swap3A = arith.index_cast %while3A_1250 : i32 to index
      %swap3A_1252 = arith.constant 0 : index
      %swap3A_1253 = tpu.vector_load %arg5[%swap3A, %swap3A_1252] {strides = array<i32>} : memref<576x64xf32, #tpu.memory_space<vmem>>, vector<1x16xf32>,
      %swap3A_1254 = vector.shape_cast %swap3A_1253 : vector<1x16xf32> to vector<16xf32>
      %swap3A_1255 = vector.shape_cast %get3A_4 : vector<16xf32> to vector<1x16xf32>
      tpu.vector_store %arg5[%swap3A, %swap3A_1252], %swap3A_1255 {strides = array<i32>} : memref<576x64xf32, #tpu.memory_space<vmem>>, vector<1x16xf32>,
      %swap3A_1256 = arith.index_cast %while3A_1250 : i32 to index
      %swap3A_1257 = arith.constant 16 : index
      %swap3A_1258 = tpu.vector_load %arg5[%swap3A_1256, %swap3A_1257] {strides = array<i32>} : memref<576x64xf32, #tpu.memory_space<vmem>>, vector<1x16xf32>,
      %swap3A_1259 = vector.shape_cast %swap3A_1258 : vector<1x16xf32> to vector<16xf32>
      %swap3A_1260 = vector.shape_cast %get3A_7 : vector<16xf32> to vector<1x16xf32>
      tpu.vector_store %arg5[%swap3A_1256, %swap3A_1257], %swap3A_1260 {strides = array<i32>} : memref<576x64xf32, #tpu.memory_space<vmem>>, vector<1x16xf32>,
      %swap3A_1261 = arith.index_cast %while3A_1250 : i32 to index
      %swap3A_1262 = arith.constant 32 : index
      %swap3A_1263 = tpu.vector_load %arg5[%swap3A_1261, %swap3A_1262] {strides = array<i32>} : memref<576x64xf32, #tpu.memory_space<vmem>>, vector<1x16xf32>,
      %swap3A_1264 = vector.shape_cast %swap3A_1263 : vector<1x16xf32> to vector<16xf32>
      %swap3A_1265 = vector.shape_cast %get3A_10 : vector<16xf32> to vector<1x16xf32>
      tpu.vector_store %arg5[%swap3A_1261, %swap3A_1262], %swap3A_1265 {strides = array<i32>} : memref<576x64xf32, #tpu.memory_space<vmem>>, vector<1x16xf32>,
      %swap3A_1266 = arith.index_cast %while3A_1250 : i32 to index
      %swap3A_1267 = arith.constant 48 : index
      %swap3A_1268 = tpu.vector_load %arg5[%swap3A_1266, %swap3A_1267] {strides = array<i32>} : memref<576x64xf32, #tpu.memory_space<vmem>>, vector<1x16xf32>,
      %swap3A_1269 = vector.shape_cast %swap3A_1268 : vector<1x16xf32> to vector<16xf32>
      %swap3A_1270 = vector.shape_cast %get3A_13 : vector<16xf32> to vector<1x16xf32>
      tpu.vector_store %arg5[%swap3A_1266, %swap3A_1267], %swap3A_1270 {strides = array<i32>} : memref<576x64xf32, #tpu.memory_space<vmem>>, vector<1x16xf32>,
      %while3A_1271 = arith.constant 0 : i32
      scf.yield %while3A_1271 : i32
    }
    %while3A_356 = arith.constant 576 : i32
    %while3A_357 = arith.constant 0 : i32
    %while3A_358 = arith.subi %while3A_356, %min3A_343 : i32
    %while3A_359 = arith.addi %min3A_343, %while3A_358 : i32
    %while3A_360 = arith.constant 1 : i32
    %while3A_361 = arith.divsi %while3A_358, %while3A_360 : i32
    %while3A_362 = arith.muli %while3A_361, %while3A_360 : i32
    %while3A_363 = arith.addi %min3A_343, %while3A_362 : i32
    %while3A_364 = arith.constant 1 : i32
    %while3A_365 = scf.for %while3A_1250 = %min3A_343 to %while3A_363 step %while3A_364 iter_args(%while3A_1251 = %while3A_357) -> (i32)  : i32 {
      %swap3A = arith.index_cast %while3A_1250 : i32 to index
      %swap3A_1252 = arith.constant 0 : index
      %swap3A_1253 = tpu.vector_load %arg5[%swap3A, %swap3A_1252] {strides = array<i32>} : memref<576x64xf32, #tpu.memory_space<vmem>>, vector<1x16xf32>,
      %swap3A_1254 = vector.shape_cast %swap3A_1253 : vector<1x16xf32> to vector<16xf32>
      %swap3A_1255 = vector.shape_cast %get3A_16 : vector<16xf32> to vector<1x16xf32>
      tpu.vector_store %arg5[%swap3A, %swap3A_1252], %swap3A_1255 {strides = array<i32>} : memref<576x64xf32, #tpu.memory_space<vmem>>, vector<1x16xf32>,
      %swap3A_1256 = arith.index_cast %while3A_1250 : i32 to index
      %swap3A_1257 = arith.constant 16 : index
      %swap3A_1258 = tpu.vector_load %arg5[%swap3A_1256, %swap3A_1257] {strides = array<i32>} : memref<576x64xf32, #tpu.memory_space<vmem>>, vector<1x16xf32>,
      %swap3A_1259 = vector.shape_cast %swap3A_1258 : vector<1x16xf32> to vector<16xf32>
      %swap3A_1260 = vector.shape_cast %get3A_19 : vector<16xf32> to vector<1x16xf32>
      tpu.vector_store %arg5[%swap3A_1256, %swap3A_1257], %swap3A_1260 {strides = array<i32>} : memref<576x64xf32, #tpu.memory_space<vmem>>, vector<1x16xf32>,
      %swap3A_1261 = arith.index_cast %while3A_1250 : i32 to index
      %swap3A_1262 = arith.constant 32 : index
      %swap3A_1263 = tpu.vector_load %arg5[%swap3A_1261, %swap3A_1262] {strides = array<i32>} : memref<576x64xf32, #tpu.memory_space<vmem>>, vector<1x16xf32>,
      %swap3A_1264 = vector.shape_cast %swap3A_1263 : vector<1x16xf32> to vector<16xf32>
      %swap3A_1265 = vector.shape_cast %get3A_22 : vector<16xf32> to vector<1x16xf32>
      tpu.vector_store %arg5[%swap3A_1261, %swap3A_1262], %swap3A_1265 {strides = array<i32>} : memref<576x64xf32, #tpu.memory_space<vmem>>, vector<1x16xf32>,
      %swap3A_1266 = arith.index_cast %while3A_1250 : i32 to index
      %swap3A_1267 = arith.constant 48 : index
      %swap3A_1268 = tpu.vector_load %arg5[%swap3A_1266, %swap3A_1267] {strides = array<i32>} : memref<576x64xf32, #tpu.memory_space<vmem>>, vector<1x16xf32>,
      %swap3A_1269 = vector.shape_cast %swap3A_1268 : vector<1x16xf32> to vector<16xf32>
      %swap3A_1270 = vector.shape_cast %get3A_25 : vector<16xf32> to vector<1x16xf32>
      tpu.vector_store %arg5[%swap3A_1266, %swap3A_1267], %swap3A_1270 {strides = array<i32>} : memref<576x64xf32, #tpu.memory_space<vmem>>, vector<1x16xf32>,
      %while3A_1271 = arith.constant 0 : i32
      scf.yield %while3A_1271 : i32
    }
    %while3A_366 = arith.constant 1 : i32
    %while3A_367 = scf.for %while3A_1250 = %while3A_363 to %while3A_359 step %while3A_366 iter_args(%while3A_1251 = %while3A_365) -> (i32)  : i32 {
      %swap3A = arith.index_cast %while3A_1250 : i32 to index
      %swap3A_1252 = arith.constant 0 : index
      %swap3A_1253 = tpu.vector_load %arg5[%swap3A, %swap3A_1252] {strides = array<i32>} : memref<576x64xf32, #tpu.memory_space<vmem>>, vector<1x16xf32>,
      %swap3A_1254 = vector.shape_cast %swap3A_1253 : vector<1x16xf32> to vector<16xf32>
      %swap3A_1255 = vector.shape_cast %get3A_16 : vector<16xf32> to vector<1x16xf32>
      tpu.vector_store %arg5[%swap3A, %swap3A_1252], %swap3A_1255 {strides = array<i32>} : memref<576x64xf32, #tpu.memory_space<vmem>>, vector<1x16xf32>,
      %swap3A_1256 = arith.index_cast %while3A_1250 : i32 to index
      %swap3A_1257 = arith.constant 16 : index
      %swap3A_1258 = tpu.vector_load %arg5[%swap3A_1256, %swap3A_1257] {strides = array<i32>} : memref<576x64xf32, #tpu.memory_space<vmem>>, vector<1x16xf32>,
      %swap3A_1259 = vector.shape_cast %swap3A_1258 : vector<1x16xf32> to vector<16xf32>
      %swap3A_1260 = vector.shape_cast %get3A_19 : vector<16xf32> to vector<1x16xf32>
      tpu.vector_store %arg5[%swap3A_1256, %swap3A_1257], %swap3A_1260 {strides = array<i32>} : memref<576x64xf32, #tpu.memory_space<vmem>>, vector<1x16xf32>,
      %swap3A_1261 = arith.index_cast %while3A_1250 : i32 to index
      %swap3A_1262 = arith.constant 32 : index
      %swap3A_1263 = tpu.vector_load %arg5[%swap3A_1261, %swap3A_1262] {strides = array<i32>} : memref<576x64xf32, #tpu.memory_space<vmem>>, vector<1x16xf32>,
      %swap3A_1264 = vector.shape_cast %swap3A_1263 : vector<1x16xf32> to vector<16xf32>
      %swap3A_1265 = vector.shape_cast %get3A_22 : vector<16xf32> to vector<1x16xf32>
      tpu.vector_store %arg5[%swap3A_1261, %swap3A_1262], %swap3A_1265 {strides = array<i32>} : memref<576x64xf32, #tpu.memory_space<vmem>>, vector<1x16xf32>,
      %swap3A_1266 = arith.index_cast %while3A_1250 : i32 to index
      %swap3A_1267 = arith.constant 48 : index
      %swap3A_1268 = tpu.vector_load %arg5[%swap3A_1266, %swap3A_1267] {strides = array<i32>} : memref<576x64xf32, #tpu.memory_space<vmem>>, vector<1x16xf32>,
      %swap3A_1269 = vector.shape_cast %swap3A_1268 : vector<1x16xf32> to vector<16xf32>
      %swap3A_1270 = vector.shape_cast %get3A_25 : vector<16xf32> to vector<1x16xf32>
      tpu.vector_store %arg5[%swap3A_1266, %swap3A_1267], %swap3A_1270 {strides = array<i32>} : memref<576x64xf32, #tpu.memory_space<vmem>>, vector<1x16xf32>,
      %while3A_1271 = arith.constant 0 : i32
      scf.yield %while3A_1271 : i32
    }
    %while3A_368 = arith.constant 0 : i32
    %while3A_369 = arith.subi %min3A_343, %min3A_337 : i32
    %while3A_370 = arith.addi %min3A_337, %while3A_369 : i32
    %while3A_371 = arith.constant 1 : i32
    %while3A_372 = arith.divsi %while3A_369, %while3A_371 : i32
    %while3A_373 = arith.muli %while3A_372, %while3A_371 : i32
    %while3A_374 = arith.addi %min3A_337, %while3A_373 : i32
    %while3A_375 = arith.constant 1 : i32
    %while3A_376 = scf.for %while3A_1250 = %min3A_337 to %while3A_374 step %while3A_375 iter_args(%while3A_1251 = %while3A_368) -> (i32)  : i32 {
      %sub3A_1252 = arith.subi %while3A_1250, %sub3A_333 : i32
      %mul3A_1253 = arith.constant 64 : i32
      %mul3A_1254 = arith.muli %sub3A_1252, %mul3A_1253 : i32
      %add3A_1255 = arith.constant 0 : i32
      %add3A_1256 = arith.addi %mul3A_1254, %add3A_1255 : i32
      %get3A_1257 = arith.index_cast %add3A_1256 : i32 to index
      %get3A_1258 = tpu.vector_load %arg4[%get3A_1257] {strides = array<i32>} : memref<16448xf32, #tpu.memory_space<vmem>>, vector<16xf32>,
      %get3A_1259 = vector.shape_cast %get3A_1258 : vector<16xf32> to vector<16xf32>
      %swap3A = arith.index_cast %while3A_1250 : i32 to index
      %swap3A_1260 = arith.constant 0 : index
      %swap3A_1261 = tpu.vector_load %arg5[%swap3A, %swap3A_1260] {strides = array<i32>} : memref<576x64xf32, #tpu.memory_space<vmem>>, vector<1x16xf32>,
      %swap3A_1262 = vector.shape_cast %swap3A_1261 : vector<1x16xf32> to vector<16xf32>
      %swap3A_1263 = vector.shape_cast %get3A_1259 : vector<16xf32> to vector<1x16xf32>
      tpu.vector_store %arg5[%swap3A, %swap3A_1260], %swap3A_1263 {strides = array<i32>} : memref<576x64xf32, #tpu.memory_space<vmem>>, vector<1x16xf32>,
      %sub3A_1264 = arith.subi %while3A_1250, %sub3A_333 : i32
      %mul3A_1265 = arith.constant 64 : i32
      %mul3A_1266 = arith.muli %sub3A_1264, %mul3A_1265 : i32
      %add3A_1267 = arith.constant 16 : i32
      %add3A_1268 = arith.addi %mul3A_1266, %add3A_1267 : i32
      %get3A_1269 = arith.index_cast %add3A_1268 : i32 to index
      %get3A_1270 = tpu.vector_load %arg4[%get3A_1269] {strides = array<i32>} : memref<16448xf32, #tpu.memory_space<vmem>>, vector<16xf32>,
      %get3A_1271 = vector.shape_cast %get3A_1270 : vector<16xf32> to vector<16xf32>
      %swap3A_1272 = arith.index_cast %while3A_1250 : i32 to index
      %swap3A_1273 = arith.constant 16 : index
      %swap3A_1274 = tpu.vector_load %arg5[%swap3A_1272, %swap3A_1273] {strides = array<i32>} : memref<576x64xf32, #tpu.memory_space<vmem>>, vector<1x16xf32>,
      %swap3A_1275 = vector.shape_cast %swap3A_1274 : vector<1x16xf32> to vector<16xf32>
      %swap3A_1276 = vector.shape_cast %get3A_1271 : vector<16xf32> to vector<1x16xf32>
      tpu.vector_store %arg5[%swap3A_1272, %swap3A_1273], %swap3A_1276 {strides = array<i32>} : memref<576x64xf32, #tpu.memory_space<vmem>>, vector<1x16xf32>,
      %sub3A_1277 = arith.subi %while3A_1250, %sub3A_333 : i32
      %mul3A_1278 = arith.constant 64 : i32
      %mul3A_1279 = arith.muli %sub3A_1277, %mul3A_1278 : i32
      %add3A_1280 = arith.constant 32 : i32
      %add3A_1281 = arith.addi %mul3A_1279, %add3A_1280 : i32
      %get3A_1282 = arith.index_cast %add3A_1281 : i32 to index
      %get3A_1283 = tpu.vector_load %arg4[%get3A_1282] {strides = array<i32>} : memref<16448xf32, #tpu.memory_space<vmem>>, vector<16xf32>,
      %get3A_1284 = vector.shape_cast %get3A_1283 : vector<16xf32> to vector<16xf32>
      %swap3A_1285 = arith.index_cast %while3A_1250 : i32 to index
      %swap3A_1286 = arith.constant 32 : index
      %swap3A_1287 = tpu.vector_load %arg5[%swap3A_1285, %swap3A_1286] {strides = array<i32>} : memref<576x64xf32, #tpu.memory_space<vmem>>, vector<1x16xf32>,
      %swap3A_1288 = vector.shape_cast %swap3A_1287 : vector<1x16xf32> to vector<16xf32>
      %swap3A_1289 = vector.shape_cast %get3A_1284 : vector<16xf32> to vector<1x16xf32>
      tpu.vector_store %arg5[%swap3A_1285, %swap3A_1286], %swap3A_1289 {strides = array<i32>} : memref<576x64xf32, #tpu.memory_space<vmem>>, vector<1x16xf32>,
      %sub3A_1290 = arith.subi %while3A_1250, %sub3A_333 : i32
      %mul3A_1291 = arith.constant 64 : i32
      %mul3A_1292 = arith.muli %sub3A_1290, %mul3A_1291 : i32
      %add3A_1293 = arith.constant 48 : i32
      %add3A_1294 = arith.addi %mul3A_1292, %add3A_1293 : i32
      %get3A_1295 = arith.index_cast %add3A_1294 : i32 to index
      %get3A_1296 = tpu.vector_load %arg4[%get3A_1295] {strides = array<i32>} : memref<16448xf32, #tpu.memory_space<vmem>>, vector<16xf32>,
      %get3A_1297 = vector.shape_cast %get3A_1296 : vector<16xf32> to vector<16xf32>
      %swap3A_1298 = arith.index_cast %while3A_1250 : i32 to index
      %swap3A_1299 = arith.constant 48 : index
      %swap3A_1300 = tpu.vector_load %arg5[%swap3A_1298, %swap3A_1299] {strides = array<i32>} : memref<576x64xf32, #tpu.memory_space<vmem>>, vector<1x16xf32>,
      %swap3A_1301 = vector.shape_cast %swap3A_1300 : vector<1x16xf32> to vector<16xf32>
      %swap3A_1302 = vector.shape_cast %get3A_1297 : vector<16xf32> to vector<1x16xf32>
      tpu.vector_store %arg5[%swap3A_1298, %swap3A_1299], %swap3A_1302 {strides = array<i32>} : memref<576x64xf32, #tpu.memory_space<vmem>>, vector<1x16xf32>,
      %while3A_1303 = arith.constant 0 : i32
      scf.yield %while3A_1303 : i32
    }
    %while3A_377 = arith.constant 1 : i32
    %while3A_378 = scf.for %while3A_1250 = %while3A_374 to %while3A_370 step %while3A_377 iter_args(%while3A_1251 = %while3A_376) -> (i32)  : i32 {
      %sub3A_1252 = arith.subi %while3A_1250, %sub3A_333 : i32
      %mul3A_1253 = arith.constant 64 : i32
      %mul3A_1254 = arith.muli %sub3A_1252, %mul3A_1253 : i32
      %add3A_1255 = arith.constant 0 : i32
      %add3A_1256 = arith.addi %mul3A_1254, %add3A_1255 : i32
      %get3A_1257 = arith.index_cast %add3A_1256 : i32 to index
      %get3A_1258 = tpu.vector_load %arg4[%get3A_1257] {strides = array<i32>} : memref<16448xf32, #tpu.memory_space<vmem>>, vector<16xf32>,
      %get3A_1259 = vector.shape_cast %get3A_1258 : vector<16xf32> to vector<16xf32>
      %swap3A = arith.index_cast %while3A_1250 : i32 to index
      %swap3A_1260 = arith.constant 0 : index
      %swap3A_1261 = tpu.vector_load %arg5[%swap3A, %swap3A_1260] {strides = array<i32>} : memref<576x64xf32, #tpu.memory_space<vmem>>, vector<1x16xf32>,
      %swap3A_1262 = vector.shape_cast %swap3A_1261 : vector<1x16xf32> to vector<16xf32>
      %swap3A_1263 = vector.shape_cast %get3A_1259 : vector<16xf32> to vector<1x16xf32>
      tpu.vector_store %arg5[%swap3A, %swap3A_1260], %swap3A_1263 {strides = array<i32>} : memref<576x64xf32, #tpu.memory_space<vmem>>, vector<1x16xf32>,
      %sub3A_1264 = arith.subi %while3A_1250, %sub3A_333 : i32
      %mul3A_1265 = arith.constant 64 : i32
      %mul3A_1266 = arith.muli %sub3A_1264, %mul3A_1265 : i32
      %add3A_1267 = arith.constant 16 : i32
      %add3A_1268 = arith.addi %mul3A_1266, %add3A_1267 : i32
      %get3A_1269 = arith.index_cast %add3A_1268 : i32 to index
      %get3A_1270 = tpu.vector_load %arg4[%get3A_1269] {strides = array<i32>} : memref<16448xf32, #tpu.memory_space<vmem>>, vector<16xf32>,
      %get3A_1271 = vector.shape_cast %get3A_1270 : vector<16xf32> to vector<16xf32>
      %swap3A_1272 = arith.index_cast %while3A_1250 : i32 to index
      %swap3A_1273 = arith.constant 16 : index
      %swap3A_1274 = tpu.vector_load %arg5[%swap3A_1272, %swap3A_1273] {strides = array<i32>} : memref<576x64xf32, #tpu.memory_space<vmem>>, vector<1x16xf32>,
      %swap3A_1275 = vector.shape_cast %swap3A_1274 : vector<1x16xf32> to vector<16xf32>
      %swap3A_1276 = vector.shape_cast %get3A_1271 : vector<16xf32> to vector<1x16xf32>
      tpu.vector_store %arg5[%swap3A_1272, %swap3A_1273], %swap3A_1276 {strides = array<i32>} : memref<576x64xf32, #tpu.memory_space<vmem>>, vector<1x16xf32>,
      %sub3A_1277 = arith.subi %while3A_1250, %sub3A_333 : i32
      %mul3A_1278 = arith.constant 64 : i32
      %mul3A_1279 = arith.muli %sub3A_1277, %mul3A_1278 : i32
      %add3A_1280 = arith.constant 32 : i32
      %add3A_1281 = arith.addi %mul3A_1279, %add3A_1280 : i32
      %get3A_1282 = arith.index_cast %add3A_1281 : i32 to index
      %get3A_1283 = tpu.vector_load %arg4[%get3A_1282] {strides = array<i32>} : memref<16448xf32, #tpu.memory_space<vmem>>, vector<16xf32>,
      %get3A_1284 = vector.shape_cast %get3A_1283 : vector<16xf32> to vector<16xf32>
      %swap3A_1285 = arith.index_cast %while3A_1250 : i32 to index
      %swap3A_1286 = arith.constant 32 : index
      %swap3A_1287 = tpu.vector_load %arg5[%swap3A_1285, %swap3A_1286] {strides = array<i32>} : memref<576x64xf32, #tpu.memory_space<vmem>>, vector<1x16xf32>,
      %swap3A_1288 = vector.shape_cast %swap3A_1287 : vector<1x16xf32> to vector<16xf32>
      %swap3A_1289 = vector.shape_cast %get3A_1284 : vector<16xf32> to vector<1x16xf32>
      tpu.vector_store %arg5[%swap3A_1285, %swap3A_1286], %swap3A_1289 {strides = array<i32>} : memref<576x64xf32, #tpu.memory_space<vmem>>, vector<1x16xf32>,
      %sub3A_1290 = arith.subi %while3A_1250, %sub3A_333 : i32
      %mul3A_1291 = arith.constant 64 : i32
      %mul3A_1292 = arith.muli %sub3A_1290, %mul3A_1291 : i32
      %add3A_1293 = arith.constant 48 : i32
      %add3A_1294 = arith.addi %mul3A_1292, %add3A_1293 : i32
      %get3A_1295 = arith.index_cast %add3A_1294 : i32 to index
      %get3A_1296 = tpu.vector_load %arg4[%get3A_1295] {strides = array<i32>} : memref<16448xf32, #tpu.memory_space<vmem>>, vector<16xf32>,
      %get3A_1297 = vector.shape_cast %get3A_1296 : vector<16xf32> to vector<16xf32>
      %swap3A_1298 = arith.index_cast %while3A_1250 : i32 to index
      %swap3A_1299 = arith.constant 48 : index
      %swap3A_1300 = tpu.vector_load %arg5[%swap3A_1298, %swap3A_1299] {strides = array<i32>} : memref<576x64xf32, #tpu.memory_space<vmem>>, vector<1x16xf32>,
      %swap3A_1301 = vector.shape_cast %swap3A_1300 : vector<1x16xf32> to vector<16xf32>
      %swap3A_1302 = vector.shape_cast %get3A_1297 : vector<16xf32> to vector<1x16xf32>
      tpu.vector_store %arg5[%swap3A_1298, %swap3A_1299], %swap3A_1302 {strides = array<i32>} : memref<576x64xf32, #tpu.memory_space<vmem>>, vector<1x16xf32>,
      %while3A_1303 = arith.constant 0 : i32
      scf.yield %while3A_1303 : i32
    }
    %add3A_379 = arith.constant 0 : i32
    %add3A_380 = arith.addi %mul3A_2, %add3A_379 : i32
    %dma_start3A_381 = arith.constant 63 : i32
    %dma_start3A_382 = arith.constant 0 : i32
    %dma_start3A_383 = tpu.memref_slice %arg5[%dma_start3A_381, %dma_start3A_382] : memref<576x64xf32, #tpu.memory_space<vmem>> -> memref<512x64xf32, #tpu.memory_space<vmem>>
    %dma_start3A_384 = arith.constant 512 : i32
    %dma_start3A_385 = arith.constant 0 : i32
    %dma_start3A_386 = tpu.memref_slice %arg3[%add3A_380, %dma_start3A_384, %dma_start3A_385] : memref<2048x2048x64xf32, #tpu.memory_space<hbm>> -> memref<1x512x64xf32, #tpu.memory_space<hbm>>
    %dma_start3A_387 = tpu.memref_squeeze %dma_start3A_386 : memref<1x512x64xf32, #tpu.memory_space<hbm>> -> memref<512x64xf32, #tpu.memory_space<hbm>>
    %dma_start3A_388 = arith.constant 512 : i32
    %dma_start3A_389 = arith.constant 0 : i32
    %dma_start3A_390 = tpu.memref_slice %arg3[%add3A_380, %dma_start3A_388, %dma_start3A_389] : memref<2048x2048x64xf32, #tpu.memory_space<hbm>> -> memref<1x512x64xf32, #tpu.memory_space<hbm>>
    %dma_start3A_391 = tpu.memref_squeeze %dma_start3A_390 : memref<1x512x64xf32, #tpu.memory_space<hbm>> -> memref<512x64xf32, #tpu.memory_space<hbm>>
    %dma_start3A_392 = arith.constant 63 : i32
    %dma_start3A_393 = arith.constant 0 : i32
    %dma_start3A_394 = tpu.memref_slice %arg5[%dma_start3A_392, %dma_start3A_393] : memref<576x64xf32, #tpu.memory_space<vmem>> -> memref<512x64xf32, #tpu.memory_space<vmem>>
    tpu.enqueue_dma source(%dma_start3A_394 : memref<512x64xf32, #tpu.memory_space<vmem>>) target(%dma_start3A_391 : memref<512x64xf32, #tpu.memory_space<hbm>>) target_semaphore(%arg6 : memref<!tpu.dma_semaphore, #tpu.memory_space<semaphore_mem>>)
    %add3A_395 = arith.constant 1 : i32
    %add3A_396 = arith.addi %mul3A_2, %add3A_395 : i32
    %dma_start3A_397 = arith.constant 62 : i32
    %dma_start3A_398 = arith.constant 0 : i32
    %dma_start3A_399 = tpu.memref_slice %arg5[%dma_start3A_397, %dma_start3A_398] : memref<576x64xf32, #tpu.memory_space<vmem>> -> memref<512x64xf32, #tpu.memory_space<vmem>>
    %dma_start3A_400 = arith.constant 512 : i32
    %dma_start3A_401 = arith.constant 0 : i32
    %dma_start3A_402 = tpu.memref_slice %arg3[%add3A_396, %dma_start3A_400, %dma_start3A_401] : memref<2048x2048x64xf32, #tpu.memory_space<hbm>> -> memref<1x512x64xf32, #tpu.memory_space<hbm>>
    %dma_start3A_403 = tpu.memref_squeeze %dma_start3A_402 : memref<1x512x64xf32, #tpu.memory_space<hbm>> -> memref<512x64xf32, #tpu.memory_space<hbm>>
    %dma_start3A_404 = arith.constant 512 : i32
    %dma_start3A_405 = arith.constant 0 : i32
    %dma_start3A_406 = tpu.memref_slice %arg3[%add3A_396, %dma_start3A_404, %dma_start3A_405] : memref<2048x2048x64xf32, #tpu.memory_space<hbm>> -> memref<1x512x64xf32, #tpu.memory_space<hbm>>
    %dma_start3A_407 = tpu.memref_squeeze %dma_start3A_406 : memref<1x512x64xf32, #tpu.memory_space<hbm>> -> memref<512x64xf32, #tpu.memory_space<hbm>>
    %dma_start3A_408 = arith.constant 62 : i32
    %dma_start3A_409 = arith.constant 0 : i32
    %dma_start3A_410 = tpu.memref_slice %arg5[%dma_start3A_408, %dma_start3A_409] : memref<576x64xf32, #tpu.memory_space<vmem>> -> memref<512x64xf32, #tpu.memory_space<vmem>>
    tpu.enqueue_dma source(%dma_start3A_410 : memref<512x64xf32, #tpu.memory_space<vmem>>) target(%dma_start3A_407 : memref<512x64xf32, #tpu.memory_space<hbm>>) target_semaphore(%arg6 : memref<!tpu.dma_semaphore, #tpu.memory_space<semaphore_mem>>)
    %add3A_411 = arith.constant 2 : i32
    %add3A_412 = arith.addi %mul3A_2, %add3A_411 : i32
    %dma_start3A_413 = arith.constant 61 : i32
    %dma_start3A_414 = arith.constant 0 : i32
    %dma_start3A_415 = tpu.memref_slice %arg5[%dma_start3A_413, %dma_start3A_414] : memref<576x64xf32, #tpu.memory_space<vmem>> -> memref<512x64xf32, #tpu.memory_space<vmem>>
    %dma_start3A_416 = arith.constant 512 : i32
    %dma_start3A_417 = arith.constant 0 : i32
    %dma_start3A_418 = tpu.memref_slice %arg3[%add3A_412, %dma_start3A_416, %dma_start3A_417] : memref<2048x2048x64xf32, #tpu.memory_space<hbm>> -> memref<1x512x64xf32, #tpu.memory_space<hbm>>
    %dma_start3A_419 = tpu.memref_squeeze %dma_start3A_418 : memref<1x512x64xf32, #tpu.memory_space<hbm>> -> memref<512x64xf32, #tpu.memory_space<hbm>>
    %dma_start3A_420 = arith.constant 512 : i32
    %dma_start3A_421 = arith.constant 0 : i32
    %dma_start3A_422 = tpu.memref_slice %arg3[%add3A_412, %dma_start3A_420, %dma_start3A_421] : memref<2048x2048x64xf32, #tpu.memory_space<hbm>> -> memref<1x512x64xf32, #tpu.memory_space<hbm>>
    %dma_start3A_423 = tpu.memref_squeeze %dma_start3A_422 : memref<1x512x64xf32, #tpu.memory_space<hbm>> -> memref<512x64xf32, #tpu.memory_space<hbm>>
    %dma_start3A_424 = arith.constant 61 : i32
    %dma_start3A_425 = arith.constant 0 : i32
    %dma_start3A_426 = tpu.memref_slice %arg5[%dma_start3A_424, %dma_start3A_425] : memref<576x64xf32, #tpu.memory_space<vmem>> -> memref<512x64xf32, #tpu.memory_space<vmem>>
    tpu.enqueue_dma source(%dma_start3A_426 : memref<512x64xf32, #tpu.memory_space<vmem>>) target(%dma_start3A_423 : memref<512x64xf32, #tpu.memory_space<hbm>>) target_semaphore(%arg6 : memref<!tpu.dma_semaphore, #tpu.memory_space<semaphore_mem>>)
    %add3A_427 = arith.constant 3 : i32
    %add3A_428 = arith.addi %mul3A_2, %add3A_427 : i32
    %dma_start3A_429 = arith.constant 60 : i32
    %dma_start3A_430 = arith.constant 0 : i32
    %dma_start3A_431 = tpu.memref_slice %arg5[%dma_start3A_429, %dma_start3A_430] : memref<576x64xf32, #tpu.memory_space<vmem>> -> memref<512x64xf32, #tpu.memory_space<vmem>>
    %dma_start3A_432 = arith.constant 512 : i32
    %dma_start3A_433 = arith.constant 0 : i32
    %dma_start3A_434 = tpu.memref_slice %arg3[%add3A_428, %dma_start3A_432, %dma_start3A_433] : memref<2048x2048x64xf32, #tpu.memory_space<hbm>> -> memref<1x512x64xf32, #tpu.memory_space<hbm>>
    %dma_start3A_435 = tpu.memref_squeeze %dma_start3A_434 : memref<1x512x64xf32, #tpu.memory_space<hbm>> -> memref<512x64xf32, #tpu.memory_space<hbm>>
    %dma_start3A_436 = arith.constant 512 : i32
    %dma_start3A_437 = arith.constant 0 : i32
    %dma_start3A_438 = tpu.memref_slice %arg3[%add3A_428, %dma_start3A_436, %dma_start3A_437] : memref<2048x2048x64xf32, #tpu.memory_space<hbm>> -> memref<1x512x64xf32, #tpu.memory_space<hbm>>
    %dma_start3A_439 = tpu.memref_squeeze %dma_start3A_438 : memref<1x512x64xf32, #tpu.memory_space<hbm>> -> memref<512x64xf32, #tpu.memory_space<hbm>>
    %dma_start3A_440 = arith.constant 60 : i32
    %dma_start3A_441 = arith.constant 0 : i32
    %dma_start3A_442 = tpu.memref_slice %arg5[%dma_start3A_440, %dma_start3A_441] : memref<576x64xf32, #tpu.memory_space<vmem>> -> memref<512x64xf32, #tpu.memory_space<vmem>>
    tpu.enqueue_dma source(%dma_start3A_442 : memref<512x64xf32, #tpu.memory_space<vmem>>) target(%dma_start3A_439 : memref<512x64xf32, #tpu.memory_space<hbm>>) target_semaphore(%arg6 : memref<!tpu.dma_semaphore, #tpu.memory_space<semaphore_mem>>)
    %add3A_443 = arith.constant 4 : i32
    %add3A_444 = arith.addi %mul3A_2, %add3A_443 : i32
    %dma_start3A_445 = arith.constant 59 : i32
    %dma_start3A_446 = arith.constant 0 : i32
    %dma_start3A_447 = tpu.memref_slice %arg5[%dma_start3A_445, %dma_start3A_446] : memref<576x64xf32, #tpu.memory_space<vmem>> -> memref<512x64xf32, #tpu.memory_space<vmem>>
    %dma_start3A_448 = arith.constant 512 : i32
    %dma_start3A_449 = arith.constant 0 : i32
    %dma_start3A_450 = tpu.memref_slice %arg3[%add3A_444, %dma_start3A_448, %dma_start3A_449] : memref<2048x2048x64xf32, #tpu.memory_space<hbm>> -> memref<1x512x64xf32, #tpu.memory_space<hbm>>
    %dma_start3A_451 = tpu.memref_squeeze %dma_start3A_450 : memref<1x512x64xf32, #tpu.memory_space<hbm>> -> memref<512x64xf32, #tpu.memory_space<hbm>>
    %dma_start3A_452 = arith.constant 512 : i32
    %dma_start3A_453 = arith.constant 0 : i32
    %dma_start3A_454 = tpu.memref_slice %arg3[%add3A_444, %dma_start3A_452, %dma_start3A_453] : memref<2048x2048x64xf32, #tpu.memory_space<hbm>> -> memref<1x512x64xf32, #tpu.memory_space<hbm>>
    %dma_start3A_455 = tpu.memref_squeeze %dma_start3A_454 : memref<1x512x64xf32, #tpu.memory_space<hbm>> -> memref<512x64xf32, #tpu.memory_space<hbm>>
    %dma_start3A_456 = arith.constant 59 : i32
    %dma_start3A_457 = arith.constant 0 : i32
    %dma_start3A_458 = tpu.memref_slice %arg5[%dma_start3A_456, %dma_start3A_457] : memref<576x64xf32, #tpu.memory_space<vmem>> -> memref<512x64xf32, #tpu.memory_space<vmem>>
    tpu.enqueue_dma source(%dma_start3A_458 : memref<512x64xf32, #tpu.memory_space<vmem>>) target(%dma_start3A_455 : memref<512x64xf32, #tpu.memory_space<hbm>>) target_semaphore(%arg6 : memref<!tpu.dma_semaphore, #tpu.memory_space<semaphore_mem>>)
    %add3A_459 = arith.constant 5 : i32
    %add3A_460 = arith.addi %mul3A_2, %add3A_459 : i32
    %dma_start3A_461 = arith.constant 58 : i32
    %dma_start3A_462 = arith.constant 0 : i32
    %dma_start3A_463 = tpu.memref_slice %arg5[%dma_start3A_461, %dma_start3A_462] : memref<576x64xf32, #tpu.memory_space<vmem>> -> memref<512x64xf32, #tpu.memory_space<vmem>>
    %dma_start3A_464 = arith.constant 512 : i32
    %dma_start3A_465 = arith.constant 0 : i32
    %dma_start3A_466 = tpu.memref_slice %arg3[%add3A_460, %dma_start3A_464, %dma_start3A_465] : memref<2048x2048x64xf32, #tpu.memory_space<hbm>> -> memref<1x512x64xf32, #tpu.memory_space<hbm>>
    %dma_start3A_467 = tpu.memref_squeeze %dma_start3A_466 : memref<1x512x64xf32, #tpu.memory_space<hbm>> -> memref<512x64xf32, #tpu.memory_space<hbm>>
    %dma_start3A_468 = arith.constant 512 : i32
    %dma_start3A_469 = arith.constant 0 : i32
    %dma_start3A_470 = tpu.memref_slice %arg3[%add3A_460, %dma_start3A_468, %dma_start3A_469] : memref<2048x2048x64xf32, #tpu.memory_space<hbm>> -> memref<1x512x64xf32, #tpu.memory_space<hbm>>
    %dma_start3A_471 = tpu.memref_squeeze %dma_start3A_470 : memref<1x512x64xf32, #tpu.memory_space<hbm>> -> memref<512x64xf32, #tpu.memory_space<hbm>>
    %dma_start3A_472 = arith.constant 58 : i32
    %dma_start3A_473 = arith.constant 0 : i32
    %dma_start3A_474 = tpu.memref_slice %arg5[%dma_start3A_472, %dma_start3A_473] : memref<576x64xf32, #tpu.memory_space<vmem>> -> memref<512x64xf32, #tpu.memory_space<vmem>>
    tpu.enqueue_dma source(%dma_start3A_474 : memref<512x64xf32, #tpu.memory_space<vmem>>) target(%dma_start3A_471 : memref<512x64xf32, #tpu.memory_space<hbm>>) target_semaphore(%arg6 : memref<!tpu.dma_semaphore, #tpu.memory_space<semaphore_mem>>)
    %add3A_475 = arith.constant 6 : i32
    %add3A_476 = arith.addi %mul3A_2, %add3A_475 : i32
    %dma_start3A_477 = arith.constant 57 : i32
    %dma_start3A_478 = arith.constant 0 : i32
    %dma_start3A_479 = tpu.memref_slice %arg5[%dma_start3A_477, %dma_start3A_478] : memref<576x64xf32, #tpu.memory_space<vmem>> -> memref<512x64xf32, #tpu.memory_space<vmem>>
    %dma_start3A_480 = arith.constant 512 : i32
    %dma_start3A_481 = arith.constant 0 : i32
    %dma_start3A_482 = tpu.memref_slice %arg3[%add3A_476, %dma_start3A_480, %dma_start3A_481] : memref<2048x2048x64xf32, #tpu.memory_space<hbm>> -> memref<1x512x64xf32, #tpu.memory_space<hbm>>
    %dma_start3A_483 = tpu.memref_squeeze %dma_start3A_482 : memref<1x512x64xf32, #tpu.memory_space<hbm>> -> memref<512x64xf32, #tpu.memory_space<hbm>>
    %dma_start3A_484 = arith.constant 512 : i32
    %dma_start3A_485 = arith.constant 0 : i32
    %dma_start3A_486 = tpu.memref_slice %arg3[%add3A_476, %dma_start3A_484, %dma_start3A_485] : memref<2048x2048x64xf32, #tpu.memory_space<hbm>> -> memref<1x512x64xf32, #tpu.memory_space<hbm>>
    %dma_start3A_487 = tpu.memref_squeeze %dma_start3A_486 : memref<1x512x64xf32, #tpu.memory_space<hbm>> -> memref<512x64xf32, #tpu.memory_space<hbm>>
    %dma_start3A_488 = arith.constant 57 : i32
    %dma_start3A_489 = arith.constant 0 : i32
    %dma_start3A_490 = tpu.memref_slice %arg5[%dma_start3A_488, %dma_start3A_489] : memref<576x64xf32, #tpu.memory_space<vmem>> -> memref<512x64xf32, #tpu.memory_space<vmem>>
    tpu.enqueue_dma source(%dma_start3A_490 : memref<512x64xf32, #tpu.memory_space<vmem>>) target(%dma_start3A_487 : memref<512x64xf32, #tpu.memory_space<hbm>>) target_semaphore(%arg6 : memref<!tpu.dma_semaphore, #tpu.memory_space<semaphore_mem>>)
    %add3A_491 = arith.constant 7 : i32
    %add3A_492 = arith.addi %mul3A_2, %add3A_491 : i32
    %dma_start3A_493 = arith.constant 56 : i32
    %dma_start3A_494 = arith.constant 0 : i32
    %dma_start3A_495 = tpu.memref_slice %arg5[%dma_start3A_493, %dma_start3A_494] : memref<576x64xf32, #tpu.memory_space<vmem>> -> memref<512x64xf32, #tpu.memory_space<vmem>>
    %dma_start3A_496 = arith.constant 512 : i32
    %dma_start3A_497 = arith.constant 0 : i32
    %dma_start3A_498 = tpu.memref_slice %arg3[%add3A_492, %dma_start3A_496, %dma_start3A_497] : memref<2048x2048x64xf32, #tpu.memory_space<hbm>> -> memref<1x512x64xf32, #tpu.memory_space<hbm>>
    %dma_start3A_499 = tpu.memref_squeeze %dma_start3A_498 : memref<1x512x64xf32, #tpu.memory_space<hbm>> -> memref<512x64xf32, #tpu.memory_space<hbm>>
    %dma_start3A_500 = arith.constant 512 : i32
    %dma_start3A_501 = arith.constant 0 : i32
    %dma_start3A_502 = tpu.memref_slice %arg3[%add3A_492, %dma_start3A_500, %dma_start3A_501] : memref<2048x2048x64xf32, #tpu.memory_space<hbm>> -> memref<1x512x64xf32, #tpu.memory_space<hbm>>
    %dma_start3A_503 = tpu.memref_squeeze %dma_start3A_502 : memref<1x512x64xf32, #tpu.memory_space<hbm>> -> memref<512x64xf32, #tpu.memory_space<hbm>>
    %dma_start3A_504 = arith.constant 56 : i32
    %dma_start3A_505 = arith.constant 0 : i32
    %dma_start3A_506 = tpu.memref_slice %arg5[%dma_start3A_504, %dma_start3A_505] : memref<576x64xf32, #tpu.memory_space<vmem>> -> memref<512x64xf32, #tpu.memory_space<vmem>>
    tpu.enqueue_dma source(%dma_start3A_506 : memref<512x64xf32, #tpu.memory_space<vmem>>) target(%dma_start3A_503 : memref<512x64xf32, #tpu.memory_space<hbm>>) target_semaphore(%arg6 : memref<!tpu.dma_semaphore, #tpu.memory_space<semaphore_mem>>)
    %scan3A_507 = arith.constant 0 : i32
    %scan3A_508 = arith.constant 0 : i32
    %scan3A_509 = arith.constant 56 : i32
    %scan3A_510 = arith.addi %scan3A_508, %scan3A_509 : i32
    %scan3A_511 = arith.constant 1 : i32
    %scan3A_512 = scf.for %scan3A_1250 = %scan3A_508 to %scan3A_510 step %scan3A_511 iter_args(%scan3A_1251 = %scan3A_507) -> (i32)  : i32 {
      %dma_wait3A_1252 = arith.constant 0 : i32
      %dma_wait3A_1253 = arith.constant 0 : i32
      %dma_wait3A_1254 = arith.constant 0 : i32
      %dma_wait3A_1255 = tpu.memref_slice %arg5[%dma_wait3A_1253, %dma_wait3A_1254] : memref<576x64xf32, #tpu.memory_space<vmem>> -> memref<512x64xf32, #tpu.memory_space<vmem>>
      %dma_wait3A_1256 = arith.constant 0 : i32
      %dma_wait3A_1257 = arith.constant 0 : i32
      %dma_wait3A_1258 = tpu.memref_slice %arg3[%dma_wait3A_1252, %dma_wait3A_1256, %dma_wait3A_1257] : memref<2048x2048x64xf32, #tpu.memory_space<hbm>> -> memref<1x512x64xf32, #tpu.memory_space<hbm>>
      %dma_wait3A_1259 = tpu.memref_squeeze %dma_wait3A_1258 : memref<1x512x64xf32, #tpu.memory_space<hbm>> -> memref<512x64xf32, #tpu.memory_space<hbm>>
      %dma_wait3A_1260 = arith.constant 0 : i32
      %dma_wait3A_1261 = arith.constant 0 : i32
      %dma_wait3A_1262 = tpu.memref_slice %arg3[%dma_wait3A_1252, %dma_wait3A_1260, %dma_wait3A_1261] : memref<2048x2048x64xf32, #tpu.memory_space<hbm>> -> memref<1x512x64xf32, #tpu.memory_space<hbm>>
      %dma_wait3A_1263 = tpu.memref_squeeze %dma_wait3A_1262 : memref<1x512x64xf32, #tpu.memory_space<hbm>> -> memref<512x64xf32, #tpu.memory_space<hbm>>
      %dma_wait3A_1264 = arith.constant 0 : i32
      %dma_wait3A_1265 = arith.constant 0 : i32
      %dma_wait3A_1266 = tpu.memref_slice %arg5[%dma_wait3A_1264, %dma_wait3A_1265] : memref<576x64xf32, #tpu.memory_space<vmem>> -> memref<512x64xf32, #tpu.memory_space<vmem>>
      tpu.wait_dma2 semaphore(%arg6 : memref<!tpu.dma_semaphore, #tpu.memory_space<semaphore_mem>>) src(%dma_wait3A_1266 : memref<512x64xf32, #tpu.memory_space<vmem>>) dst(%dma_wait3A_1263 : memref<512x64xf32, #tpu.memory_space<hbm>>)
      %add3A_1267 = arith.constant 8 : i32
      %add3A_1268 = arith.addi %add3A_1267, %scan3A_1250 : i32
      %sub3A_1269 = arith.constant 63 : i32
      %sub3A_1270 = arith.subi %sub3A_1269, %add3A_1268 : i32
      %add3A_1271 = arith.addi %mul3A_2, %add3A_1268 : i32
      %dma_start3A_1272 = arith.constant 0 : i32
      %dma_start3A_1273 = tpu.memref_slice %arg5[%sub3A_1270, %dma_start3A_1272] : memref<576x64xf32, #tpu.memory_space<vmem>> -> memref<512x64xf32, #tpu.memory_space<vmem>>
      %dma_start3A_1274 = arith.constant 512 : i32
      %dma_start3A_1275 = arith.constant 0 : i32
      %dma_start3A_1276 = tpu.memref_slice %arg3[%add3A_1271, %dma_start3A_1274, %dma_start3A_1275] : memref<2048x2048x64xf32, #tpu.memory_space<hbm>> -> memref<1x512x64xf32, #tpu.memory_space<hbm>>
      %dma_start3A_1277 = tpu.memref_squeeze %dma_start3A_1276 : memref<1x512x64xf32, #tpu.memory_space<hbm>> -> memref<512x64xf32, #tpu.memory_space<hbm>>
      %dma_start3A_1278 = arith.constant 512 : i32
      %dma_start3A_1279 = arith.constant 0 : i32
      %dma_start3A_1280 = tpu.memref_slice %arg3[%add3A_1271, %dma_start3A_1278, %dma_start3A_1279] : memref<2048x2048x64xf32, #tpu.memory_space<hbm>> -> memref<1x512x64xf32, #tpu.memory_space<hbm>>
      %dma_start3A_1281 = tpu.memref_squeeze %dma_start3A_1280 : memref<1x512x64xf32, #tpu.memory_space<hbm>> -> memref<512x64xf32, #tpu.memory_space<hbm>>
      %dma_start3A_1282 = arith.constant 0 : i32
      %dma_start3A_1283 = tpu.memref_slice %arg5[%sub3A_1270, %dma_start3A_1282] : memref<576x64xf32, #tpu.memory_space<vmem>> -> memref<512x64xf32, #tpu.memory_space<vmem>>
      tpu.enqueue_dma source(%dma_start3A_1283 : memref<512x64xf32, #tpu.memory_space<vmem>>) target(%dma_start3A_1281 : memref<512x64xf32, #tpu.memory_space<hbm>>) target_semaphore(%arg6 : memref<!tpu.dma_semaphore, #tpu.memory_space<semaphore_mem>>)
      %scan3A_1284 = arith.constant 0 : i32
      scf.yield %scan3A_1284 : i32
    }
    %scan3A_513 = arith.constant 56 : i32
    %dma_wait3A_514 = arith.constant 0 : i32
    %dma_wait3A_515 = arith.constant 0 : i32
    %dma_wait3A_516 = arith.constant 0 : i32
    %dma_wait3A_517 = tpu.memref_slice %arg5[%dma_wait3A_515, %dma_wait3A_516] : memref<576x64xf32, #tpu.memory_space<vmem>> -> memref<512x64xf32, #tpu.memory_space<vmem>>
    %dma_wait3A_518 = arith.constant 0 : i32
    %dma_wait3A_519 = arith.constant 0 : i32
    %dma_wait3A_520 = tpu.memref_slice %arg3[%dma_wait3A_514, %dma_wait3A_518, %dma_wait3A_519] : memref<2048x2048x64xf32, #tpu.memory_space<hbm>> -> memref<1x512x64xf32, #tpu.memory_space<hbm>>
    %dma_wait3A_521 = tpu.memref_squeeze %dma_wait3A_520 : memref<1x512x64xf32, #tpu.memory_space<hbm>> -> memref<512x64xf32, #tpu.memory_space<hbm>>
    %dma_wait3A_522 = arith.constant 0 : i32
    %dma_wait3A_523 = arith.constant 0 : i32
    %dma_wait3A_524 = tpu.memref_slice %arg3[%dma_wait3A_514, %dma_wait3A_522, %dma_wait3A_523] : memref<2048x2048x64xf32, #tpu.memory_space<hbm>> -> memref<1x512x64xf32, #tpu.memory_space<hbm>>
    %dma_wait3A_525 = tpu.memref_squeeze %dma_wait3A_524 : memref<1x512x64xf32, #tpu.memory_space<hbm>> -> memref<512x64xf32, #tpu.memory_space<hbm>>
    %dma_wait3A_526 = arith.constant 0 : i32
    %dma_wait3A_527 = arith.constant 0 : i32
    %dma_wait3A_528 = tpu.memref_slice %arg5[%dma_wait3A_526, %dma_wait3A_527] : memref<576x64xf32, #tpu.memory_space<vmem>> -> memref<512x64xf32, #tpu.memory_space<vmem>>
    tpu.wait_dma2 semaphore(%arg6 : memref<!tpu.dma_semaphore, #tpu.memory_space<semaphore_mem>>) src(%dma_wait3A_528 : memref<512x64xf32, #tpu.memory_space<vmem>>) dst(%dma_wait3A_525 : memref<512x64xf32, #tpu.memory_space<hbm>>)
    %dma_wait3A_529 = arith.constant 0 : i32
    %dma_wait3A_530 = arith.constant 0 : i32
    %dma_wait3A_531 = arith.constant 0 : i32
    %dma_wait3A_532 = tpu.memref_slice %arg5[%dma_wait3A_530, %dma_wait3A_531] : memref<576x64xf32, #tpu.memory_space<vmem>> -> memref<512x64xf32, #tpu.memory_space<vmem>>
    %dma_wait3A_533 = arith.constant 0 : i32
    %dma_wait3A_534 = arith.constant 0 : i32
    %dma_wait3A_535 = tpu.memref_slice %arg3[%dma_wait3A_529, %dma_wait3A_533, %dma_wait3A_534] : memref<2048x2048x64xf32, #tpu.memory_space<hbm>> -> memref<1x512x64xf32, #tpu.memory_space<hbm>>
    %dma_wait3A_536 = tpu.memref_squeeze %dma_wait3A_535 : memref<1x512x64xf32, #tpu.memory_space<hbm>> -> memref<512x64xf32, #tpu.memory_space<hbm>>
    %dma_wait3A_537 = arith.constant 0 : i32
    %dma_wait3A_538 = arith.constant 0 : i32
    %dma_wait3A_539 = tpu.memref_slice %arg3[%dma_wait3A_529, %dma_wait3A_537, %dma_wait3A_538] : memref<2048x2048x64xf32, #tpu.memory_space<hbm>> -> memref<1x512x64xf32, #tpu.memory_space<hbm>>
    %dma_wait3A_540 = tpu.memref_squeeze %dma_wait3A_539 : memref<1x512x64xf32, #tpu.memory_space<hbm>> -> memref<512x64xf32, #tpu.memory_space<hbm>>
    %dma_wait3A_541 = arith.constant 0 : i32
    %dma_wait3A_542 = arith.constant 0 : i32
    %dma_wait3A_543 = tpu.memref_slice %arg5[%dma_wait3A_541, %dma_wait3A_542] : memref<576x64xf32, #tpu.memory_space<vmem>> -> memref<512x64xf32, #tpu.memory_space<vmem>>
    tpu.wait_dma2 semaphore(%arg6 : memref<!tpu.dma_semaphore, #tpu.memory_space<semaphore_mem>>) src(%dma_wait3A_543 : memref<512x64xf32, #tpu.memory_space<vmem>>) dst(%dma_wait3A_540 : memref<512x64xf32, #tpu.memory_space<hbm>>)
    %dma_wait3A_544 = arith.constant 0 : i32
    %dma_wait3A_545 = arith.constant 0 : i32
    %dma_wait3A_546 = arith.constant 0 : i32
    %dma_wait3A_547 = tpu.memref_slice %arg5[%dma_wait3A_545, %dma_wait3A_546] : memref<576x64xf32, #tpu.memory_space<vmem>> -> memref<512x64xf32, #tpu.memory_space<vmem>>
    %dma_wait3A_548 = arith.constant 0 : i32
    %dma_wait3A_549 = arith.constant 0 : i32
    %dma_wait3A_550 = tpu.memref_slice %arg3[%dma_wait3A_544, %dma_wait3A_548, %dma_wait3A_549] : memref<2048x2048x64xf32, #tpu.memory_space<hbm>> -> memref<1x512x64xf32, #tpu.memory_space<hbm>>
    %dma_wait3A_551 = tpu.memref_squeeze %dma_wait3A_550 : memref<1x512x64xf32, #tpu.memory_space<hbm>> -> memref<512x64xf32, #tpu.memory_space<hbm>>
    %dma_wait3A_552 = arith.constant 0 : i32
    %dma_wait3A_553 = arith.constant 0 : i32
    %dma_wait3A_554 = tpu.memref_slice %arg3[%dma_wait3A_544, %dma_wait3A_552, %dma_wait3A_553] : memref<2048x2048x64xf32, #tpu.memory_space<hbm>> -> memref<1x512x64xf32, #tpu.memory_space<hbm>>
    %dma_wait3A_555 = tpu.memref_squeeze %dma_wait3A_554 : memref<1x512x64xf32, #tpu.memory_space<hbm>> -> memref<512x64xf32, #tpu.memory_space<hbm>>
    %dma_wait3A_556 = arith.constant 0 : i32
    %dma_wait3A_557 = arith.constant 0 : i32
    %dma_wait3A_558 = tpu.memref_slice %arg5[%dma_wait3A_556, %dma_wait3A_557] : memref<576x64xf32, #tpu.memory_space<vmem>> -> memref<512x64xf32, #tpu.memory_space<vmem>>
    tpu.wait_dma2 semaphore(%arg6 : memref<!tpu.dma_semaphore, #tpu.memory_space<semaphore_mem>>) src(%dma_wait3A_558 : memref<512x64xf32, #tpu.memory_space<vmem>>) dst(%dma_wait3A_555 : memref<512x64xf32, #tpu.memory_space<hbm>>)
    %dma_wait3A_559 = arith.constant 0 : i32
    %dma_wait3A_560 = arith.constant 0 : i32
    %dma_wait3A_561 = arith.constant 0 : i32
    %dma_wait3A_562 = tpu.memref_slice %arg5[%dma_wait3A_560, %dma_wait3A_561] : memref<576x64xf32, #tpu.memory_space<vmem>> -> memref<512x64xf32, #tpu.memory_space<vmem>>
    %dma_wait3A_563 = arith.constant 0 : i32
    %dma_wait3A_564 = arith.constant 0 : i32
    %dma_wait3A_565 = tpu.memref_slice %arg3[%dma_wait3A_559, %dma_wait3A_563, %dma_wait3A_564] : memref<2048x2048x64xf32, #tpu.memory_space<hbm>> -> memref<1x512x64xf32, #tpu.memory_space<hbm>>
    %dma_wait3A_566 = tpu.memref_squeeze %dma_wait3A_565 : memref<1x512x64xf32, #tpu.memory_space<hbm>> -> memref<512x64xf32, #tpu.memory_space<hbm>>
    %dma_wait3A_567 = arith.constant 0 : i32
    %dma_wait3A_568 = arith.constant 0 : i32
    %dma_wait3A_569 = tpu.memref_slice %arg3[%dma_wait3A_559, %dma_wait3A_567, %dma_wait3A_568] : memref<2048x2048x64xf32, #tpu.memory_space<hbm>> -> memref<1x512x64xf32, #tpu.memory_space<hbm>>
    %dma_wait3A_570 = tpu.memref_squeeze %dma_wait3A_569 : memref<1x512x64xf32, #tpu.memory_space<hbm>> -> memref<512x64xf32, #tpu.memory_space<hbm>>
    %dma_wait3A_571 = arith.constant 0 : i32
    %dma_wait3A_572 = arith.constant 0 : i32
    %dma_wait3A_573 = tpu.memref_slice %arg5[%dma_wait3A_571, %dma_wait3A_572] : memref<576x64xf32, #tpu.memory_space<vmem>> -> memref<512x64xf32, #tpu.memory_space<vmem>>
    tpu.wait_dma2 semaphore(%arg6 : memref<!tpu.dma_semaphore, #tpu.memory_space<semaphore_mem>>) src(%dma_wait3A_573 : memref<512x64xf32, #tpu.memory_space<vmem>>) dst(%dma_wait3A_570 : memref<512x64xf32, #tpu.memory_space<hbm>>)
    %dma_wait3A_574 = arith.constant 0 : i32
    %dma_wait3A_575 = arith.constant 0 : i32
    %dma_wait3A_576 = arith.constant 0 : i32
    %dma_wait3A_577 = tpu.memref_slice %arg5[%dma_wait3A_575, %dma_wait3A_576] : memref<576x64xf32, #tpu.memory_space<vmem>> -> memref<512x64xf32, #tpu.memory_space<vmem>>
    %dma_wait3A_578 = arith.constant 0 : i32
    %dma_wait3A_579 = arith.constant 0 : i32
    %dma_wait3A_580 = tpu.memref_slice %arg3[%dma_wait3A_574, %dma_wait3A_578, %dma_wait3A_579] : memref<2048x2048x64xf32, #tpu.memory_space<hbm>> -> memref<1x512x64xf32, #tpu.memory_space<hbm>>
    %dma_wait3A_581 = tpu.memref_squeeze %dma_wait3A_580 : memref<1x512x64xf32, #tpu.memory_space<hbm>> -> memref<512x64xf32, #tpu.memory_space<hbm>>
    %dma_wait3A_582 = arith.constant 0 : i32
    %dma_wait3A_583 = arith.constant 0 : i32
    %dma_wait3A_584 = tpu.memref_slice %arg3[%dma_wait3A_574, %dma_wait3A_582, %dma_wait3A_583] : memref<2048x2048x64xf32, #tpu.memory_space<hbm>> -> memref<1x512x64xf32, #tpu.memory_space<hbm>>
    %dma_wait3A_585 = tpu.memref_squeeze %dma_wait3A_584 : memref<1x512x64xf32, #tpu.memory_space<hbm>> -> memref<512x64xf32, #tpu.memory_space<hbm>>
    %dma_wait3A_586 = arith.constant 0 : i32
    %dma_wait3A_587 = arith.constant 0 : i32
    %dma_wait3A_588 = tpu.memref_slice %arg5[%dma_wait3A_586, %dma_wait3A_587] : memref<576x64xf32, #tpu.memory_space<vmem>> -> memref<512x64xf32, #tpu.memory_space<vmem>>
    tpu.wait_dma2 semaphore(%arg6 : memref<!tpu.dma_semaphore, #tpu.memory_space<semaphore_mem>>) src(%dma_wait3A_588 : memref<512x64xf32, #tpu.memory_space<vmem>>) dst(%dma_wait3A_585 : memref<512x64xf32, #tpu.memory_space<hbm>>)
    %dma_wait3A_589 = arith.constant 0 : i32
    %dma_wait3A_590 = arith.constant 0 : i32
    %dma_wait3A_591 = arith.constant 0 : i32
    %dma_wait3A_592 = tpu.memref_slice %arg5[%dma_wait3A_590, %dma_wait3A_591] : memref<576x64xf32, #tpu.memory_space<vmem>> -> memref<512x64xf32, #tpu.memory_space<vmem>>
    %dma_wait3A_593 = arith.constant 0 : i32
    %dma_wait3A_594 = arith.constant 0 : i32
    %dma_wait3A_595 = tpu.memref_slice %arg3[%dma_wait3A_589, %dma_wait3A_593, %dma_wait3A_594] : memref<2048x2048x64xf32, #tpu.memory_space<hbm>> -> memref<1x512x64xf32, #tpu.memory_space<hbm>>
    %dma_wait3A_596 = tpu.memref_squeeze %dma_wait3A_595 : memref<1x512x64xf32, #tpu.memory_space<hbm>> -> memref<512x64xf32, #tpu.memory_space<hbm>>
    %dma_wait3A_597 = arith.constant 0 : i32
    %dma_wait3A_598 = arith.constant 0 : i32
    %dma_wait3A_599 = tpu.memref_slice %arg3[%dma_wait3A_589, %dma_wait3A_597, %dma_wait3A_598] : memref<2048x2048x64xf32, #tpu.memory_space<hbm>> -> memref<1x512x64xf32, #tpu.memory_space<hbm>>
    %dma_wait3A_600 = tpu.memref_squeeze %dma_wait3A_599 : memref<1x512x64xf32, #tpu.memory_space<hbm>> -> memref<512x64xf32, #tpu.memory_space<hbm>>
    %dma_wait3A_601 = arith.constant 0 : i32
    %dma_wait3A_602 = arith.constant 0 : i32
    %dma_wait3A_603 = tpu.memref_slice %arg5[%dma_wait3A_601, %dma_wait3A_602] : memref<576x64xf32, #tpu.memory_space<vmem>> -> memref<512x64xf32, #tpu.memory_space<vmem>>
    tpu.wait_dma2 semaphore(%arg6 : memref<!tpu.dma_semaphore, #tpu.memory_space<semaphore_mem>>) src(%dma_wait3A_603 : memref<512x64xf32, #tpu.memory_space<vmem>>) dst(%dma_wait3A_600 : memref<512x64xf32, #tpu.memory_space<hbm>>)
    %dma_wait3A_604 = arith.constant 0 : i32
    %dma_wait3A_605 = arith.constant 0 : i32
    %dma_wait3A_606 = arith.constant 0 : i32
    %dma_wait3A_607 = tpu.memref_slice %arg5[%dma_wait3A_605, %dma_wait3A_606] : memref<576x64xf32, #tpu.memory_space<vmem>> -> memref<512x64xf32, #tpu.memory_space<vmem>>
    %dma_wait3A_608 = arith.constant 0 : i32
    %dma_wait3A_609 = arith.constant 0 : i32
    %dma_wait3A_610 = tpu.memref_slice %arg3[%dma_wait3A_604, %dma_wait3A_608, %dma_wait3A_609] : memref<2048x2048x64xf32, #tpu.memory_space<hbm>> -> memref<1x512x64xf32, #tpu.memory_space<hbm>>
    %dma_wait3A_611 = tpu.memref_squeeze %dma_wait3A_610 : memref<1x512x64xf32, #tpu.memory_space<hbm>> -> memref<512x64xf32, #tpu.memory_space<hbm>>
    %dma_wait3A_612 = arith.constant 0 : i32
    %dma_wait3A_613 = arith.constant 0 : i32
    %dma_wait3A_614 = tpu.memref_slice %arg3[%dma_wait3A_604, %dma_wait3A_612, %dma_wait3A_613] : memref<2048x2048x64xf32, #tpu.memory_space<hbm>> -> memref<1x512x64xf32, #tpu.memory_space<hbm>>
    %dma_wait3A_615 = tpu.memref_squeeze %dma_wait3A_614 : memref<1x512x64xf32, #tpu.memory_space<hbm>> -> memref<512x64xf32, #tpu.memory_space<hbm>>
    %dma_wait3A_616 = arith.constant 0 : i32
    %dma_wait3A_617 = arith.constant 0 : i32
    %dma_wait3A_618 = tpu.memref_slice %arg5[%dma_wait3A_616, %dma_wait3A_617] : memref<576x64xf32, #tpu.memory_space<vmem>> -> memref<512x64xf32, #tpu.memory_space<vmem>>
    tpu.wait_dma2 semaphore(%arg6 : memref<!tpu.dma_semaphore, #tpu.memory_space<semaphore_mem>>) src(%dma_wait3A_618 : memref<512x64xf32, #tpu.memory_space<vmem>>) dst(%dma_wait3A_615 : memref<512x64xf32, #tpu.memory_space<hbm>>)
    %dma_wait3A_619 = arith.constant 0 : i32
    %dma_wait3A_620 = arith.constant 0 : i32
    %dma_wait3A_621 = arith.constant 0 : i32
    %dma_wait3A_622 = tpu.memref_slice %arg5[%dma_wait3A_620, %dma_wait3A_621] : memref<576x64xf32, #tpu.memory_space<vmem>> -> memref<512x64xf32, #tpu.memory_space<vmem>>
    %dma_wait3A_623 = arith.constant 0 : i32
    %dma_wait3A_624 = arith.constant 0 : i32
    %dma_wait3A_625 = tpu.memref_slice %arg3[%dma_wait3A_619, %dma_wait3A_623, %dma_wait3A_624] : memref<2048x2048x64xf32, #tpu.memory_space<hbm>> -> memref<1x512x64xf32, #tpu.memory_space<hbm>>
    %dma_wait3A_626 = tpu.memref_squeeze %dma_wait3A_625 : memref<1x512x64xf32, #tpu.memory_space<hbm>> -> memref<512x64xf32, #tpu.memory_space<hbm>>
    %dma_wait3A_627 = arith.constant 0 : i32
    %dma_wait3A_628 = arith.constant 0 : i32
    %dma_wait3A_629 = tpu.memref_slice %arg3[%dma_wait3A_619, %dma_wait3A_627, %dma_wait3A_628] : memref<2048x2048x64xf32, #tpu.memory_space<hbm>> -> memref<1x512x64xf32, #tpu.memory_space<hbm>>
    %dma_wait3A_630 = tpu.memref_squeeze %dma_wait3A_629 : memref<1x512x64xf32, #tpu.memory_space<hbm>> -> memref<512x64xf32, #tpu.memory_space<hbm>>
    %dma_wait3A_631 = arith.constant 0 : i32
    %dma_wait3A_632 = arith.constant 0 : i32
    %dma_wait3A_633 = tpu.memref_slice %arg5[%dma_wait3A_631, %dma_wait3A_632] : memref<576x64xf32, #tpu.memory_space<vmem>> -> memref<512x64xf32, #tpu.memory_space<vmem>>
    tpu.wait_dma2 semaphore(%arg6 : memref<!tpu.dma_semaphore, #tpu.memory_space<semaphore_mem>>) src(%dma_wait3A_633 : memref<512x64xf32, #tpu.memory_space<vmem>>) dst(%dma_wait3A_630 : memref<512x64xf32, #tpu.memory_space<hbm>>)
    %add3A_634 = arith.constant 64 : i32
    %add3A_635 = arith.addi %mul3A_2, %add3A_634 : i32
    %sub3A_636 = arith.constant 1 : i32
    %sub3A_637 = arith.subi %add3A_635, %sub3A_636 : i32
    %sub3A_638 = arith.constant 3071 : i32
    %sub3A_639 = arith.subi %sub3A_638, %sub3A_637 : i32
    %sub3A_640 = arith.constant 1919 : i32
    %sub3A_641 = arith.subi %sub3A_640, %sub3A_639 : i32
    %jit3A_642 = arith.constant 0 : i32
    %jit3A_643 = arith.constant 576 : i32
    %max3A_644 = arith.maxsi %jit3A_642, %sub3A_641 : i32
    %min3A_645 = arith.minsi %jit3A_643, %max3A_644 : i32
    %add3A_646 = arith.constant 257 : i32
    %add3A_647 = arith.addi %sub3A_641, %add3A_646 : i32
    %jit3A_648 = arith.constant 0 : i32
    %jit3A_649 = arith.constant 576 : i32
    %max3A_650 = arith.maxsi %jit3A_648, %add3A_647 : i32
    %min3A_651 = arith.minsi %jit3A_649, %max3A_650 : i32
    %while3A_652 = arith.constant 0 : i32
    %while3A_653 = arith.constant 0 : i32
    %while3A_654 = arith.subi %min3A_645, %while3A_652 : i32
    %while3A_655 = arith.addi %while3A_652, %while3A_654 : i32
    %while3A_656 = arith.constant 1 : i32
    %while3A_657 = arith.divsi %while3A_654, %while3A_656 : i32
    %while3A_658 = arith.muli %while3A_657, %while3A_656 : i32
    %while3A_659 = arith.addi %while3A_652, %while3A_658 : i32
    %while3A_660 = arith.constant 1 : i32
    %while3A_661 = scf.for %while3A_1250 = %while3A_652 to %while3A_659 step %while3A_660 iter_args(%while3A_1251 = %while3A_653) -> (i32)  : i32 {
      %swap3A = arith.index_cast %while3A_1250 : i32 to index
      %swap3A_1252 = arith.constant 0 : index
      %swap3A_1253 = tpu.vector_load %arg5[%swap3A, %swap3A_1252] {strides = array<i32>} : memref<576x64xf32, #tpu.memory_space<vmem>>, vector<1x16xf32>,
      %swap3A_1254 = vector.shape_cast %swap3A_1253 : vector<1x16xf32> to vector<16xf32>
      %swap3A_1255 = vector.shape_cast %get3A_4 : vector<16xf32> to vector<1x16xf32>
      tpu.vector_store %arg5[%swap3A, %swap3A_1252], %swap3A_1255 {strides = array<i32>} : memref<576x64xf32, #tpu.memory_space<vmem>>, vector<1x16xf32>,
      %swap3A_1256 = arith.index_cast %while3A_1250 : i32 to index
      %swap3A_1257 = arith.constant 16 : index
      %swap3A_1258 = tpu.vector_load %arg5[%swap3A_1256, %swap3A_1257] {strides = array<i32>} : memref<576x64xf32, #tpu.memory_space<vmem>>, vector<1x16xf32>,
      %swap3A_1259 = vector.shape_cast %swap3A_1258 : vector<1x16xf32> to vector<16xf32>
      %swap3A_1260 = vector.shape_cast %get3A_7 : vector<16xf32> to vector<1x16xf32>
      tpu.vector_store %arg5[%swap3A_1256, %swap3A_1257], %swap3A_1260 {strides = array<i32>} : memref<576x64xf32, #tpu.memory_space<vmem>>, vector<1x16xf32>,
      %swap3A_1261 = arith.index_cast %while3A_1250 : i32 to index
      %swap3A_1262 = arith.constant 32 : index
      %swap3A_1263 = tpu.vector_load %arg5[%swap3A_1261, %swap3A_1262] {strides = array<i32>} : memref<576x64xf32, #tpu.memory_space<vmem>>, vector<1x16xf32>,
      %swap3A_1264 = vector.shape_cast %swap3A_1263 : vector<1x16xf32> to vector<16xf32>
      %swap3A_1265 = vector.shape_cast %get3A_10 : vector<16xf32> to vector<1x16xf32>
      tpu.vector_store %arg5[%swap3A_1261, %swap3A_1262], %swap3A_1265 {strides = array<i32>} : memref<576x64xf32, #tpu.memory_space<vmem>>, vector<1x16xf32>,
      %swap3A_1266 = arith.index_cast %while3A_1250 : i32 to index
      %swap3A_1267 = arith.constant 48 : index
      %swap3A_1268 = tpu.vector_load %arg5[%swap3A_1266, %swap3A_1267] {strides = array<i32>} : memref<576x64xf32, #tpu.memory_space<vmem>>, vector<1x16xf32>,
      %swap3A_1269 = vector.shape_cast %swap3A_1268 : vector<1x16xf32> to vector<16xf32>
      %swap3A_1270 = vector.shape_cast %get3A_13 : vector<16xf32> to vector<1x16xf32>
      tpu.vector_store %arg5[%swap3A_1266, %swap3A_1267], %swap3A_1270 {strides = array<i32>} : memref<576x64xf32, #tpu.memory_space<vmem>>, vector<1x16xf32>,
      %while3A_1271 = arith.constant 0 : i32
      scf.yield %while3A_1271 : i32
    }
    %while3A_662 = arith.constant 1 : i32
    %while3A_663 = scf.for %while3A_1250 = %while3A_659 to %while3A_655 step %while3A_662 iter_args(%while3A_1251 = %while3A_661) -> (i32)  : i32 {
      %swap3A = arith.index_cast %while3A_1250 : i32 to index
      %swap3A_1252 = arith.constant 0 : index
      %swap3A_1253 = tpu.vector_load %arg5[%swap3A, %swap3A_1252] {strides = array<i32>} : memref<576x64xf32, #tpu.memory_space<vmem>>, vector<1x16xf32>,
      %swap3A_1254 = vector.shape_cast %swap3A_1253 : vector<1x16xf32> to vector<16xf32>
      %swap3A_1255 = vector.shape_cast %get3A_4 : vector<16xf32> to vector<1x16xf32>
      tpu.vector_store %arg5[%swap3A, %swap3A_1252], %swap3A_1255 {strides = array<i32>} : memref<576x64xf32, #tpu.memory_space<vmem>>, vector<1x16xf32>,
      %swap3A_1256 = arith.index_cast %while3A_1250 : i32 to index
      %swap3A_1257 = arith.constant 16 : index
      %swap3A_1258 = tpu.vector_load %arg5[%swap3A_1256, %swap3A_1257] {strides = array<i32>} : memref<576x64xf32, #tpu.memory_space<vmem>>, vector<1x16xf32>,
      %swap3A_1259 = vector.shape_cast %swap3A_1258 : vector<1x16xf32> to vector<16xf32>
      %swap3A_1260 = vector.shape_cast %get3A_7 : vector<16xf32> to vector<1x16xf32>
      tpu.vector_store %arg5[%swap3A_1256, %swap3A_1257], %swap3A_1260 {strides = array<i32>} : memref<576x64xf32, #tpu.memory_space<vmem>>, vector<1x16xf32>,
      %swap3A_1261 = arith.index_cast %while3A_1250 : i32 to index
      %swap3A_1262 = arith.constant 32 : index
      %swap3A_1263 = tpu.vector_load %arg5[%swap3A_1261, %swap3A_1262] {strides = array<i32>} : memref<576x64xf32, #tpu.memory_space<vmem>>, vector<1x16xf32>,
      %swap3A_1264 = vector.shape_cast %swap3A_1263 : vector<1x16xf32> to vector<16xf32>
      %swap3A_1265 = vector.shape_cast %get3A_10 : vector<16xf32> to vector<1x16xf32>
      tpu.vector_store %arg5[%swap3A_1261, %swap3A_1262], %swap3A_1265 {strides = array<i32>} : memref<576x64xf32, #tpu.memory_space<vmem>>, vector<1x16xf32>,
      %swap3A_1266 = arith.index_cast %while3A_1250 : i32 to index
      %swap3A_1267 = arith.constant 48 : index
      %swap3A_1268 = tpu.vector_load %arg5[%swap3A_1266, %swap3A_1267] {strides = array<i32>} : memref<576x64xf32, #tpu.memory_space<vmem>>, vector<1x16xf32>,
      %swap3A_1269 = vector.shape_cast %swap3A_1268 : vector<1x16xf32> to vector<16xf32>
      %swap3A_1270 = vector.shape_cast %get3A_13 : vector<16xf32> to vector<1x16xf32>
      tpu.vector_store %arg5[%swap3A_1266, %swap3A_1267], %swap3A_1270 {strides = array<i32>} : memref<576x64xf32, #tpu.memory_space<vmem>>, vector<1x16xf32>,
      %while3A_1271 = arith.constant 0 : i32
      scf.yield %while3A_1271 : i32
    }
    %while3A_664 = arith.constant 576 : i32
    %while3A_665 = arith.constant 0 : i32
    %while3A_666 = arith.subi %while3A_664, %min3A_651 : i32
    %while3A_667 = arith.addi %min3A_651, %while3A_666 : i32
    %while3A_668 = arith.constant 1 : i32
    %while3A_669 = arith.divsi %while3A_666, %while3A_668 : i32
    %while3A_670 = arith.muli %while3A_669, %while3A_668 : i32
    %while3A_671 = arith.addi %min3A_651, %while3A_670 : i32
    %while3A_672 = arith.constant 1 : i32
    %while3A_673 = scf.for %while3A_1250 = %min3A_651 to %while3A_671 step %while3A_672 iter_args(%while3A_1251 = %while3A_665) -> (i32)  : i32 {
      %swap3A = arith.index_cast %while3A_1250 : i32 to index
      %swap3A_1252 = arith.constant 0 : index
      %swap3A_1253 = tpu.vector_load %arg5[%swap3A, %swap3A_1252] {strides = array<i32>} : memref<576x64xf32, #tpu.memory_space<vmem>>, vector<1x16xf32>,
      %swap3A_1254 = vector.shape_cast %swap3A_1253 : vector<1x16xf32> to vector<16xf32>
      %swap3A_1255 = vector.shape_cast %get3A_16 : vector<16xf32> to vector<1x16xf32>
      tpu.vector_store %arg5[%swap3A, %swap3A_1252], %swap3A_1255 {strides = array<i32>} : memref<576x64xf32, #tpu.memory_space<vmem>>, vector<1x16xf32>,
      %swap3A_1256 = arith.index_cast %while3A_1250 : i32 to index
      %swap3A_1257 = arith.constant 16 : index
      %swap3A_1258 = tpu.vector_load %arg5[%swap3A_1256, %swap3A_1257] {strides = array<i32>} : memref<576x64xf32, #tpu.memory_space<vmem>>, vector<1x16xf32>,
      %swap3A_1259 = vector.shape_cast %swap3A_1258 : vector<1x16xf32> to vector<16xf32>
      %swap3A_1260 = vector.shape_cast %get3A_19 : vector<16xf32> to vector<1x16xf32>
      tpu.vector_store %arg5[%swap3A_1256, %swap3A_1257], %swap3A_1260 {strides = array<i32>} : memref<576x64xf32, #tpu.memory_space<vmem>>, vector<1x16xf32>,
      %swap3A_1261 = arith.index_cast %while3A_1250 : i32 to index
      %swap3A_1262 = arith.constant 32 : index
      %swap3A_1263 = tpu.vector_load %arg5[%swap3A_1261, %swap3A_1262] {strides = array<i32>} : memref<576x64xf32, #tpu.memory_space<vmem>>, vector<1x16xf32>,
      %swap3A_1264 = vector.shape_cast %swap3A_1263 : vector<1x16xf32> to vector<16xf32>
      %swap3A_1265 = vector.shape_cast %get3A_22 : vector<16xf32> to vector<1x16xf32>
      tpu.vector_store %arg5[%swap3A_1261, %swap3A_1262], %swap3A_1265 {strides = array<i32>} : memref<576x64xf32, #tpu.memory_space<vmem>>, vector<1x16xf32>,
      %swap3A_1266 = arith.index_cast %while3A_1250 : i32 to index
      %swap3A_1267 = arith.constant 48 : index
      %swap3A_1268 = tpu.vector_load %arg5[%swap3A_1266, %swap3A_1267] {strides = array<i32>} : memref<576x64xf32, #tpu.memory_space<vmem>>, vector<1x16xf32>,
      %swap3A_1269 = vector.shape_cast %swap3A_1268 : vector<1x16xf32> to vector<16xf32>
      %swap3A_1270 = vector.shape_cast %get3A_25 : vector<16xf32> to vector<1x16xf32>
      tpu.vector_store %arg5[%swap3A_1266, %swap3A_1267], %swap3A_1270 {strides = array<i32>} : memref<576x64xf32, #tpu.memory_space<vmem>>, vector<1x16xf32>,
      %while3A_1271 = arith.constant 0 : i32
      scf.yield %while3A_1271 : i32
    }
    %while3A_674 = arith.constant 1 : i32
    %while3A_675 = scf.for %while3A_1250 = %while3A_671 to %while3A_667 step %while3A_674 iter_args(%while3A_1251 = %while3A_673) -> (i32)  : i32 {
      %swap3A = arith.index_cast %while3A_1250 : i32 to index
      %swap3A_1252 = arith.constant 0 : index
      %swap3A_1253 = tpu.vector_load %arg5[%swap3A, %swap3A_1252] {strides = array<i32>} : memref<576x64xf32, #tpu.memory_space<vmem>>, vector<1x16xf32>,
      %swap3A_1254 = vector.shape_cast %swap3A_1253 : vector<1x16xf32> to vector<16xf32>
      %swap3A_1255 = vector.shape_cast %get3A_16 : vector<16xf32> to vector<1x16xf32>
      tpu.vector_store %arg5[%swap3A, %swap3A_1252], %swap3A_1255 {strides = array<i32>} : memref<576x64xf32, #tpu.memory_space<vmem>>, vector<1x16xf32>,
      %swap3A_1256 = arith.index_cast %while3A_1250 : i32 to index
      %swap3A_1257 = arith.constant 16 : index
      %swap3A_1258 = tpu.vector_load %arg5[%swap3A_1256, %swap3A_1257] {strides = array<i32>} : memref<576x64xf32, #tpu.memory_space<vmem>>, vector<1x16xf32>,
      %swap3A_1259 = vector.shape_cast %swap3A_1258 : vector<1x16xf32> to vector<16xf32>
      %swap3A_1260 = vector.shape_cast %get3A_19 : vector<16xf32> to vector<1x16xf32>
      tpu.vector_store %arg5[%swap3A_1256, %swap3A_1257], %swap3A_1260 {strides = array<i32>} : memref<576x64xf32, #tpu.memory_space<vmem>>, vector<1x16xf32>,
      %swap3A_1261 = arith.index_cast %while3A_1250 : i32 to index
      %swap3A_1262 = arith.constant 32 : index
      %swap3A_1263 = tpu.vector_load %arg5[%swap3A_1261, %swap3A_1262] {strides = array<i32>} : memref<576x64xf32, #tpu.memory_space<vmem>>, vector<1x16xf32>,
      %swap3A_1264 = vector.shape_cast %swap3A_1263 : vector<1x16xf32> to vector<16xf32>
      %swap3A_1265 = vector.shape_cast %get3A_22 : vector<16xf32> to vector<1x16xf32>
      tpu.vector_store %arg5[%swap3A_1261, %swap3A_1262], %swap3A_1265 {strides = array<i32>} : memref<576x64xf32, #tpu.memory_space<vmem>>, vector<1x16xf32>,
      %swap3A_1266 = arith.index_cast %while3A_1250 : i32 to index
      %swap3A_1267 = arith.constant 48 : index
      %swap3A_1268 = tpu.vector_load %arg5[%swap3A_1266, %swap3A_1267] {strides = array<i32>} : memref<576x64xf32, #tpu.memory_space<vmem>>, vector<1x16xf32>,
      %swap3A_1269 = vector.shape_cast %swap3A_1268 : vector<1x16xf32> to vector<16xf32>
      %swap3A_1270 = vector.shape_cast %get3A_25 : vector<16xf32> to vector<1x16xf32>
      tpu.vector_store %arg5[%swap3A_1266, %swap3A_1267], %swap3A_1270 {strides = array<i32>} : memref<576x64xf32, #tpu.memory_space<vmem>>, vector<1x16xf32>,
      %while3A_1271 = arith.constant 0 : i32
      scf.yield %while3A_1271 : i32
    }
    %while3A_676 = arith.constant 0 : i32
    %while3A_677 = arith.subi %min3A_651, %min3A_645 : i32
    %while3A_678 = arith.addi %min3A_645, %while3A_677 : i32
    %while3A_679 = arith.constant 1 : i32
    %while3A_680 = arith.divsi %while3A_677, %while3A_679 : i32
    %while3A_681 = arith.muli %while3A_680, %while3A_679 : i32
    %while3A_682 = arith.addi %min3A_645, %while3A_681 : i32
    %while3A_683 = arith.constant 1 : i32
    %while3A_684 = scf.for %while3A_1250 = %min3A_645 to %while3A_682 step %while3A_683 iter_args(%while3A_1251 = %while3A_676) -> (i32)  : i32 {
      %sub3A_1252 = arith.subi %while3A_1250, %sub3A_641 : i32
      %mul3A_1253 = arith.constant 64 : i32
      %mul3A_1254 = arith.muli %sub3A_1252, %mul3A_1253 : i32
      %add3A_1255 = arith.constant 0 : i32
      %add3A_1256 = arith.addi %mul3A_1254, %add3A_1255 : i32
      %get3A_1257 = arith.index_cast %add3A_1256 : i32 to index
      %get3A_1258 = tpu.vector_load %arg4[%get3A_1257] {strides = array<i32>} : memref<16448xf32, #tpu.memory_space<vmem>>, vector<16xf32>,
      %get3A_1259 = vector.shape_cast %get3A_1258 : vector<16xf32> to vector<16xf32>
      %swap3A = arith.index_cast %while3A_1250 : i32 to index
      %swap3A_1260 = arith.constant 0 : index
      %swap3A_1261 = tpu.vector_load %arg5[%swap3A, %swap3A_1260] {strides = array<i32>} : memref<576x64xf32, #tpu.memory_space<vmem>>, vector<1x16xf32>,
      %swap3A_1262 = vector.shape_cast %swap3A_1261 : vector<1x16xf32> to vector<16xf32>
      %swap3A_1263 = vector.shape_cast %get3A_1259 : vector<16xf32> to vector<1x16xf32>
      tpu.vector_store %arg5[%swap3A, %swap3A_1260], %swap3A_1263 {strides = array<i32>} : memref<576x64xf32, #tpu.memory_space<vmem>>, vector<1x16xf32>,
      %sub3A_1264 = arith.subi %while3A_1250, %sub3A_641 : i32
      %mul3A_1265 = arith.constant 64 : i32
      %mul3A_1266 = arith.muli %sub3A_1264, %mul3A_1265 : i32
      %add3A_1267 = arith.constant 16 : i32
      %add3A_1268 = arith.addi %mul3A_1266, %add3A_1267 : i32
      %get3A_1269 = arith.index_cast %add3A_1268 : i32 to index
      %get3A_1270 = tpu.vector_load %arg4[%get3A_1269] {strides = array<i32>} : memref<16448xf32, #tpu.memory_space<vmem>>, vector<16xf32>,
      %get3A_1271 = vector.shape_cast %get3A_1270 : vector<16xf32> to vector<16xf32>
      %swap3A_1272 = arith.index_cast %while3A_1250 : i32 to index
      %swap3A_1273 = arith.constant 16 : index
      %swap3A_1274 = tpu.vector_load %arg5[%swap3A_1272, %swap3A_1273] {strides = array<i32>} : memref<576x64xf32, #tpu.memory_space<vmem>>, vector<1x16xf32>,
      %swap3A_1275 = vector.shape_cast %swap3A_1274 : vector<1x16xf32> to vector<16xf32>
      %swap3A_1276 = vector.shape_cast %get3A_1271 : vector<16xf32> to vector<1x16xf32>
      tpu.vector_store %arg5[%swap3A_1272, %swap3A_1273], %swap3A_1276 {strides = array<i32>} : memref<576x64xf32, #tpu.memory_space<vmem>>, vector<1x16xf32>,
      %sub3A_1277 = arith.subi %while3A_1250, %sub3A_641 : i32
      %mul3A_1278 = arith.constant 64 : i32
      %mul3A_1279 = arith.muli %sub3A_1277, %mul3A_1278 : i32
      %add3A_1280 = arith.constant 32 : i32
      %add3A_1281 = arith.addi %mul3A_1279, %add3A_1280 : i32
      %get3A_1282 = arith.index_cast %add3A_1281 : i32 to index
      %get3A_1283 = tpu.vector_load %arg4[%get3A_1282] {strides = array<i32>} : memref<16448xf32, #tpu.memory_space<vmem>>, vector<16xf32>,
      %get3A_1284 = vector.shape_cast %get3A_1283 : vector<16xf32> to vector<16xf32>
      %swap3A_1285 = arith.index_cast %while3A_1250 : i32 to index
      %swap3A_1286 = arith.constant 32 : index
      %swap3A_1287 = tpu.vector_load %arg5[%swap3A_1285, %swap3A_1286] {strides = array<i32>} : memref<576x64xf32, #tpu.memory_space<vmem>>, vector<1x16xf32>,
      %swap3A_1288 = vector.shape_cast %swap3A_1287 : vector<1x16xf32> to vector<16xf32>
      %swap3A_1289 = vector.shape_cast %get3A_1284 : vector<16xf32> to vector<1x16xf32>
      tpu.vector_store %arg5[%swap3A_1285, %swap3A_1286], %swap3A_1289 {strides = array<i32>} : memref<576x64xf32, #tpu.memory_space<vmem>>, vector<1x16xf32>,
      %sub3A_1290 = arith.subi %while3A_1250, %sub3A_641 : i32
      %mul3A_1291 = arith.constant 64 : i32
      %mul3A_1292 = arith.muli %sub3A_1290, %mul3A_1291 : i32
      %add3A_1293 = arith.constant 48 : i32
      %add3A_1294 = arith.addi %mul3A_1292, %add3A_1293 : i32
      %get3A_1295 = arith.index_cast %add3A_1294 : i32 to index
      %get3A_1296 = tpu.vector_load %arg4[%get3A_1295] {strides = array<i32>} : memref<16448xf32, #tpu.memory_space<vmem>>, vector<16xf32>,
      %get3A_1297 = vector.shape_cast %get3A_1296 : vector<16xf32> to vector<16xf32>
      %swap3A_1298 = arith.index_cast %while3A_1250 : i32 to index
      %swap3A_1299 = arith.constant 48 : index
      %swap3A_1300 = tpu.vector_load %arg5[%swap3A_1298, %swap3A_1299] {strides = array<i32>} : memref<576x64xf32, #tpu.memory_space<vmem>>, vector<1x16xf32>,
      %swap3A_1301 = vector.shape_cast %swap3A_1300 : vector<1x16xf32> to vector<16xf32>
      %swap3A_1302 = vector.shape_cast %get3A_1297 : vector<16xf32> to vector<1x16xf32>
      tpu.vector_store %arg5[%swap3A_1298, %swap3A_1299], %swap3A_1302 {strides = array<i32>} : memref<576x64xf32, #tpu.memory_space<vmem>>, vector<1x16xf32>,
      %while3A_1303 = arith.constant 0 : i32
      scf.yield %while3A_1303 : i32
    }
    %while3A_685 = arith.constant 1 : i32
    %while3A_686 = scf.for %while3A_1250 = %while3A_682 to %while3A_678 step %while3A_685 iter_args(%while3A_1251 = %while3A_684) -> (i32)  : i32 {
      %sub3A_1252 = arith.subi %while3A_1250, %sub3A_641 : i32
      %mul3A_1253 = arith.constant 64 : i32
      %mul3A_1254 = arith.muli %sub3A_1252, %mul3A_1253 : i32
      %add3A_1255 = arith.constant 0 : i32
      %add3A_1256 = arith.addi %mul3A_1254, %add3A_1255 : i32
      %get3A_1257 = arith.index_cast %add3A_1256 : i32 to index
      %get3A_1258 = tpu.vector_load %arg4[%get3A_1257] {strides = array<i32>} : memref<16448xf32, #tpu.memory_space<vmem>>, vector<16xf32>,
      %get3A_1259 = vector.shape_cast %get3A_1258 : vector<16xf32> to vector<16xf32>
      %swap3A = arith.index_cast %while3A_1250 : i32 to index
      %swap3A_1260 = arith.constant 0 : index
      %swap3A_1261 = tpu.vector_load %arg5[%swap3A, %swap3A_1260] {strides = array<i32>} : memref<576x64xf32, #tpu.memory_space<vmem>>, vector<1x16xf32>,
      %swap3A_1262 = vector.shape_cast %swap3A_1261 : vector<1x16xf32> to vector<16xf32>
      %swap3A_1263 = vector.shape_cast %get3A_1259 : vector<16xf32> to vector<1x16xf32>
      tpu.vector_store %arg5[%swap3A, %swap3A_1260], %swap3A_1263 {strides = array<i32>} : memref<576x64xf32, #tpu.memory_space<vmem>>, vector<1x16xf32>,
      %sub3A_1264 = arith.subi %while3A_1250, %sub3A_641 : i32
      %mul3A_1265 = arith.constant 64 : i32
      %mul3A_1266 = arith.muli %sub3A_1264, %mul3A_1265 : i32
      %add3A_1267 = arith.constant 16 : i32
      %add3A_1268 = arith.addi %mul3A_1266, %add3A_1267 : i32
      %get3A_1269 = arith.index_cast %add3A_1268 : i32 to index
      %get3A_1270 = tpu.vector_load %arg4[%get3A_1269] {strides = array<i32>} : memref<16448xf32, #tpu.memory_space<vmem>>, vector<16xf32>,
      %get3A_1271 = vector.shape_cast %get3A_1270 : vector<16xf32> to vector<16xf32>
      %swap3A_1272 = arith.index_cast %while3A_1250 : i32 to index
      %swap3A_1273 = arith.constant 16 : index
      %swap3A_1274 = tpu.vector_load %arg5[%swap3A_1272, %swap3A_1273] {strides = array<i32>} : memref<576x64xf32, #tpu.memory_space<vmem>>, vector<1x16xf32>,
      %swap3A_1275 = vector.shape_cast %swap3A_1274 : vector<1x16xf32> to vector<16xf32>
      %swap3A_1276 = vector.shape_cast %get3A_1271 : vector<16xf32> to vector<1x16xf32>
      tpu.vector_store %arg5[%swap3A_1272, %swap3A_1273], %swap3A_1276 {strides = array<i32>} : memref<576x64xf32, #tpu.memory_space<vmem>>, vector<1x16xf32>,
      %sub3A_1277 = arith.subi %while3A_1250, %sub3A_641 : i32
      %mul3A_1278 = arith.constant 64 : i32
      %mul3A_1279 = arith.muli %sub3A_1277, %mul3A_1278 : i32
      %add3A_1280 = arith.constant 32 : i32
      %add3A_1281 = arith.addi %mul3A_1279, %add3A_1280 : i32
      %get3A_1282 = arith.index_cast %add3A_1281 : i32 to index
      %get3A_1283 = tpu.vector_load %arg4[%get3A_1282] {strides = array<i32>} : memref<16448xf32, #tpu.memory_space<vmem>>, vector<16xf32>,
      %get3A_1284 = vector.shape_cast %get3A_1283 : vector<16xf32> to vector<16xf32>
      %swap3A_1285 = arith.index_cast %while3A_1250 : i32 to index
      %swap3A_1286 = arith.constant 32 : index
      %swap3A_1287 = tpu.vector_load %arg5[%swap3A_1285, %swap3A_1286] {strides = array<i32>} : memref<576x64xf32, #tpu.memory_space<vmem>>, vector<1x16xf32>,
      %swap3A_1288 = vector.shape_cast %swap3A_1287 : vector<1x16xf32> to vector<16xf32>
      %swap3A_1289 = vector.shape_cast %get3A_1284 : vector<16xf32> to vector<1x16xf32>
      tpu.vector_store %arg5[%swap3A_1285, %swap3A_1286], %swap3A_1289 {strides = array<i32>} : memref<576x64xf32, #tpu.memory_space<vmem>>, vector<1x16xf32>,
      %sub3A_1290 = arith.subi %while3A_1250, %sub3A_641 : i32
      %mul3A_1291 = arith.constant 64 : i32
      %mul3A_1292 = arith.muli %sub3A_1290, %mul3A_1291 : i32
      %add3A_1293 = arith.constant 48 : i32
      %add3A_1294 = arith.addi %mul3A_1292, %add3A_1293 : i32
      %get3A_1295 = arith.index_cast %add3A_1294 : i32 to index
      %get3A_1296 = tpu.vector_load %arg4[%get3A_1295] {strides = array<i32>} : memref<16448xf32, #tpu.memory_space<vmem>>, vector<16xf32>,
      %get3A_1297 = vector.shape_cast %get3A_1296 : vector<16xf32> to vector<16xf32>
      %swap3A_1298 = arith.index_cast %while3A_1250 : i32 to index
      %swap3A_1299 = arith.constant 48 : index
      %swap3A_1300 = tpu.vector_load %arg5[%swap3A_1298, %swap3A_1299] {strides = array<i32>} : memref<576x64xf32, #tpu.memory_space<vmem>>, vector<1x16xf32>,
      %swap3A_1301 = vector.shape_cast %swap3A_1300 : vector<1x16xf32> to vector<16xf32>
      %swap3A_1302 = vector.shape_cast %get3A_1297 : vector<16xf32> to vector<1x16xf32>
      tpu.vector_store %arg5[%swap3A_1298, %swap3A_1299], %swap3A_1302 {strides = array<i32>} : memref<576x64xf32, #tpu.memory_space<vmem>>, vector<1x16xf32>,
      %while3A_1303 = arith.constant 0 : i32
      scf.yield %while3A_1303 : i32
    }
    %add3A_687 = arith.constant 0 : i32
    %add3A_688 = arith.addi %mul3A_2, %add3A_687 : i32
    %dma_start3A_689 = arith.constant 63 : i32
    %dma_start3A_690 = arith.constant 0 : i32
    %dma_start3A_691 = tpu.memref_slice %arg5[%dma_start3A_689, %dma_start3A_690] : memref<576x64xf32, #tpu.memory_space<vmem>> -> memref<512x64xf32, #tpu.memory_space<vmem>>
    %dma_start3A_692 = arith.constant 1024 : i32
    %dma_start3A_693 = arith.constant 0 : i32
    %dma_start3A_694 = tpu.memref_slice %arg3[%add3A_688, %dma_start3A_692, %dma_start3A_693] : memref<2048x2048x64xf32, #tpu.memory_space<hbm>> -> memref<1x512x64xf32, #tpu.memory_space<hbm>>
    %dma_start3A_695 = tpu.memref_squeeze %dma_start3A_694 : memref<1x512x64xf32, #tpu.memory_space<hbm>> -> memref<512x64xf32, #tpu.memory_space<hbm>>
    %dma_start3A_696 = arith.constant 1024 : i32
    %dma_start3A_697 = arith.constant 0 : i32
    %dma_start3A_698 = tpu.memref_slice %arg3[%add3A_688, %dma_start3A_696, %dma_start3A_697] : memref<2048x2048x64xf32, #tpu.memory_space<hbm>> -> memref<1x512x64xf32, #tpu.memory_space<hbm>>
    %dma_start3A_699 = tpu.memref_squeeze %dma_start3A_698 : memref<1x512x64xf32, #tpu.memory_space<hbm>> -> memref<512x64xf32, #tpu.memory_space<hbm>>
    %dma_start3A_700 = arith.constant 63 : i32
    %dma_start3A_701 = arith.constant 0 : i32
    %dma_start3A_702 = tpu.memref_slice %arg5[%dma_start3A_700, %dma_start3A_701] : memref<576x64xf32, #tpu.memory_space<vmem>> -> memref<512x64xf32, #tpu.memory_space<vmem>>
    tpu.enqueue_dma source(%dma_start3A_702 : memref<512x64xf32, #tpu.memory_space<vmem>>) target(%dma_start3A_699 : memref<512x64xf32, #tpu.memory_space<hbm>>) target_semaphore(%arg6 : memref<!tpu.dma_semaphore, #tpu.memory_space<semaphore_mem>>)
    %add3A_703 = arith.constant 1 : i32
    %add3A_704 = arith.addi %mul3A_2, %add3A_703 : i32
    %dma_start3A_705 = arith.constant 62 : i32
    %dma_start3A_706 = arith.constant 0 : i32
    %dma_start3A_707 = tpu.memref_slice %arg5[%dma_start3A_705, %dma_start3A_706] : memref<576x64xf32, #tpu.memory_space<vmem>> -> memref<512x64xf32, #tpu.memory_space<vmem>>
    %dma_start3A_708 = arith.constant 1024 : i32
    %dma_start3A_709 = arith.constant 0 : i32
    %dma_start3A_710 = tpu.memref_slice %arg3[%add3A_704, %dma_start3A_708, %dma_start3A_709] : memref<2048x2048x64xf32, #tpu.memory_space<hbm>> -> memref<1x512x64xf32, #tpu.memory_space<hbm>>
    %dma_start3A_711 = tpu.memref_squeeze %dma_start3A_710 : memref<1x512x64xf32, #tpu.memory_space<hbm>> -> memref<512x64xf32, #tpu.memory_space<hbm>>
    %dma_start3A_712 = arith.constant 1024 : i32
    %dma_start3A_713 = arith.constant 0 : i32
    %dma_start3A_714 = tpu.memref_slice %arg3[%add3A_704, %dma_start3A_712, %dma_start3A_713] : memref<2048x2048x64xf32, #tpu.memory_space<hbm>> -> memref<1x512x64xf32, #tpu.memory_space<hbm>>
    %dma_start3A_715 = tpu.memref_squeeze %dma_start3A_714 : memref<1x512x64xf32, #tpu.memory_space<hbm>> -> memref<512x64xf32, #tpu.memory_space<hbm>>
    %dma_start3A_716 = arith.constant 62 : i32
    %dma_start3A_717 = arith.constant 0 : i32
    %dma_start3A_718 = tpu.memref_slice %arg5[%dma_start3A_716, %dma_start3A_717] : memref<576x64xf32, #tpu.memory_space<vmem>> -> memref<512x64xf32, #tpu.memory_space<vmem>>
    tpu.enqueue_dma source(%dma_start3A_718 : memref<512x64xf32, #tpu.memory_space<vmem>>) target(%dma_start3A_715 : memref<512x64xf32, #tpu.memory_space<hbm>>) target_semaphore(%arg6 : memref<!tpu.dma_semaphore, #tpu.memory_space<semaphore_mem>>)
    %add3A_719 = arith.constant 2 : i32
    %add3A_720 = arith.addi %mul3A_2, %add3A_719 : i32
    %dma_start3A_721 = arith.constant 61 : i32
    %dma_start3A_722 = arith.constant 0 : i32
    %dma_start3A_723 = tpu.memref_slice %arg5[%dma_start3A_721, %dma_start3A_722] : memref<576x64xf32, #tpu.memory_space<vmem>> -> memref<512x64xf32, #tpu.memory_space<vmem>>
    %dma_start3A_724 = arith.constant 1024 : i32
    %dma_start3A_725 = arith.constant 0 : i32
    %dma_start3A_726 = tpu.memref_slice %arg3[%add3A_720, %dma_start3A_724, %dma_start3A_725] : memref<2048x2048x64xf32, #tpu.memory_space<hbm>> -> memref<1x512x64xf32, #tpu.memory_space<hbm>>
    %dma_start3A_727 = tpu.memref_squeeze %dma_start3A_726 : memref<1x512x64xf32, #tpu.memory_space<hbm>> -> memref<512x64xf32, #tpu.memory_space<hbm>>
    %dma_start3A_728 = arith.constant 1024 : i32
    %dma_start3A_729 = arith.constant 0 : i32
    %dma_start3A_730 = tpu.memref_slice %arg3[%add3A_720, %dma_start3A_728, %dma_start3A_729] : memref<2048x2048x64xf32, #tpu.memory_space<hbm>> -> memref<1x512x64xf32, #tpu.memory_space<hbm>>
    %dma_start3A_731 = tpu.memref_squeeze %dma_start3A_730 : memref<1x512x64xf32, #tpu.memory_space<hbm>> -> memref<512x64xf32, #tpu.memory_space<hbm>>
    %dma_start3A_732 = arith.constant 61 : i32
    %dma_start3A_733 = arith.constant 0 : i32
    %dma_start3A_734 = tpu.memref_slice %arg5[%dma_start3A_732, %dma_start3A_733] : memref<576x64xf32, #tpu.memory_space<vmem>> -> memref<512x64xf32, #tpu.memory_space<vmem>>
    tpu.enqueue_dma source(%dma_start3A_734 : memref<512x64xf32, #tpu.memory_space<vmem>>) target(%dma_start3A_731 : memref<512x64xf32, #tpu.memory_space<hbm>>) target_semaphore(%arg6 : memref<!tpu.dma_semaphore, #tpu.memory_space<semaphore_mem>>)
    %add3A_735 = arith.constant 3 : i32
    %add3A_736 = arith.addi %mul3A_2, %add3A_735 : i32
    %dma_start3A_737 = arith.constant 60 : i32
    %dma_start3A_738 = arith.constant 0 : i32
    %dma_start3A_739 = tpu.memref_slice %arg5[%dma_start3A_737, %dma_start3A_738] : memref<576x64xf32, #tpu.memory_space<vmem>> -> memref<512x64xf32, #tpu.memory_space<vmem>>
    %dma_start3A_740 = arith.constant 1024 : i32
    %dma_start3A_741 = arith.constant 0 : i32
    %dma_start3A_742 = tpu.memref_slice %arg3[%add3A_736, %dma_start3A_740, %dma_start3A_741] : memref<2048x2048x64xf32, #tpu.memory_space<hbm>> -> memref<1x512x64xf32, #tpu.memory_space<hbm>>
    %dma_start3A_743 = tpu.memref_squeeze %dma_start3A_742 : memref<1x512x64xf32, #tpu.memory_space<hbm>> -> memref<512x64xf32, #tpu.memory_space<hbm>>
    %dma_start3A_744 = arith.constant 1024 : i32
    %dma_start3A_745 = arith.constant 0 : i32
    %dma_start3A_746 = tpu.memref_slice %arg3[%add3A_736, %dma_start3A_744, %dma_start3A_745] : memref<2048x2048x64xf32, #tpu.memory_space<hbm>> -> memref<1x512x64xf32, #tpu.memory_space<hbm>>
    %dma_start3A_747 = tpu.memref_squeeze %dma_start3A_746 : memref<1x512x64xf32, #tpu.memory_space<hbm>> -> memref<512x64xf32, #tpu.memory_space<hbm>>
    %dma_start3A_748 = arith.constant 60 : i32
    %dma_start3A_749 = arith.constant 0 : i32
    %dma_start3A_750 = tpu.memref_slice %arg5[%dma_start3A_748, %dma_start3A_749] : memref<576x64xf32, #tpu.memory_space<vmem>> -> memref<512x64xf32, #tpu.memory_space<vmem>>
    tpu.enqueue_dma source(%dma_start3A_750 : memref<512x64xf32, #tpu.memory_space<vmem>>) target(%dma_start3A_747 : memref<512x64xf32, #tpu.memory_space<hbm>>) target_semaphore(%arg6 : memref<!tpu.dma_semaphore, #tpu.memory_space<semaphore_mem>>)
    %add3A_751 = arith.constant 4 : i32
    %add3A_752 = arith.addi %mul3A_2, %add3A_751 : i32
    %dma_start3A_753 = arith.constant 59 : i32
    %dma_start3A_754 = arith.constant 0 : i32
    %dma_start3A_755 = tpu.memref_slice %arg5[%dma_start3A_753, %dma_start3A_754] : memref<576x64xf32, #tpu.memory_space<vmem>> -> memref<512x64xf32, #tpu.memory_space<vmem>>
    %dma_start3A_756 = arith.constant 1024 : i32
    %dma_start3A_757 = arith.constant 0 : i32
    %dma_start3A_758 = tpu.memref_slice %arg3[%add3A_752, %dma_start3A_756, %dma_start3A_757] : memref<2048x2048x64xf32, #tpu.memory_space<hbm>> -> memref<1x512x64xf32, #tpu.memory_space<hbm>>
    %dma_start3A_759 = tpu.memref_squeeze %dma_start3A_758 : memref<1x512x64xf32, #tpu.memory_space<hbm>> -> memref<512x64xf32, #tpu.memory_space<hbm>>
    %dma_start3A_760 = arith.constant 1024 : i32
    %dma_start3A_761 = arith.constant 0 : i32
    %dma_start3A_762 = tpu.memref_slice %arg3[%add3A_752, %dma_start3A_760, %dma_start3A_761] : memref<2048x2048x64xf32, #tpu.memory_space<hbm>> -> memref<1x512x64xf32, #tpu.memory_space<hbm>>
    %dma_start3A_763 = tpu.memref_squeeze %dma_start3A_762 : memref<1x512x64xf32, #tpu.memory_space<hbm>> -> memref<512x64xf32, #tpu.memory_space<hbm>>
    %dma_start3A_764 = arith.constant 59 : i32
    %dma_start3A_765 = arith.constant 0 : i32
    %dma_start3A_766 = tpu.memref_slice %arg5[%dma_start3A_764, %dma_start3A_765] : memref<576x64xf32, #tpu.memory_space<vmem>> -> memref<512x64xf32, #tpu.memory_space<vmem>>
    tpu.enqueue_dma source(%dma_start3A_766 : memref<512x64xf32, #tpu.memory_space<vmem>>) target(%dma_start3A_763 : memref<512x64xf32, #tpu.memory_space<hbm>>) target_semaphore(%arg6 : memref<!tpu.dma_semaphore, #tpu.memory_space<semaphore_mem>>)
    %add3A_767 = arith.constant 5 : i32
    %add3A_768 = arith.addi %mul3A_2, %add3A_767 : i32
    %dma_start3A_769 = arith.constant 58 : i32
    %dma_start3A_770 = arith.constant 0 : i32
    %dma_start3A_771 = tpu.memref_slice %arg5[%dma_start3A_769, %dma_start3A_770] : memref<576x64xf32, #tpu.memory_space<vmem>> -> memref<512x64xf32, #tpu.memory_space<vmem>>
    %dma_start3A_772 = arith.constant 1024 : i32
    %dma_start3A_773 = arith.constant 0 : i32
    %dma_start3A_774 = tpu.memref_slice %arg3[%add3A_768, %dma_start3A_772, %dma_start3A_773] : memref<2048x2048x64xf32, #tpu.memory_space<hbm>> -> memref<1x512x64xf32, #tpu.memory_space<hbm>>
    %dma_start3A_775 = tpu.memref_squeeze %dma_start3A_774 : memref<1x512x64xf32, #tpu.memory_space<hbm>> -> memref<512x64xf32, #tpu.memory_space<hbm>>
    %dma_start3A_776 = arith.constant 1024 : i32
    %dma_start3A_777 = arith.constant 0 : i32
    %dma_start3A_778 = tpu.memref_slice %arg3[%add3A_768, %dma_start3A_776, %dma_start3A_777] : memref<2048x2048x64xf32, #tpu.memory_space<hbm>> -> memref<1x512x64xf32, #tpu.memory_space<hbm>>
    %dma_start3A_779 = tpu.memref_squeeze %dma_start3A_778 : memref<1x512x64xf32, #tpu.memory_space<hbm>> -> memref<512x64xf32, #tpu.memory_space<hbm>>
    %dma_start3A_780 = arith.constant 58 : i32
    %dma_start3A_781 = arith.constant 0 : i32
    %dma_start3A_782 = tpu.memref_slice %arg5[%dma_start3A_780, %dma_start3A_781] : memref<576x64xf32, #tpu.memory_space<vmem>> -> memref<512x64xf32, #tpu.memory_space<vmem>>
    tpu.enqueue_dma source(%dma_start3A_782 : memref<512x64xf32, #tpu.memory_space<vmem>>) target(%dma_start3A_779 : memref<512x64xf32, #tpu.memory_space<hbm>>) target_semaphore(%arg6 : memref<!tpu.dma_semaphore, #tpu.memory_space<semaphore_mem>>)
    %add3A_783 = arith.constant 6 : i32
    %add3A_784 = arith.addi %mul3A_2, %add3A_783 : i32
    %dma_start3A_785 = arith.constant 57 : i32
    %dma_start3A_786 = arith.constant 0 : i32
    %dma_start3A_787 = tpu.memref_slice %arg5[%dma_start3A_785, %dma_start3A_786] : memref<576x64xf32, #tpu.memory_space<vmem>> -> memref<512x64xf32, #tpu.memory_space<vmem>>
    %dma_start3A_788 = arith.constant 1024 : i32
    %dma_start3A_789 = arith.constant 0 : i32
    %dma_start3A_790 = tpu.memref_slice %arg3[%add3A_784, %dma_start3A_788, %dma_start3A_789] : memref<2048x2048x64xf32, #tpu.memory_space<hbm>> -> memref<1x512x64xf32, #tpu.memory_space<hbm>>
    %dma_start3A_791 = tpu.memref_squeeze %dma_start3A_790 : memref<1x512x64xf32, #tpu.memory_space<hbm>> -> memref<512x64xf32, #tpu.memory_space<hbm>>
    %dma_start3A_792 = arith.constant 1024 : i32
    %dma_start3A_793 = arith.constant 0 : i32
    %dma_start3A_794 = tpu.memref_slice %arg3[%add3A_784, %dma_start3A_792, %dma_start3A_793] : memref<2048x2048x64xf32, #tpu.memory_space<hbm>> -> memref<1x512x64xf32, #tpu.memory_space<hbm>>
    %dma_start3A_795 = tpu.memref_squeeze %dma_start3A_794 : memref<1x512x64xf32, #tpu.memory_space<hbm>> -> memref<512x64xf32, #tpu.memory_space<hbm>>
    %dma_start3A_796 = arith.constant 57 : i32
    %dma_start3A_797 = arith.constant 0 : i32
    %dma_start3A_798 = tpu.memref_slice %arg5[%dma_start3A_796, %dma_start3A_797] : memref<576x64xf32, #tpu.memory_space<vmem>> -> memref<512x64xf32, #tpu.memory_space<vmem>>
    tpu.enqueue_dma source(%dma_start3A_798 : memref<512x64xf32, #tpu.memory_space<vmem>>) target(%dma_start3A_795 : memref<512x64xf32, #tpu.memory_space<hbm>>) target_semaphore(%arg6 : memref<!tpu.dma_semaphore, #tpu.memory_space<semaphore_mem>>)
    %add3A_799 = arith.constant 7 : i32
    %add3A_800 = arith.addi %mul3A_2, %add3A_799 : i32
    %dma_start3A_801 = arith.constant 56 : i32
    %dma_start3A_802 = arith.constant 0 : i32
    %dma_start3A_803 = tpu.memref_slice %arg5[%dma_start3A_801, %dma_start3A_802] : memref<576x64xf32, #tpu.memory_space<vmem>> -> memref<512x64xf32, #tpu.memory_space<vmem>>
    %dma_start3A_804 = arith.constant 1024 : i32
    %dma_start3A_805 = arith.constant 0 : i32
    %dma_start3A_806 = tpu.memref_slice %arg3[%add3A_800, %dma_start3A_804, %dma_start3A_805] : memref<2048x2048x64xf32, #tpu.memory_space<hbm>> -> memref<1x512x64xf32, #tpu.memory_space<hbm>>
    %dma_start3A_807 = tpu.memref_squeeze %dma_start3A_806 : memref<1x512x64xf32, #tpu.memory_space<hbm>> -> memref<512x64xf32, #tpu.memory_space<hbm>>
    %dma_start3A_808 = arith.constant 1024 : i32
    %dma_start3A_809 = arith.constant 0 : i32
    %dma_start3A_810 = tpu.memref_slice %arg3[%add3A_800, %dma_start3A_808, %dma_start3A_809] : memref<2048x2048x64xf32, #tpu.memory_space<hbm>> -> memref<1x512x64xf32, #tpu.memory_space<hbm>>
    %dma_start3A_811 = tpu.memref_squeeze %dma_start3A_810 : memref<1x512x64xf32, #tpu.memory_space<hbm>> -> memref<512x64xf32, #tpu.memory_space<hbm>>
    %dma_start3A_812 = arith.constant 56 : i32
    %dma_start3A_813 = arith.constant 0 : i32
    %dma_start3A_814 = tpu.memref_slice %arg5[%dma_start3A_812, %dma_start3A_813] : memref<576x64xf32, #tpu.memory_space<vmem>> -> memref<512x64xf32, #tpu.memory_space<vmem>>
    tpu.enqueue_dma source(%dma_start3A_814 : memref<512x64xf32, #tpu.memory_space<vmem>>) target(%dma_start3A_811 : memref<512x64xf32, #tpu.memory_space<hbm>>) target_semaphore(%arg6 : memref<!tpu.dma_semaphore, #tpu.memory_space<semaphore_mem>>)
    %scan3A_815 = arith.constant 0 : i32
    %scan3A_816 = arith.constant 0 : i32
    %scan3A_817 = arith.constant 56 : i32
    %scan3A_818 = arith.addi %scan3A_816, %scan3A_817 : i32
    %scan3A_819 = arith.constant 1 : i32
    %scan3A_820 = scf.for %scan3A_1250 = %scan3A_816 to %scan3A_818 step %scan3A_819 iter_args(%scan3A_1251 = %scan3A_815) -> (i32)  : i32 {
      %dma_wait3A_1252 = arith.constant 0 : i32
      %dma_wait3A_1253 = arith.constant 0 : i32
      %dma_wait3A_1254 = arith.constant 0 : i32
      %dma_wait3A_1255 = tpu.memref_slice %arg5[%dma_wait3A_1253, %dma_wait3A_1254] : memref<576x64xf32, #tpu.memory_space<vmem>> -> memref<512x64xf32, #tpu.memory_space<vmem>>
      %dma_wait3A_1256 = arith.constant 0 : i32
      %dma_wait3A_1257 = arith.constant 0 : i32
      %dma_wait3A_1258 = tpu.memref_slice %arg3[%dma_wait3A_1252, %dma_wait3A_1256, %dma_wait3A_1257] : memref<2048x2048x64xf32, #tpu.memory_space<hbm>> -> memref<1x512x64xf32, #tpu.memory_space<hbm>>
      %dma_wait3A_1259 = tpu.memref_squeeze %dma_wait3A_1258 : memref<1x512x64xf32, #tpu.memory_space<hbm>> -> memref<512x64xf32, #tpu.memory_space<hbm>>
      %dma_wait3A_1260 = arith.constant 0 : i32
      %dma_wait3A_1261 = arith.constant 0 : i32
      %dma_wait3A_1262 = tpu.memref_slice %arg3[%dma_wait3A_1252, %dma_wait3A_1260, %dma_wait3A_1261] : memref<2048x2048x64xf32, #tpu.memory_space<hbm>> -> memref<1x512x64xf32, #tpu.memory_space<hbm>>
      %dma_wait3A_1263 = tpu.memref_squeeze %dma_wait3A_1262 : memref<1x512x64xf32, #tpu.memory_space<hbm>> -> memref<512x64xf32, #tpu.memory_space<hbm>>
      %dma_wait3A_1264 = arith.constant 0 : i32
      %dma_wait3A_1265 = arith.constant 0 : i32
      %dma_wait3A_1266 = tpu.memref_slice %arg5[%dma_wait3A_1264, %dma_wait3A_1265] : memref<576x64xf32, #tpu.memory_space<vmem>> -> memref<512x64xf32, #tpu.memory_space<vmem>>
      tpu.wait_dma2 semaphore(%arg6 : memref<!tpu.dma_semaphore, #tpu.memory_space<semaphore_mem>>) src(%dma_wait3A_1266 : memref<512x64xf32, #tpu.memory_space<vmem>>) dst(%dma_wait3A_1263 : memref<512x64xf32, #tpu.memory_space<hbm>>)
      %add3A_1267 = arith.constant 8 : i32
      %add3A_1268 = arith.addi %add3A_1267, %scan3A_1250 : i32
      %sub3A_1269 = arith.constant 63 : i32
      %sub3A_1270 = arith.subi %sub3A_1269, %add3A_1268 : i32
      %add3A_1271 = arith.addi %mul3A_2, %add3A_1268 : i32
      %dma_start3A_1272 = arith.constant 0 : i32
      %dma_start3A_1273 = tpu.memref_slice %arg5[%sub3A_1270, %dma_start3A_1272] : memref<576x64xf32, #tpu.memory_space<vmem>> -> memref<512x64xf32, #tpu.memory_space<vmem>>
      %dma_start3A_1274 = arith.constant 1024 : i32
      %dma_start3A_1275 = arith.constant 0 : i32
      %dma_start3A_1276 = tpu.memref_slice %arg3[%add3A_1271, %dma_start3A_1274, %dma_start3A_1275] : memref<2048x2048x64xf32, #tpu.memory_space<hbm>> -> memref<1x512x64xf32, #tpu.memory_space<hbm>>
      %dma_start3A_1277 = tpu.memref_squeeze %dma_start3A_1276 : memref<1x512x64xf32, #tpu.memory_space<hbm>> -> memref<512x64xf32, #tpu.memory_space<hbm>>
      %dma_start3A_1278 = arith.constant 1024 : i32
      %dma_start3A_1279 = arith.constant 0 : i32
      %dma_start3A_1280 = tpu.memref_slice %arg3[%add3A_1271, %dma_start3A_1278, %dma_start3A_1279] : memref<2048x2048x64xf32, #tpu.memory_space<hbm>> -> memref<1x512x64xf32, #tpu.memory_space<hbm>>
      %dma_start3A_1281 = tpu.memref_squeeze %dma_start3A_1280 : memref<1x512x64xf32, #tpu.memory_space<hbm>> -> memref<512x64xf32, #tpu.memory_space<hbm>>
      %dma_start3A_1282 = arith.constant 0 : i32
      %dma_start3A_1283 = tpu.memref_slice %arg5[%sub3A_1270, %dma_start3A_1282] : memref<576x64xf32, #tpu.memory_space<vmem>> -> memref<512x64xf32, #tpu.memory_space<vmem>>
      tpu.enqueue_dma source(%dma_start3A_1283 : memref<512x64xf32, #tpu.memory_space<vmem>>) target(%dma_start3A_1281 : memref<512x64xf32, #tpu.memory_space<hbm>>) target_semaphore(%arg6 : memref<!tpu.dma_semaphore, #tpu.memory_space<semaphore_mem>>)
      %scan3A_1284 = arith.constant 0 : i32
      scf.yield %scan3A_1284 : i32
    }
    %scan3A_821 = arith.constant 56 : i32
    %dma_wait3A_822 = arith.constant 0 : i32
    %dma_wait3A_823 = arith.constant 0 : i32
    %dma_wait3A_824 = arith.constant 0 : i32
    %dma_wait3A_825 = tpu.memref_slice %arg5[%dma_wait3A_823, %dma_wait3A_824] : memref<576x64xf32, #tpu.memory_space<vmem>> -> memref<512x64xf32, #tpu.memory_space<vmem>>
    %dma_wait3A_826 = arith.constant 0 : i32
    %dma_wait3A_827 = arith.constant 0 : i32
    %dma_wait3A_828 = tpu.memref_slice %arg3[%dma_wait3A_822, %dma_wait3A_826, %dma_wait3A_827] : memref<2048x2048x64xf32, #tpu.memory_space<hbm>> -> memref<1x512x64xf32, #tpu.memory_space<hbm>>
    %dma_wait3A_829 = tpu.memref_squeeze %dma_wait3A_828 : memref<1x512x64xf32, #tpu.memory_space<hbm>> -> memref<512x64xf32, #tpu.memory_space<hbm>>
    %dma_wait3A_830 = arith.constant 0 : i32
    %dma_wait3A_831 = arith.constant 0 : i32
    %dma_wait3A_832 = tpu.memref_slice %arg3[%dma_wait3A_822, %dma_wait3A_830, %dma_wait3A_831] : memref<2048x2048x64xf32, #tpu.memory_space<hbm>> -> memref<1x512x64xf32, #tpu.memory_space<hbm>>
    %dma_wait3A_833 = tpu.memref_squeeze %dma_wait3A_832 : memref<1x512x64xf32, #tpu.memory_space<hbm>> -> memref<512x64xf32, #tpu.memory_space<hbm>>
    %dma_wait3A_834 = arith.constant 0 : i32
    %dma_wait3A_835 = arith.constant 0 : i32
    %dma_wait3A_836 = tpu.memref_slice %arg5[%dma_wait3A_834, %dma_wait3A_835] : memref<576x64xf32, #tpu.memory_space<vmem>> -> memref<512x64xf32, #tpu.memory_space<vmem>>
    tpu.wait_dma2 semaphore(%arg6 : memref<!tpu.dma_semaphore, #tpu.memory_space<semaphore_mem>>) src(%dma_wait3A_836 : memref<512x64xf32, #tpu.memory_space<vmem>>) dst(%dma_wait3A_833 : memref<512x64xf32, #tpu.memory_space<hbm>>)
    %dma_wait3A_837 = arith.constant 0 : i32
    %dma_wait3A_838 = arith.constant 0 : i32
    %dma_wait3A_839 = arith.constant 0 : i32
    %dma_wait3A_840 = tpu.memref_slice %arg5[%dma_wait3A_838, %dma_wait3A_839] : memref<576x64xf32, #tpu.memory_space<vmem>> -> memref<512x64xf32, #tpu.memory_space<vmem>>
    %dma_wait3A_841 = arith.constant 0 : i32
    %dma_wait3A_842 = arith.constant 0 : i32
    %dma_wait3A_843 = tpu.memref_slice %arg3[%dma_wait3A_837, %dma_wait3A_841, %dma_wait3A_842] : memref<2048x2048x64xf32, #tpu.memory_space<hbm>> -> memref<1x512x64xf32, #tpu.memory_space<hbm>>
    %dma_wait3A_844 = tpu.memref_squeeze %dma_wait3A_843 : memref<1x512x64xf32, #tpu.memory_space<hbm>> -> memref<512x64xf32, #tpu.memory_space<hbm>>
    %dma_wait3A_845 = arith.constant 0 : i32
    %dma_wait3A_846 = arith.constant 0 : i32
    %dma_wait3A_847 = tpu.memref_slice %arg3[%dma_wait3A_837, %dma_wait3A_845, %dma_wait3A_846] : memref<2048x2048x64xf32, #tpu.memory_space<hbm>> -> memref<1x512x64xf32, #tpu.memory_space<hbm>>
    %dma_wait3A_848 = tpu.memref_squeeze %dma_wait3A_847 : memref<1x512x64xf32, #tpu.memory_space<hbm>> -> memref<512x64xf32, #tpu.memory_space<hbm>>
    %dma_wait3A_849 = arith.constant 0 : i32
    %dma_wait3A_850 = arith.constant 0 : i32
    %dma_wait3A_851 = tpu.memref_slice %arg5[%dma_wait3A_849, %dma_wait3A_850] : memref<576x64xf32, #tpu.memory_space<vmem>> -> memref<512x64xf32, #tpu.memory_space<vmem>>
    tpu.wait_dma2 semaphore(%arg6 : memref<!tpu.dma_semaphore, #tpu.memory_space<semaphore_mem>>) src(%dma_wait3A_851 : memref<512x64xf32, #tpu.memory_space<vmem>>) dst(%dma_wait3A_848 : memref<512x64xf32, #tpu.memory_space<hbm>>)
    %dma_wait3A_852 = arith.constant 0 : i32
    %dma_wait3A_853 = arith.constant 0 : i32
    %dma_wait3A_854 = arith.constant 0 : i32
    %dma_wait3A_855 = tpu.memref_slice %arg5[%dma_wait3A_853, %dma_wait3A_854] : memref<576x64xf32, #tpu.memory_space<vmem>> -> memref<512x64xf32, #tpu.memory_space<vmem>>
    %dma_wait3A_856 = arith.constant 0 : i32
    %dma_wait3A_857 = arith.constant 0 : i32
    %dma_wait3A_858 = tpu.memref_slice %arg3[%dma_wait3A_852, %dma_wait3A_856, %dma_wait3A_857] : memref<2048x2048x64xf32, #tpu.memory_space<hbm>> -> memref<1x512x64xf32, #tpu.memory_space<hbm>>
    %dma_wait3A_859 = tpu.memref_squeeze %dma_wait3A_858 : memref<1x512x64xf32, #tpu.memory_space<hbm>> -> memref<512x64xf32, #tpu.memory_space<hbm>>
    %dma_wait3A_860 = arith.constant 0 : i32
    %dma_wait3A_861 = arith.constant 0 : i32
    %dma_wait3A_862 = tpu.memref_slice %arg3[%dma_wait3A_852, %dma_wait3A_860, %dma_wait3A_861] : memref<2048x2048x64xf32, #tpu.memory_space<hbm>> -> memref<1x512x64xf32, #tpu.memory_space<hbm>>
    %dma_wait3A_863 = tpu.memref_squeeze %dma_wait3A_862 : memref<1x512x64xf32, #tpu.memory_space<hbm>> -> memref<512x64xf32, #tpu.memory_space<hbm>>
    %dma_wait3A_864 = arith.constant 0 : i32
    %dma_wait3A_865 = arith.constant 0 : i32
    %dma_wait3A_866 = tpu.memref_slice %arg5[%dma_wait3A_864, %dma_wait3A_865] : memref<576x64xf32, #tpu.memory_space<vmem>> -> memref<512x64xf32, #tpu.memory_space<vmem>>
    tpu.wait_dma2 semaphore(%arg6 : memref<!tpu.dma_semaphore, #tpu.memory_space<semaphore_mem>>) src(%dma_wait3A_866 : memref<512x64xf32, #tpu.memory_space<vmem>>) dst(%dma_wait3A_863 : memref<512x64xf32, #tpu.memory_space<hbm>>)
    %dma_wait3A_867 = arith.constant 0 : i32
    %dma_wait3A_868 = arith.constant 0 : i32
    %dma_wait3A_869 = arith.constant 0 : i32
    %dma_wait3A_870 = tpu.memref_slice %arg5[%dma_wait3A_868, %dma_wait3A_869] : memref<576x64xf32, #tpu.memory_space<vmem>> -> memref<512x64xf32, #tpu.memory_space<vmem>>
    %dma_wait3A_871 = arith.constant 0 : i32
    %dma_wait3A_872 = arith.constant 0 : i32
    %dma_wait3A_873 = tpu.memref_slice %arg3[%dma_wait3A_867, %dma_wait3A_871, %dma_wait3A_872] : memref<2048x2048x64xf32, #tpu.memory_space<hbm>> -> memref<1x512x64xf32, #tpu.memory_space<hbm>>
    %dma_wait3A_874 = tpu.memref_squeeze %dma_wait3A_873 : memref<1x512x64xf32, #tpu.memory_space<hbm>> -> memref<512x64xf32, #tpu.memory_space<hbm>>
    %dma_wait3A_875 = arith.constant 0 : i32
    %dma_wait3A_876 = arith.constant 0 : i32
    %dma_wait3A_877 = tpu.memref_slice %arg3[%dma_wait3A_867, %dma_wait3A_875, %dma_wait3A_876] : memref<2048x2048x64xf32, #tpu.memory_space<hbm>> -> memref<1x512x64xf32, #tpu.memory_space<hbm>>
    %dma_wait3A_878 = tpu.memref_squeeze %dma_wait3A_877 : memref<1x512x64xf32, #tpu.memory_space<hbm>> -> memref<512x64xf32, #tpu.memory_space<hbm>>
    %dma_wait3A_879 = arith.constant 0 : i32
    %dma_wait3A_880 = arith.constant 0 : i32
    %dma_wait3A_881 = tpu.memref_slice %arg5[%dma_wait3A_879, %dma_wait3A_880] : memref<576x64xf32, #tpu.memory_space<vmem>> -> memref<512x64xf32, #tpu.memory_space<vmem>>
    tpu.wait_dma2 semaphore(%arg6 : memref<!tpu.dma_semaphore, #tpu.memory_space<semaphore_mem>>) src(%dma_wait3A_881 : memref<512x64xf32, #tpu.memory_space<vmem>>) dst(%dma_wait3A_878 : memref<512x64xf32, #tpu.memory_space<hbm>>)
    %dma_wait3A_882 = arith.constant 0 : i32
    %dma_wait3A_883 = arith.constant 0 : i32
    %dma_wait3A_884 = arith.constant 0 : i32
    %dma_wait3A_885 = tpu.memref_slice %arg5[%dma_wait3A_883, %dma_wait3A_884] : memref<576x64xf32, #tpu.memory_space<vmem>> -> memref<512x64xf32, #tpu.memory_space<vmem>>
    %dma_wait3A_886 = arith.constant 0 : i32
    %dma_wait3A_887 = arith.constant 0 : i32
    %dma_wait3A_888 = tpu.memref_slice %arg3[%dma_wait3A_882, %dma_wait3A_886, %dma_wait3A_887] : memref<2048x2048x64xf32, #tpu.memory_space<hbm>> -> memref<1x512x64xf32, #tpu.memory_space<hbm>>
    %dma_wait3A_889 = tpu.memref_squeeze %dma_wait3A_888 : memref<1x512x64xf32, #tpu.memory_space<hbm>> -> memref<512x64xf32, #tpu.memory_space<hbm>>
    %dma_wait3A_890 = arith.constant 0 : i32
    %dma_wait3A_891 = arith.constant 0 : i32
    %dma_wait3A_892 = tpu.memref_slice %arg3[%dma_wait3A_882, %dma_wait3A_890, %dma_wait3A_891] : memref<2048x2048x64xf32, #tpu.memory_space<hbm>> -> memref<1x512x64xf32, #tpu.memory_space<hbm>>
    %dma_wait3A_893 = tpu.memref_squeeze %dma_wait3A_892 : memref<1x512x64xf32, #tpu.memory_space<hbm>> -> memref<512x64xf32, #tpu.memory_space<hbm>>
    %dma_wait3A_894 = arith.constant 0 : i32
    %dma_wait3A_895 = arith.constant 0 : i32
    %dma_wait3A_896 = tpu.memref_slice %arg5[%dma_wait3A_894, %dma_wait3A_895] : memref<576x64xf32, #tpu.memory_space<vmem>> -> memref<512x64xf32, #tpu.memory_space<vmem>>
    tpu.wait_dma2 semaphore(%arg6 : memref<!tpu.dma_semaphore, #tpu.memory_space<semaphore_mem>>) src(%dma_wait3A_896 : memref<512x64xf32, #tpu.memory_space<vmem>>) dst(%dma_wait3A_893 : memref<512x64xf32, #tpu.memory_space<hbm>>)
    %dma_wait3A_897 = arith.constant 0 : i32
    %dma_wait3A_898 = arith.constant 0 : i32
    %dma_wait3A_899 = arith.constant 0 : i32
    %dma_wait3A_900 = tpu.memref_slice %arg5[%dma_wait3A_898, %dma_wait3A_899] : memref<576x64xf32, #tpu.memory_space<vmem>> -> memref<512x64xf32, #tpu.memory_space<vmem>>
    %dma_wait3A_901 = arith.constant 0 : i32
    %dma_wait3A_902 = arith.constant 0 : i32
    %dma_wait3A_903 = tpu.memref_slice %arg3[%dma_wait3A_897, %dma_wait3A_901, %dma_wait3A_902] : memref<2048x2048x64xf32, #tpu.memory_space<hbm>> -> memref<1x512x64xf32, #tpu.memory_space<hbm>>
    %dma_wait3A_904 = tpu.memref_squeeze %dma_wait3A_903 : memref<1x512x64xf32, #tpu.memory_space<hbm>> -> memref<512x64xf32, #tpu.memory_space<hbm>>
    %dma_wait3A_905 = arith.constant 0 : i32
    %dma_wait3A_906 = arith.constant 0 : i32
    %dma_wait3A_907 = tpu.memref_slice %arg3[%dma_wait3A_897, %dma_wait3A_905, %dma_wait3A_906] : memref<2048x2048x64xf32, #tpu.memory_space<hbm>> -> memref<1x512x64xf32, #tpu.memory_space<hbm>>
    %dma_wait3A_908 = tpu.memref_squeeze %dma_wait3A_907 : memref<1x512x64xf32, #tpu.memory_space<hbm>> -> memref<512x64xf32, #tpu.memory_space<hbm>>
    %dma_wait3A_909 = arith.constant 0 : i32
    %dma_wait3A_910 = arith.constant 0 : i32
    %dma_wait3A_911 = tpu.memref_slice %arg5[%dma_wait3A_909, %dma_wait3A_910] : memref<576x64xf32, #tpu.memory_space<vmem>> -> memref<512x64xf32, #tpu.memory_space<vmem>>
    tpu.wait_dma2 semaphore(%arg6 : memref<!tpu.dma_semaphore, #tpu.memory_space<semaphore_mem>>) src(%dma_wait3A_911 : memref<512x64xf32, #tpu.memory_space<vmem>>) dst(%dma_wait3A_908 : memref<512x64xf32, #tpu.memory_space<hbm>>)
    %dma_wait3A_912 = arith.constant 0 : i32
    %dma_wait3A_913 = arith.constant 0 : i32
    %dma_wait3A_914 = arith.constant 0 : i32
    %dma_wait3A_915 = tpu.memref_slice %arg5[%dma_wait3A_913, %dma_wait3A_914] : memref<576x64xf32, #tpu.memory_space<vmem>> -> memref<512x64xf32, #tpu.memory_space<vmem>>
    %dma_wait3A_916 = arith.constant 0 : i32
    %dma_wait3A_917 = arith.constant 0 : i32
    %dma_wait3A_918 = tpu.memref_slice %arg3[%dma_wait3A_912, %dma_wait3A_916, %dma_wait3A_917] : memref<2048x2048x64xf32, #tpu.memory_space<hbm>> -> memref<1x512x64xf32, #tpu.memory_space<hbm>>
    %dma_wait3A_919 = tpu.memref_squeeze %dma_wait3A_918 : memref<1x512x64xf32, #tpu.memory_space<hbm>> -> memref<512x64xf32, #tpu.memory_space<hbm>>
    %dma_wait3A_920 = arith.constant 0 : i32
    %dma_wait3A_921 = arith.constant 0 : i32
    %dma_wait3A_922 = tpu.memref_slice %arg3[%dma_wait3A_912, %dma_wait3A_920, %dma_wait3A_921] : memref<2048x2048x64xf32, #tpu.memory_space<hbm>> -> memref<1x512x64xf32, #tpu.memory_space<hbm>>
    %dma_wait3A_923 = tpu.memref_squeeze %dma_wait3A_922 : memref<1x512x64xf32, #tpu.memory_space<hbm>> -> memref<512x64xf32, #tpu.memory_space<hbm>>
    %dma_wait3A_924 = arith.constant 0 : i32
    %dma_wait3A_925 = arith.constant 0 : i32
    %dma_wait3A_926 = tpu.memref_slice %arg5[%dma_wait3A_924, %dma_wait3A_925] : memref<576x64xf32, #tpu.memory_space<vmem>> -> memref<512x64xf32, #tpu.memory_space<vmem>>
    tpu.wait_dma2 semaphore(%arg6 : memref<!tpu.dma_semaphore, #tpu.memory_space<semaphore_mem>>) src(%dma_wait3A_926 : memref<512x64xf32, #tpu.memory_space<vmem>>) dst(%dma_wait3A_923 : memref<512x64xf32, #tpu.memory_space<hbm>>)
    %dma_wait3A_927 = arith.constant 0 : i32
    %dma_wait3A_928 = arith.constant 0 : i32
    %dma_wait3A_929 = arith.constant 0 : i32
    %dma_wait3A_930 = tpu.memref_slice %arg5[%dma_wait3A_928, %dma_wait3A_929] : memref<576x64xf32, #tpu.memory_space<vmem>> -> memref<512x64xf32, #tpu.memory_space<vmem>>
    %dma_wait3A_931 = arith.constant 0 : i32
    %dma_wait3A_932 = arith.constant 0 : i32
    %dma_wait3A_933 = tpu.memref_slice %arg3[%dma_wait3A_927, %dma_wait3A_931, %dma_wait3A_932] : memref<2048x2048x64xf32, #tpu.memory_space<hbm>> -> memref<1x512x64xf32, #tpu.memory_space<hbm>>
    %dma_wait3A_934 = tpu.memref_squeeze %dma_wait3A_933 : memref<1x512x64xf32, #tpu.memory_space<hbm>> -> memref<512x64xf32, #tpu.memory_space<hbm>>
    %dma_wait3A_935 = arith.constant 0 : i32
    %dma_wait3A_936 = arith.constant 0 : i32
    %dma_wait3A_937 = tpu.memref_slice %arg3[%dma_wait3A_927, %dma_wait3A_935, %dma_wait3A_936] : memref<2048x2048x64xf32, #tpu.memory_space<hbm>> -> memref<1x512x64xf32, #tpu.memory_space<hbm>>
    %dma_wait3A_938 = tpu.memref_squeeze %dma_wait3A_937 : memref<1x512x64xf32, #tpu.memory_space<hbm>> -> memref<512x64xf32, #tpu.memory_space<hbm>>
    %dma_wait3A_939 = arith.constant 0 : i32
    %dma_wait3A_940 = arith.constant 0 : i32
    %dma_wait3A_941 = tpu.memref_slice %arg5[%dma_wait3A_939, %dma_wait3A_940] : memref<576x64xf32, #tpu.memory_space<vmem>> -> memref<512x64xf32, #tpu.memory_space<vmem>>
    tpu.wait_dma2 semaphore(%arg6 : memref<!tpu.dma_semaphore, #tpu.memory_space<semaphore_mem>>) src(%dma_wait3A_941 : memref<512x64xf32, #tpu.memory_space<vmem>>) dst(%dma_wait3A_938 : memref<512x64xf32, #tpu.memory_space<hbm>>)
    %add3A_942 = arith.constant 64 : i32
    %add3A_943 = arith.addi %mul3A_2, %add3A_942 : i32
    %sub3A_944 = arith.constant 1 : i32
    %sub3A_945 = arith.subi %add3A_943, %sub3A_944 : i32
    %sub3A_946 = arith.constant 3583 : i32
    %sub3A_947 = arith.subi %sub3A_946, %sub3A_945 : i32
    %sub3A_948 = arith.constant 1919 : i32
    %sub3A_949 = arith.subi %sub3A_948, %sub3A_947 : i32
    %jit3A_950 = arith.constant 0 : i32
    %jit3A_951 = arith.constant 576 : i32
    %max3A_952 = arith.maxsi %jit3A_950, %sub3A_949 : i32
    %min3A_953 = arith.minsi %jit3A_951, %max3A_952 : i32
    %add3A_954 = arith.constant 257 : i32
    %add3A_955 = arith.addi %sub3A_949, %add3A_954 : i32
    %jit3A_956 = arith.constant 0 : i32
    %jit3A_957 = arith.constant 576 : i32
    %max3A_958 = arith.maxsi %jit3A_956, %add3A_955 : i32
    %min3A_959 = arith.minsi %jit3A_957, %max3A_958 : i32
    %while3A_960 = arith.constant 0 : i32
    %while3A_961 = arith.constant 0 : i32
    %while3A_962 = arith.subi %min3A_953, %while3A_960 : i32
    %while3A_963 = arith.addi %while3A_960, %while3A_962 : i32
    %while3A_964 = arith.constant 1 : i32
    %while3A_965 = arith.divsi %while3A_962, %while3A_964 : i32
    %while3A_966 = arith.muli %while3A_965, %while3A_964 : i32
    %while3A_967 = arith.addi %while3A_960, %while3A_966 : i32
    %while3A_968 = arith.constant 1 : i32
    %while3A_969 = scf.for %while3A_1250 = %while3A_960 to %while3A_967 step %while3A_968 iter_args(%while3A_1251 = %while3A_961) -> (i32)  : i32 {
      %swap3A = arith.index_cast %while3A_1250 : i32 to index
      %swap3A_1252 = arith.constant 0 : index
      %swap3A_1253 = tpu.vector_load %arg5[%swap3A, %swap3A_1252] {strides = array<i32>} : memref<576x64xf32, #tpu.memory_space<vmem>>, vector<1x16xf32>,
      %swap3A_1254 = vector.shape_cast %swap3A_1253 : vector<1x16xf32> to vector<16xf32>
      %swap3A_1255 = vector.shape_cast %get3A_4 : vector<16xf32> to vector<1x16xf32>
      tpu.vector_store %arg5[%swap3A, %swap3A_1252], %swap3A_1255 {strides = array<i32>} : memref<576x64xf32, #tpu.memory_space<vmem>>, vector<1x16xf32>,
      %swap3A_1256 = arith.index_cast %while3A_1250 : i32 to index
      %swap3A_1257 = arith.constant 16 : index
      %swap3A_1258 = tpu.vector_load %arg5[%swap3A_1256, %swap3A_1257] {strides = array<i32>} : memref<576x64xf32, #tpu.memory_space<vmem>>, vector<1x16xf32>,
      %swap3A_1259 = vector.shape_cast %swap3A_1258 : vector<1x16xf32> to vector<16xf32>
      %swap3A_1260 = vector.shape_cast %get3A_7 : vector<16xf32> to vector<1x16xf32>
      tpu.vector_store %arg5[%swap3A_1256, %swap3A_1257], %swap3A_1260 {strides = array<i32>} : memref<576x64xf32, #tpu.memory_space<vmem>>, vector<1x16xf32>,
      %swap3A_1261 = arith.index_cast %while3A_1250 : i32 to index
      %swap3A_1262 = arith.constant 32 : index
      %swap3A_1263 = tpu.vector_load %arg5[%swap3A_1261, %swap3A_1262] {strides = array<i32>} : memref<576x64xf32, #tpu.memory_space<vmem>>, vector<1x16xf32>,
      %swap3A_1264 = vector.shape_cast %swap3A_1263 : vector<1x16xf32> to vector<16xf32>
      %swap3A_1265 = vector.shape_cast %get3A_10 : vector<16xf32> to vector<1x16xf32>
      tpu.vector_store %arg5[%swap3A_1261, %swap3A_1262], %swap3A_1265 {strides = array<i32>} : memref<576x64xf32, #tpu.memory_space<vmem>>, vector<1x16xf32>,
      %swap3A_1266 = arith.index_cast %while3A_1250 : i32 to index
      %swap3A_1267 = arith.constant 48 : index
      %swap3A_1268 = tpu.vector_load %arg5[%swap3A_1266, %swap3A_1267] {strides = array<i32>} : memref<576x64xf32, #tpu.memory_space<vmem>>, vector<1x16xf32>,
      %swap3A_1269 = vector.shape_cast %swap3A_1268 : vector<1x16xf32> to vector<16xf32>
      %swap3A_1270 = vector.shape_cast %get3A_13 : vector<16xf32> to vector<1x16xf32>
      tpu.vector_store %arg5[%swap3A_1266, %swap3A_1267], %swap3A_1270 {strides = array<i32>} : memref<576x64xf32, #tpu.memory_space<vmem>>, vector<1x16xf32>,
      %while3A_1271 = arith.constant 0 : i32
      scf.yield %while3A_1271 : i32
    }
    %while3A_970 = arith.constant 1 : i32
    %while3A_971 = scf.for %while3A_1250 = %while3A_967 to %while3A_963 step %while3A_970 iter_args(%while3A_1251 = %while3A_969) -> (i32)  : i32 {
      %swap3A = arith.index_cast %while3A_1250 : i32 to index
      %swap3A_1252 = arith.constant 0 : index
      %swap3A_1253 = tpu.vector_load %arg5[%swap3A, %swap3A_1252] {strides = array<i32>} : memref<576x64xf32, #tpu.memory_space<vmem>>, vector<1x16xf32>,
      %swap3A_1254 = vector.shape_cast %swap3A_1253 : vector<1x16xf32> to vector<16xf32>
      %swap3A_1255 = vector.shape_cast %get3A_4 : vector<16xf32> to vector<1x16xf32>
      tpu.vector_store %arg5[%swap3A, %swap3A_1252], %swap3A_1255 {strides = array<i32>} : memref<576x64xf32, #tpu.memory_space<vmem>>, vector<1x16xf32>,
      %swap3A_1256 = arith.index_cast %while3A_1250 : i32 to index
      %swap3A_1257 = arith.constant 16 : index
      %swap3A_1258 = tpu.vector_load %arg5[%swap3A_1256, %swap3A_1257] {strides = array<i32>} : memref<576x64xf32, #tpu.memory_space<vmem>>, vector<1x16xf32>,
      %swap3A_1259 = vector.shape_cast %swap3A_1258 : vector<1x16xf32> to vector<16xf32>
      %swap3A_1260 = vector.shape_cast %get3A_7 : vector<16xf32> to vector<1x16xf32>
      tpu.vector_store %arg5[%swap3A_1256, %swap3A_1257], %swap3A_1260 {strides = array<i32>} : memref<576x64xf32, #tpu.memory_space<vmem>>, vector<1x16xf32>,
      %swap3A_1261 = arith.index_cast %while3A_1250 : i32 to index
      %swap3A_1262 = arith.constant 32 : index
      %swap3A_1263 = tpu.vector_load %arg5[%swap3A_1261, %swap3A_1262] {strides = array<i32>} : memref<576x64xf32, #tpu.memory_space<vmem>>, vector<1x16xf32>,
      %swap3A_1264 = vector.shape_cast %swap3A_1263 : vector<1x16xf32> to vector<16xf32>
      %swap3A_1265 = vector.shape_cast %get3A_10 : vector<16xf32> to vector<1x16xf32>
      tpu.vector_store %arg5[%swap3A_1261, %swap3A_1262], %swap3A_1265 {strides = array<i32>} : memref<576x64xf32, #tpu.memory_space<vmem>>, vector<1x16xf32>,
      %swap3A_1266 = arith.index_cast %while3A_1250 : i32 to index
      %swap3A_1267 = arith.constant 48 : index
      %swap3A_1268 = tpu.vector_load %arg5[%swap3A_1266, %swap3A_1267] {strides = array<i32>} : memref<576x64xf32, #tpu.memory_space<vmem>>, vector<1x16xf32>,
      %swap3A_1269 = vector.shape_cast %swap3A_1268 : vector<1x16xf32> to vector<16xf32>
      %swap3A_1270 = vector.shape_cast %get3A_13 : vector<16xf32> to vector<1x16xf32>
      tpu.vector_store %arg5[%swap3A_1266, %swap3A_1267], %swap3A_1270 {strides = array<i32>} : memref<576x64xf32, #tpu.memory_space<vmem>>, vector<1x16xf32>,
      %while3A_1271 = arith.constant 0 : i32
      scf.yield %while3A_1271 : i32
    }
    %while3A_972 = arith.constant 576 : i32
    %while3A_973 = arith.constant 0 : i32
    %while3A_974 = arith.subi %while3A_972, %min3A_959 : i32
    %while3A_975 = arith.addi %min3A_959, %while3A_974 : i32
    %while3A_976 = arith.constant 1 : i32
    %while3A_977 = arith.divsi %while3A_974, %while3A_976 : i32
    %while3A_978 = arith.muli %while3A_977, %while3A_976 : i32
    %while3A_979 = arith.addi %min3A_959, %while3A_978 : i32
    %while3A_980 = arith.constant 1 : i32
    %while3A_981 = scf.for %while3A_1250 = %min3A_959 to %while3A_979 step %while3A_980 iter_args(%while3A_1251 = %while3A_973) -> (i32)  : i32 {
      %swap3A = arith.index_cast %while3A_1250 : i32 to index
      %swap3A_1252 = arith.constant 0 : index
      %swap3A_1253 = tpu.vector_load %arg5[%swap3A, %swap3A_1252] {strides = array<i32>} : memref<576x64xf32, #tpu.memory_space<vmem>>, vector<1x16xf32>,
      %swap3A_1254 = vector.shape_cast %swap3A_1253 : vector<1x16xf32> to vector<16xf32>
      %swap3A_1255 = vector.shape_cast %get3A_16 : vector<16xf32> to vector<1x16xf32>
      tpu.vector_store %arg5[%swap3A, %swap3A_1252], %swap3A_1255 {strides = array<i32>} : memref<576x64xf32, #tpu.memory_space<vmem>>, vector<1x16xf32>,
      %swap3A_1256 = arith.index_cast %while3A_1250 : i32 to index
      %swap3A_1257 = arith.constant 16 : index
      %swap3A_1258 = tpu.vector_load %arg5[%swap3A_1256, %swap3A_1257] {strides = array<i32>} : memref<576x64xf32, #tpu.memory_space<vmem>>, vector<1x16xf32>,
      %swap3A_1259 = vector.shape_cast %swap3A_1258 : vector<1x16xf32> to vector<16xf32>
      %swap3A_1260 = vector.shape_cast %get3A_19 : vector<16xf32> to vector<1x16xf32>
      tpu.vector_store %arg5[%swap3A_1256, %swap3A_1257], %swap3A_1260 {strides = array<i32>} : memref<576x64xf32, #tpu.memory_space<vmem>>, vector<1x16xf32>,
      %swap3A_1261 = arith.index_cast %while3A_1250 : i32 to index
      %swap3A_1262 = arith.constant 32 : index
      %swap3A_1263 = tpu.vector_load %arg5[%swap3A_1261, %swap3A_1262] {strides = array<i32>} : memref<576x64xf32, #tpu.memory_space<vmem>>, vector<1x16xf32>,
      %swap3A_1264 = vector.shape_cast %swap3A_1263 : vector<1x16xf32> to vector<16xf32>
      %swap3A_1265 = vector.shape_cast %get3A_22 : vector<16xf32> to vector<1x16xf32>
      tpu.vector_store %arg5[%swap3A_1261, %swap3A_1262], %swap3A_1265 {strides = array<i32>} : memref<576x64xf32, #tpu.memory_space<vmem>>, vector<1x16xf32>,
      %swap3A_1266 = arith.index_cast %while3A_1250 : i32 to index
      %swap3A_1267 = arith.constant 48 : index
      %swap3A_1268 = tpu.vector_load %arg5[%swap3A_1266, %swap3A_1267] {strides = array<i32>} : memref<576x64xf32, #tpu.memory_space<vmem>>, vector<1x16xf32>,
      %swap3A_1269 = vector.shape_cast %swap3A_1268 : vector<1x16xf32> to vector<16xf32>
      %swap3A_1270 = vector.shape_cast %get3A_25 : vector<16xf32> to vector<1x16xf32>
      tpu.vector_store %arg5[%swap3A_1266, %swap3A_1267], %swap3A_1270 {strides = array<i32>} : memref<576x64xf32, #tpu.memory_space<vmem>>, vector<1x16xf32>,
      %while3A_1271 = arith.constant 0 : i32
      scf.yield %while3A_1271 : i32
    }
    %while3A_982 = arith.constant 1 : i32
    %while3A_983 = scf.for %while3A_1250 = %while3A_979 to %while3A_975 step %while3A_982 iter_args(%while3A_1251 = %while3A_981) -> (i32)  : i32 {
      %swap3A = arith.index_cast %while3A_1250 : i32 to index
      %swap3A_1252 = arith.constant 0 : index
      %swap3A_1253 = tpu.vector_load %arg5[%swap3A, %swap3A_1252] {strides = array<i32>} : memref<576x64xf32, #tpu.memory_space<vmem>>, vector<1x16xf32>,
      %swap3A_1254 = vector.shape_cast %swap3A_1253 : vector<1x16xf32> to vector<16xf32>
      %swap3A_1255 = vector.shape_cast %get3A_16 : vector<16xf32> to vector<1x16xf32>
      tpu.vector_store %arg5[%swap3A, %swap3A_1252], %swap3A_1255 {strides = array<i32>} : memref<576x64xf32, #tpu.memory_space<vmem>>, vector<1x16xf32>,
      %swap3A_1256 = arith.index_cast %while3A_1250 : i32 to index
      %swap3A_1257 = arith.constant 16 : index
      %swap3A_1258 = tpu.vector_load %arg5[%swap3A_1256, %swap3A_1257] {strides = array<i32>} : memref<576x64xf32, #tpu.memory_space<vmem>>, vector<1x16xf32>,
      %swap3A_1259 = vector.shape_cast %swap3A_1258 : vector<1x16xf32> to vector<16xf32>
      %swap3A_1260 = vector.shape_cast %get3A_19 : vector<16xf32> to vector<1x16xf32>
      tpu.vector_store %arg5[%swap3A_1256, %swap3A_1257], %swap3A_1260 {strides = array<i32>} : memref<576x64xf32, #tpu.memory_space<vmem>>, vector<1x16xf32>,
      %swap3A_1261 = arith.index_cast %while3A_1250 : i32 to index
      %swap3A_1262 = arith.constant 32 : index
      %swap3A_1263 = tpu.vector_load %arg5[%swap3A_1261, %swap3A_1262] {strides = array<i32>} : memref<576x64xf32, #tpu.memory_space<vmem>>, vector<1x16xf32>,
      %swap3A_1264 = vector.shape_cast %swap3A_1263 : vector<1x16xf32> to vector<16xf32>
      %swap3A_1265 = vector.shape_cast %get3A_22 : vector<16xf32> to vector<1x16xf32>
      tpu.vector_store %arg5[%swap3A_1261, %swap3A_1262], %swap3A_1265 {strides = array<i32>} : memref<576x64xf32, #tpu.memory_space<vmem>>, vector<1x16xf32>,
      %swap3A_1266 = arith.index_cast %while3A_1250 : i32 to index
      %swap3A_1267 = arith.constant 48 : index
      %swap3A_1268 = tpu.vector_load %arg5[%swap3A_1266, %swap3A_1267] {strides = array<i32>} : memref<576x64xf32, #tpu.memory_space<vmem>>, vector<1x16xf32>,
      %swap3A_1269 = vector.shape_cast %swap3A_1268 : vector<1x16xf32> to vector<16xf32>
      %swap3A_1270 = vector.shape_cast %get3A_25 : vector<16xf32> to vector<1x16xf32>
      tpu.vector_store %arg5[%swap3A_1266, %swap3A_1267], %swap3A_1270 {strides = array<i32>} : memref<576x64xf32, #tpu.memory_space<vmem>>, vector<1x16xf32>,
      %while3A_1271 = arith.constant 0 : i32
      scf.yield %while3A_1271 : i32
    }
    %while3A_984 = arith.constant 0 : i32
    %while3A_985 = arith.subi %min3A_959, %min3A_953 : i32
    %while3A_986 = arith.addi %min3A_953, %while3A_985 : i32
    %while3A_987 = arith.constant 1 : i32
    %while3A_988 = arith.divsi %while3A_985, %while3A_987 : i32
    %while3A_989 = arith.muli %while3A_988, %while3A_987 : i32
    %while3A_990 = arith.addi %min3A_953, %while3A_989 : i32
    %while3A_991 = arith.constant 1 : i32
    %while3A_992 = scf.for %while3A_1250 = %min3A_953 to %while3A_990 step %while3A_991 iter_args(%while3A_1251 = %while3A_984) -> (i32)  : i32 {
      %sub3A_1252 = arith.subi %while3A_1250, %sub3A_949 : i32
      %mul3A_1253 = arith.constant 64 : i32
      %mul3A_1254 = arith.muli %sub3A_1252, %mul3A_1253 : i32
      %add3A_1255 = arith.constant 0 : i32
      %add3A_1256 = arith.addi %mul3A_1254, %add3A_1255 : i32
      %get3A_1257 = arith.index_cast %add3A_1256 : i32 to index
      %get3A_1258 = tpu.vector_load %arg4[%get3A_1257] {strides = array<i32>} : memref<16448xf32, #tpu.memory_space<vmem>>, vector<16xf32>,
      %get3A_1259 = vector.shape_cast %get3A_1258 : vector<16xf32> to vector<16xf32>
      %swap3A = arith.index_cast %while3A_1250 : i32 to index
      %swap3A_1260 = arith.constant 0 : index
      %swap3A_1261 = tpu.vector_load %arg5[%swap3A, %swap3A_1260] {strides = array<i32>} : memref<576x64xf32, #tpu.memory_space<vmem>>, vector<1x16xf32>,
      %swap3A_1262 = vector.shape_cast %swap3A_1261 : vector<1x16xf32> to vector<16xf32>
      %swap3A_1263 = vector.shape_cast %get3A_1259 : vector<16xf32> to vector<1x16xf32>
      tpu.vector_store %arg5[%swap3A, %swap3A_1260], %swap3A_1263 {strides = array<i32>} : memref<576x64xf32, #tpu.memory_space<vmem>>, vector<1x16xf32>,
      %sub3A_1264 = arith.subi %while3A_1250, %sub3A_949 : i32
      %mul3A_1265 = arith.constant 64 : i32
      %mul3A_1266 = arith.muli %sub3A_1264, %mul3A_1265 : i32
      %add3A_1267 = arith.constant 16 : i32
      %add3A_1268 = arith.addi %mul3A_1266, %add3A_1267 : i32
      %get3A_1269 = arith.index_cast %add3A_1268 : i32 to index
      %get3A_1270 = tpu.vector_load %arg4[%get3A_1269] {strides = array<i32>} : memref<16448xf32, #tpu.memory_space<vmem>>, vector<16xf32>,
      %get3A_1271 = vector.shape_cast %get3A_1270 : vector<16xf32> to vector<16xf32>
      %swap3A_1272 = arith.index_cast %while3A_1250 : i32 to index
      %swap3A_1273 = arith.constant 16 : index
      %swap3A_1274 = tpu.vector_load %arg5[%swap3A_1272, %swap3A_1273] {strides = array<i32>} : memref<576x64xf32, #tpu.memory_space<vmem>>, vector<1x16xf32>,
      %swap3A_1275 = vector.shape_cast %swap3A_1274 : vector<1x16xf32> to vector<16xf32>
      %swap3A_1276 = vector.shape_cast %get3A_1271 : vector<16xf32> to vector<1x16xf32>
      tpu.vector_store %arg5[%swap3A_1272, %swap3A_1273], %swap3A_1276 {strides = array<i32>} : memref<576x64xf32, #tpu.memory_space<vmem>>, vector<1x16xf32>,
      %sub3A_1277 = arith.subi %while3A_1250, %sub3A_949 : i32
      %mul3A_1278 = arith.constant 64 : i32
      %mul3A_1279 = arith.muli %sub3A_1277, %mul3A_1278 : i32
      %add3A_1280 = arith.constant 32 : i32
      %add3A_1281 = arith.addi %mul3A_1279, %add3A_1280 : i32
      %get3A_1282 = arith.index_cast %add3A_1281 : i32 to index
      %get3A_1283 = tpu.vector_load %arg4[%get3A_1282] {strides = array<i32>} : memref<16448xf32, #tpu.memory_space<vmem>>, vector<16xf32>,
      %get3A_1284 = vector.shape_cast %get3A_1283 : vector<16xf32> to vector<16xf32>
      %swap3A_1285 = arith.index_cast %while3A_1250 : i32 to index
      %swap3A_1286 = arith.constant 32 : index
      %swap3A_1287 = tpu.vector_load %arg5[%swap3A_1285, %swap3A_1286] {strides = array<i32>} : memref<576x64xf32, #tpu.memory_space<vmem>>, vector<1x16xf32>,
      %swap3A_1288 = vector.shape_cast %swap3A_1287 : vector<1x16xf32> to vector<16xf32>
      %swap3A_1289 = vector.shape_cast %get3A_1284 : vector<16xf32> to vector<1x16xf32>
      tpu.vector_store %arg5[%swap3A_1285, %swap3A_1286], %swap3A_1289 {strides = array<i32>} : memref<576x64xf32, #tpu.memory_space<vmem>>, vector<1x16xf32>,
      %sub3A_1290 = arith.subi %while3A_1250, %sub3A_949 : i32
      %mul3A_1291 = arith.constant 64 : i32
      %mul3A_1292 = arith.muli %sub3A_1290, %mul3A_1291 : i32
      %add3A_1293 = arith.constant 48 : i32
      %add3A_1294 = arith.addi %mul3A_1292, %add3A_1293 : i32
      %get3A_1295 = arith.index_cast %add3A_1294 : i32 to index
      %get3A_1296 = tpu.vector_load %arg4[%get3A_1295] {strides = array<i32>} : memref<16448xf32, #tpu.memory_space<vmem>>, vector<16xf32>,
      %get3A_1297 = vector.shape_cast %get3A_1296 : vector<16xf32> to vector<16xf32>
      %swap3A_1298 = arith.index_cast %while3A_1250 : i32 to index
      %swap3A_1299 = arith.constant 48 : index
      %swap3A_1300 = tpu.vector_load %arg5[%swap3A_1298, %swap3A_1299] {strides = array<i32>} : memref<576x64xf32, #tpu.memory_space<vmem>>, vector<1x16xf32>,
      %swap3A_1301 = vector.shape_cast %swap3A_1300 : vector<1x16xf32> to vector<16xf32>
      %swap3A_1302 = vector.shape_cast %get3A_1297 : vector<16xf32> to vector<1x16xf32>
      tpu.vector_store %arg5[%swap3A_1298, %swap3A_1299], %swap3A_1302 {strides = array<i32>} : memref<576x64xf32, #tpu.memory_space<vmem>>, vector<1x16xf32>,
      %while3A_1303 = arith.constant 0 : i32
      scf.yield %while3A_1303 : i32
    }
    %while3A_993 = arith.constant 1 : i32
    %while3A_994 = scf.for %while3A_1250 = %while3A_990 to %while3A_986 step %while3A_993 iter_args(%while3A_1251 = %while3A_992) -> (i32)  : i32 {
      %sub3A_1252 = arith.subi %while3A_1250, %sub3A_949 : i32
      %mul3A_1253 = arith.constant 64 : i32
      %mul3A_1254 = arith.muli %sub3A_1252, %mul3A_1253 : i32
      %add3A_1255 = arith.constant 0 : i32
      %add3A_1256 = arith.addi %mul3A_1254, %add3A_1255 : i32
      %get3A_1257 = arith.index_cast %add3A_1256 : i32 to index
      %get3A_1258 = tpu.vector_load %arg4[%get3A_1257] {strides = array<i32>} : memref<16448xf32, #tpu.memory_space<vmem>>, vector<16xf32>,
      %get3A_1259 = vector.shape_cast %get3A_1258 : vector<16xf32> to vector<16xf32>
      %swap3A = arith.index_cast %while3A_1250 : i32 to index
      %swap3A_1260 = arith.constant 0 : index
      %swap3A_1261 = tpu.vector_load %arg5[%swap3A, %swap3A_1260] {strides = array<i32>} : memref<576x64xf32, #tpu.memory_space<vmem>>, vector<1x16xf32>,
      %swap3A_1262 = vector.shape_cast %swap3A_1261 : vector<1x16xf32> to vector<16xf32>
      %swap3A_1263 = vector.shape_cast %get3A_1259 : vector<16xf32> to vector<1x16xf32>
      tpu.vector_store %arg5[%swap3A, %swap3A_1260], %swap3A_1263 {strides = array<i32>} : memref<576x64xf32, #tpu.memory_space<vmem>>, vector<1x16xf32>,
      %sub3A_1264 = arith.subi %while3A_1250, %sub3A_949 : i32
      %mul3A_1265 = arith.constant 64 : i32
      %mul3A_1266 = arith.muli %sub3A_1264, %mul3A_1265 : i32
      %add3A_1267 = arith.constant 16 : i32
      %add3A_1268 = arith.addi %mul3A_1266, %add3A_1267 : i32
      %get3A_1269 = arith.index_cast %add3A_1268 : i32 to index
      %get3A_1270 = tpu.vector_load %arg4[%get3A_1269] {strides = array<i32>} : memref<16448xf32, #tpu.memory_space<vmem>>, vector<16xf32>,
      %get3A_1271 = vector.shape_cast %get3A_1270 : vector<16xf32> to vector<16xf32>
      %swap3A_1272 = arith.index_cast %while3A_1250 : i32 to index
      %swap3A_1273 = arith.constant 16 : index
      %swap3A_1274 = tpu.vector_load %arg5[%swap3A_1272, %swap3A_1273] {strides = array<i32>} : memref<576x64xf32, #tpu.memory_space<vmem>>, vector<1x16xf32>,
      %swap3A_1275 = vector.shape_cast %swap3A_1274 : vector<1x16xf32> to vector<16xf32>
      %swap3A_1276 = vector.shape_cast %get3A_1271 : vector<16xf32> to vector<1x16xf32>
      tpu.vector_store %arg5[%swap3A_1272, %swap3A_1273], %swap3A_1276 {strides = array<i32>} : memref<576x64xf32, #tpu.memory_space<vmem>>, vector<1x16xf32>,
      %sub3A_1277 = arith.subi %while3A_1250, %sub3A_949 : i32
      %mul3A_1278 = arith.constant 64 : i32
      %mul3A_1279 = arith.muli %sub3A_1277, %mul3A_1278 : i32
      %add3A_1280 = arith.constant 32 : i32
      %add3A_1281 = arith.addi %mul3A_1279, %add3A_1280 : i32
      %get3A_1282 = arith.index_cast %add3A_1281 : i32 to index
      %get3A_1283 = tpu.vector_load %arg4[%get3A_1282] {strides = array<i32>} : memref<16448xf32, #tpu.memory_space<vmem>>, vector<16xf32>,
      %get3A_1284 = vector.shape_cast %get3A_1283 : vector<16xf32> to vector<16xf32>
      %swap3A_1285 = arith.index_cast %while3A_1250 : i32 to index
      %swap3A_1286 = arith.constant 32 : index
      %swap3A_1287 = tpu.vector_load %arg5[%swap3A_1285, %swap3A_1286] {strides = array<i32>} : memref<576x64xf32, #tpu.memory_space<vmem>>, vector<1x16xf32>,
      %swap3A_1288 = vector.shape_cast %swap3A_1287 : vector<1x16xf32> to vector<16xf32>
      %swap3A_1289 = vector.shape_cast %get3A_1284 : vector<16xf32> to vector<1x16xf32>
      tpu.vector_store %arg5[%swap3A_1285, %swap3A_1286], %swap3A_1289 {strides = array<i32>} : memref<576x64xf32, #tpu.memory_space<vmem>>, vector<1x16xf32>,
      %sub3A_1290 = arith.subi %while3A_1250, %sub3A_949 : i32
      %mul3A_1291 = arith.constant 64 : i32
      %mul3A_1292 = arith.muli %sub3A_1290, %mul3A_1291 : i32
      %add3A_1293 = arith.constant 48 : i32
      %add3A_1294 = arith.addi %mul3A_1292, %add3A_1293 : i32
      %get3A_1295 = arith.index_cast %add3A_1294 : i32 to index
      %get3A_1296 = tpu.vector_load %arg4[%get3A_1295] {strides = array<i32>} : memref<16448xf32, #tpu.memory_space<vmem>>, vector<16xf32>,
      %get3A_1297 = vector.shape_cast %get3A_1296 : vector<16xf32> to vector<16xf32>
      %swap3A_1298 = arith.index_cast %while3A_1250 : i32 to index
      %swap3A_1299 = arith.constant 48 : index
      %swap3A_1300 = tpu.vector_load %arg5[%swap3A_1298, %swap3A_1299] {strides = array<i32>} : memref<576x64xf32, #tpu.memory_space<vmem>>, vector<1x16xf32>,
      %swap3A_1301 = vector.shape_cast %swap3A_1300 : vector<1x16xf32> to vector<16xf32>
      %swap3A_1302 = vector.shape_cast %get3A_1297 : vector<16xf32> to vector<1x16xf32>
      tpu.vector_store %arg5[%swap3A_1298, %swap3A_1299], %swap3A_1302 {strides = array<i32>} : memref<576x64xf32, #tpu.memory_space<vmem>>, vector<1x16xf32>,
      %while3A_1303 = arith.constant 0 : i32
      scf.yield %while3A_1303 : i32
    }
    %add3A_995 = arith.constant 0 : i32
    %add3A_996 = arith.addi %mul3A_2, %add3A_995 : i32
    %dma_start3A_997 = arith.constant 63 : i32
    %dma_start3A_998 = arith.constant 0 : i32
    %dma_start3A_999 = tpu.memref_slice %arg5[%dma_start3A_997, %dma_start3A_998] : memref<576x64xf32, #tpu.memory_space<vmem>> -> memref<512x64xf32, #tpu.memory_space<vmem>>
    %dma_start3A_1000 = arith.constant 1536 : i32
    %dma_start3A_1001 = arith.constant 0 : i32
    %dma_start3A_1002 = tpu.memref_slice %arg3[%add3A_996, %dma_start3A_1000, %dma_start3A_1001] : memref<2048x2048x64xf32, #tpu.memory_space<hbm>> -> memref<1x512x64xf32, #tpu.memory_space<hbm>>
    %dma_start3A_1003 = tpu.memref_squeeze %dma_start3A_1002 : memref<1x512x64xf32, #tpu.memory_space<hbm>> -> memref<512x64xf32, #tpu.memory_space<hbm>>
    %dma_start3A_1004 = arith.constant 1536 : i32
    %dma_start3A_1005 = arith.constant 0 : i32
    %dma_start3A_1006 = tpu.memref_slice %arg3[%add3A_996, %dma_start3A_1004, %dma_start3A_1005] : memref<2048x2048x64xf32, #tpu.memory_space<hbm>> -> memref<1x512x64xf32, #tpu.memory_space<hbm>>
    %dma_start3A_1007 = tpu.memref_squeeze %dma_start3A_1006 : memref<1x512x64xf32, #tpu.memory_space<hbm>> -> memref<512x64xf32, #tpu.memory_space<hbm>>
    %dma_start3A_1008 = arith.constant 63 : i32
    %dma_start3A_1009 = arith.constant 0 : i32
    %dma_start3A_1010 = tpu.memref_slice %arg5[%dma_start3A_1008, %dma_start3A_1009] : memref<576x64xf32, #tpu.memory_space<vmem>> -> memref<512x64xf32, #tpu.memory_space<vmem>>
    tpu.enqueue_dma source(%dma_start3A_1010 : memref<512x64xf32, #tpu.memory_space<vmem>>) target(%dma_start3A_1007 : memref<512x64xf32, #tpu.memory_space<hbm>>) target_semaphore(%arg6 : memref<!tpu.dma_semaphore, #tpu.memory_space<semaphore_mem>>)
    %add3A_1011 = arith.constant 1 : i32
    %add3A_1012 = arith.addi %mul3A_2, %add3A_1011 : i32
    %dma_start3A_1013 = arith.constant 62 : i32
    %dma_start3A_1014 = arith.constant 0 : i32
    %dma_start3A_1015 = tpu.memref_slice %arg5[%dma_start3A_1013, %dma_start3A_1014] : memref<576x64xf32, #tpu.memory_space<vmem>> -> memref<512x64xf32, #tpu.memory_space<vmem>>
    %dma_start3A_1016 = arith.constant 1536 : i32
    %dma_start3A_1017 = arith.constant 0 : i32
    %dma_start3A_1018 = tpu.memref_slice %arg3[%add3A_1012, %dma_start3A_1016, %dma_start3A_1017] : memref<2048x2048x64xf32, #tpu.memory_space<hbm>> -> memref<1x512x64xf32, #tpu.memory_space<hbm>>
    %dma_start3A_1019 = tpu.memref_squeeze %dma_start3A_1018 : memref<1x512x64xf32, #tpu.memory_space<hbm>> -> memref<512x64xf32, #tpu.memory_space<hbm>>
    %dma_start3A_1020 = arith.constant 1536 : i32
    %dma_start3A_1021 = arith.constant 0 : i32
    %dma_start3A_1022 = tpu.memref_slice %arg3[%add3A_1012, %dma_start3A_1020, %dma_start3A_1021] : memref<2048x2048x64xf32, #tpu.memory_space<hbm>> -> memref<1x512x64xf32, #tpu.memory_space<hbm>>
    %dma_start3A_1023 = tpu.memref_squeeze %dma_start3A_1022 : memref<1x512x64xf32, #tpu.memory_space<hbm>> -> memref<512x64xf32, #tpu.memory_space<hbm>>
    %dma_start3A_1024 = arith.constant 62 : i32
    %dma_start3A_1025 = arith.constant 0 : i32
    %dma_start3A_1026 = tpu.memref_slice %arg5[%dma_start3A_1024, %dma_start3A_1025] : memref<576x64xf32, #tpu.memory_space<vmem>> -> memref<512x64xf32, #tpu.memory_space<vmem>>
    tpu.enqueue_dma source(%dma_start3A_1026 : memref<512x64xf32, #tpu.memory_space<vmem>>) target(%dma_start3A_1023 : memref<512x64xf32, #tpu.memory_space<hbm>>) target_semaphore(%arg6 : memref<!tpu.dma_semaphore, #tpu.memory_space<semaphore_mem>>)
    %add3A_1027 = arith.constant 2 : i32
    %add3A_1028 = arith.addi %mul3A_2, %add3A_1027 : i32
    %dma_start3A_1029 = arith.constant 61 : i32
    %dma_start3A_1030 = arith.constant 0 : i32
    %dma_start3A_1031 = tpu.memref_slice %arg5[%dma_start3A_1029, %dma_start3A_1030] : memref<576x64xf32, #tpu.memory_space<vmem>> -> memref<512x64xf32, #tpu.memory_space<vmem>>
    %dma_start3A_1032 = arith.constant 1536 : i32
    %dma_start3A_1033 = arith.constant 0 : i32
    %dma_start3A_1034 = tpu.memref_slice %arg3[%add3A_1028, %dma_start3A_1032, %dma_start3A_1033] : memref<2048x2048x64xf32, #tpu.memory_space<hbm>> -> memref<1x512x64xf32, #tpu.memory_space<hbm>>
    %dma_start3A_1035 = tpu.memref_squeeze %dma_start3A_1034 : memref<1x512x64xf32, #tpu.memory_space<hbm>> -> memref<512x64xf32, #tpu.memory_space<hbm>>
    %dma_start3A_1036 = arith.constant 1536 : i32
    %dma_start3A_1037 = arith.constant 0 : i32
    %dma_start3A_1038 = tpu.memref_slice %arg3[%add3A_1028, %dma_start3A_1036, %dma_start3A_1037] : memref<2048x2048x64xf32, #tpu.memory_space<hbm>> -> memref<1x512x64xf32, #tpu.memory_space<hbm>>
    %dma_start3A_1039 = tpu.memref_squeeze %dma_start3A_1038 : memref<1x512x64xf32, #tpu.memory_space<hbm>> -> memref<512x64xf32, #tpu.memory_space<hbm>>
    %dma_start3A_1040 = arith.constant 61 : i32
    %dma_start3A_1041 = arith.constant 0 : i32
    %dma_start3A_1042 = tpu.memref_slice %arg5[%dma_start3A_1040, %dma_start3A_1041] : memref<576x64xf32, #tpu.memory_space<vmem>> -> memref<512x64xf32, #tpu.memory_space<vmem>>
    tpu.enqueue_dma source(%dma_start3A_1042 : memref<512x64xf32, #tpu.memory_space<vmem>>) target(%dma_start3A_1039 : memref<512x64xf32, #tpu.memory_space<hbm>>) target_semaphore(%arg6 : memref<!tpu.dma_semaphore, #tpu.memory_space<semaphore_mem>>)
    %add3A_1043 = arith.constant 3 : i32
    %add3A_1044 = arith.addi %mul3A_2, %add3A_1043 : i32
    %dma_start3A_1045 = arith.constant 60 : i32
    %dma_start3A_1046 = arith.constant 0 : i32
    %dma_start3A_1047 = tpu.memref_slice %arg5[%dma_start3A_1045, %dma_start3A_1046] : memref<576x64xf32, #tpu.memory_space<vmem>> -> memref<512x64xf32, #tpu.memory_space<vmem>>
    %dma_start3A_1048 = arith.constant 1536 : i32
    %dma_start3A_1049 = arith.constant 0 : i32
    %dma_start3A_1050 = tpu.memref_slice %arg3[%add3A_1044, %dma_start3A_1048, %dma_start3A_1049] : memref<2048x2048x64xf32, #tpu.memory_space<hbm>> -> memref<1x512x64xf32, #tpu.memory_space<hbm>>
    %dma_start3A_1051 = tpu.memref_squeeze %dma_start3A_1050 : memref<1x512x64xf32, #tpu.memory_space<hbm>> -> memref<512x64xf32, #tpu.memory_space<hbm>>
    %dma_start3A_1052 = arith.constant 1536 : i32
    %dma_start3A_1053 = arith.constant 0 : i32
    %dma_start3A_1054 = tpu.memref_slice %arg3[%add3A_1044, %dma_start3A_1052, %dma_start3A_1053] : memref<2048x2048x64xf32, #tpu.memory_space<hbm>> -> memref<1x512x64xf32, #tpu.memory_space<hbm>>
    %dma_start3A_1055 = tpu.memref_squeeze %dma_start3A_1054 : memref<1x512x64xf32, #tpu.memory_space<hbm>> -> memref<512x64xf32, #tpu.memory_space<hbm>>
    %dma_start3A_1056 = arith.constant 60 : i32
    %dma_start3A_1057 = arith.constant 0 : i32
    %dma_start3A_1058 = tpu.memref_slice %arg5[%dma_start3A_1056, %dma_start3A_1057] : memref<576x64xf32, #tpu.memory_space<vmem>> -> memref<512x64xf32, #tpu.memory_space<vmem>>
    tpu.enqueue_dma source(%dma_start3A_1058 : memref<512x64xf32, #tpu.memory_space<vmem>>) target(%dma_start3A_1055 : memref<512x64xf32, #tpu.memory_space<hbm>>) target_semaphore(%arg6 : memref<!tpu.dma_semaphore, #tpu.memory_space<semaphore_mem>>)
    %add3A_1059 = arith.constant 4 : i32
    %add3A_1060 = arith.addi %mul3A_2, %add3A_1059 : i32
    %dma_start3A_1061 = arith.constant 59 : i32
    %dma_start3A_1062 = arith.constant 0 : i32
    %dma_start3A_1063 = tpu.memref_slice %arg5[%dma_start3A_1061, %dma_start3A_1062] : memref<576x64xf32, #tpu.memory_space<vmem>> -> memref<512x64xf32, #tpu.memory_space<vmem>>
    %dma_start3A_1064 = arith.constant 1536 : i32
    %dma_start3A_1065 = arith.constant 0 : i32
    %dma_start3A_1066 = tpu.memref_slice %arg3[%add3A_1060, %dma_start3A_1064, %dma_start3A_1065] : memref<2048x2048x64xf32, #tpu.memory_space<hbm>> -> memref<1x512x64xf32, #tpu.memory_space<hbm>>
    %dma_start3A_1067 = tpu.memref_squeeze %dma_start3A_1066 : memref<1x512x64xf32, #tpu.memory_space<hbm>> -> memref<512x64xf32, #tpu.memory_space<hbm>>
    %dma_start3A_1068 = arith.constant 1536 : i32
    %dma_start3A_1069 = arith.constant 0 : i32
    %dma_start3A_1070 = tpu.memref_slice %arg3[%add3A_1060, %dma_start3A_1068, %dma_start3A_1069] : memref<2048x2048x64xf32, #tpu.memory_space<hbm>> -> memref<1x512x64xf32, #tpu.memory_space<hbm>>
    %dma_start3A_1071 = tpu.memref_squeeze %dma_start3A_1070 : memref<1x512x64xf32, #tpu.memory_space<hbm>> -> memref<512x64xf32, #tpu.memory_space<hbm>>
    %dma_start3A_1072 = arith.constant 59 : i32
    %dma_start3A_1073 = arith.constant 0 : i32
    %dma_start3A_1074 = tpu.memref_slice %arg5[%dma_start3A_1072, %dma_start3A_1073] : memref<576x64xf32, #tpu.memory_space<vmem>> -> memref<512x64xf32, #tpu.memory_space<vmem>>
    tpu.enqueue_dma source(%dma_start3A_1074 : memref<512x64xf32, #tpu.memory_space<vmem>>) target(%dma_start3A_1071 : memref<512x64xf32, #tpu.memory_space<hbm>>) target_semaphore(%arg6 : memref<!tpu.dma_semaphore, #tpu.memory_space<semaphore_mem>>)
    %add3A_1075 = arith.constant 5 : i32
    %add3A_1076 = arith.addi %mul3A_2, %add3A_1075 : i32
    %dma_start3A_1077 = arith.constant 58 : i32
    %dma_start3A_1078 = arith.constant 0 : i32
    %dma_start3A_1079 = tpu.memref_slice %arg5[%dma_start3A_1077, %dma_start3A_1078] : memref<576x64xf32, #tpu.memory_space<vmem>> -> memref<512x64xf32, #tpu.memory_space<vmem>>
    %dma_start3A_1080 = arith.constant 1536 : i32
    %dma_start3A_1081 = arith.constant 0 : i32
    %dma_start3A_1082 = tpu.memref_slice %arg3[%add3A_1076, %dma_start3A_1080, %dma_start3A_1081] : memref<2048x2048x64xf32, #tpu.memory_space<hbm>> -> memref<1x512x64xf32, #tpu.memory_space<hbm>>
    %dma_start3A_1083 = tpu.memref_squeeze %dma_start3A_1082 : memref<1x512x64xf32, #tpu.memory_space<hbm>> -> memref<512x64xf32, #tpu.memory_space<hbm>>
    %dma_start3A_1084 = arith.constant 1536 : i32
    %dma_start3A_1085 = arith.constant 0 : i32
    %dma_start3A_1086 = tpu.memref_slice %arg3[%add3A_1076, %dma_start3A_1084, %dma_start3A_1085] : memref<2048x2048x64xf32, #tpu.memory_space<hbm>> -> memref<1x512x64xf32, #tpu.memory_space<hbm>>
    %dma_start3A_1087 = tpu.memref_squeeze %dma_start3A_1086 : memref<1x512x64xf32, #tpu.memory_space<hbm>> -> memref<512x64xf32, #tpu.memory_space<hbm>>
    %dma_start3A_1088 = arith.constant 58 : i32
    %dma_start3A_1089 = arith.constant 0 : i32
    %dma_start3A_1090 = tpu.memref_slice %arg5[%dma_start3A_1088, %dma_start3A_1089] : memref<576x64xf32, #tpu.memory_space<vmem>> -> memref<512x64xf32, #tpu.memory_space<vmem>>
    tpu.enqueue_dma source(%dma_start3A_1090 : memref<512x64xf32, #tpu.memory_space<vmem>>) target(%dma_start3A_1087 : memref<512x64xf32, #tpu.memory_space<hbm>>) target_semaphore(%arg6 : memref<!tpu.dma_semaphore, #tpu.memory_space<semaphore_mem>>)
    %add3A_1091 = arith.constant 6 : i32
    %add3A_1092 = arith.addi %mul3A_2, %add3A_1091 : i32
    %dma_start3A_1093 = arith.constant 57 : i32
    %dma_start3A_1094 = arith.constant 0 : i32
    %dma_start3A_1095 = tpu.memref_slice %arg5[%dma_start3A_1093, %dma_start3A_1094] : memref<576x64xf32, #tpu.memory_space<vmem>> -> memref<512x64xf32, #tpu.memory_space<vmem>>
    %dma_start3A_1096 = arith.constant 1536 : i32
    %dma_start3A_1097 = arith.constant 0 : i32
    %dma_start3A_1098 = tpu.memref_slice %arg3[%add3A_1092, %dma_start3A_1096, %dma_start3A_1097] : memref<2048x2048x64xf32, #tpu.memory_space<hbm>> -> memref<1x512x64xf32, #tpu.memory_space<hbm>>
    %dma_start3A_1099 = tpu.memref_squeeze %dma_start3A_1098 : memref<1x512x64xf32, #tpu.memory_space<hbm>> -> memref<512x64xf32, #tpu.memory_space<hbm>>
    %dma_start3A_1100 = arith.constant 1536 : i32
    %dma_start3A_1101 = arith.constant 0 : i32
    %dma_start3A_1102 = tpu.memref_slice %arg3[%add3A_1092, %dma_start3A_1100, %dma_start3A_1101] : memref<2048x2048x64xf32, #tpu.memory_space<hbm>> -> memref<1x512x64xf32, #tpu.memory_space<hbm>>
    %dma_start3A_1103 = tpu.memref_squeeze %dma_start3A_1102 : memref<1x512x64xf32, #tpu.memory_space<hbm>> -> memref<512x64xf32, #tpu.memory_space<hbm>>
    %dma_start3A_1104 = arith.constant 57 : i32
    %dma_start3A_1105 = arith.constant 0 : i32
    %dma_start3A_1106 = tpu.memref_slice %arg5[%dma_start3A_1104, %dma_start3A_1105] : memref<576x64xf32, #tpu.memory_space<vmem>> -> memref<512x64xf32, #tpu.memory_space<vmem>>
    tpu.enqueue_dma source(%dma_start3A_1106 : memref<512x64xf32, #tpu.memory_space<vmem>>) target(%dma_start3A_1103 : memref<512x64xf32, #tpu.memory_space<hbm>>) target_semaphore(%arg6 : memref<!tpu.dma_semaphore, #tpu.memory_space<semaphore_mem>>)
    %add3A_1107 = arith.constant 7 : i32
    %add3A_1108 = arith.addi %mul3A_2, %add3A_1107 : i32
    %dma_start3A_1109 = arith.constant 56 : i32
    %dma_start3A_1110 = arith.constant 0 : i32
    %dma_start3A_1111 = tpu.memref_slice %arg5[%dma_start3A_1109, %dma_start3A_1110] : memref<576x64xf32, #tpu.memory_space<vmem>> -> memref<512x64xf32, #tpu.memory_space<vmem>>
    %dma_start3A_1112 = arith.constant 1536 : i32
    %dma_start3A_1113 = arith.constant 0 : i32
    %dma_start3A_1114 = tpu.memref_slice %arg3[%add3A_1108, %dma_start3A_1112, %dma_start3A_1113] : memref<2048x2048x64xf32, #tpu.memory_space<hbm>> -> memref<1x512x64xf32, #tpu.memory_space<hbm>>
    %dma_start3A_1115 = tpu.memref_squeeze %dma_start3A_1114 : memref<1x512x64xf32, #tpu.memory_space<hbm>> -> memref<512x64xf32, #tpu.memory_space<hbm>>
    %dma_start3A_1116 = arith.constant 1536 : i32
    %dma_start3A_1117 = arith.constant 0 : i32
    %dma_start3A_1118 = tpu.memref_slice %arg3[%add3A_1108, %dma_start3A_1116, %dma_start3A_1117] : memref<2048x2048x64xf32, #tpu.memory_space<hbm>> -> memref<1x512x64xf32, #tpu.memory_space<hbm>>
    %dma_start3A_1119 = tpu.memref_squeeze %dma_start3A_1118 : memref<1x512x64xf32, #tpu.memory_space<hbm>> -> memref<512x64xf32, #tpu.memory_space<hbm>>
    %dma_start3A_1120 = arith.constant 56 : i32
    %dma_start3A_1121 = arith.constant 0 : i32
    %dma_start3A_1122 = tpu.memref_slice %arg5[%dma_start3A_1120, %dma_start3A_1121] : memref<576x64xf32, #tpu.memory_space<vmem>> -> memref<512x64xf32, #tpu.memory_space<vmem>>
    tpu.enqueue_dma source(%dma_start3A_1122 : memref<512x64xf32, #tpu.memory_space<vmem>>) target(%dma_start3A_1119 : memref<512x64xf32, #tpu.memory_space<hbm>>) target_semaphore(%arg6 : memref<!tpu.dma_semaphore, #tpu.memory_space<semaphore_mem>>)
    %scan3A_1123 = arith.constant 0 : i32
    %scan3A_1124 = arith.constant 0 : i32
    %scan3A_1125 = arith.constant 56 : i32
    %scan3A_1126 = arith.addi %scan3A_1124, %scan3A_1125 : i32
    %scan3A_1127 = arith.constant 1 : i32
    %scan3A_1128 = scf.for %scan3A_1250 = %scan3A_1124 to %scan3A_1126 step %scan3A_1127 iter_args(%scan3A_1251 = %scan3A_1123) -> (i32)  : i32 {
      %dma_wait3A_1252 = arith.constant 0 : i32
      %dma_wait3A_1253 = arith.constant 0 : i32
      %dma_wait3A_1254 = arith.constant 0 : i32
      %dma_wait3A_1255 = tpu.memref_slice %arg5[%dma_wait3A_1253, %dma_wait3A_1254] : memref<576x64xf32, #tpu.memory_space<vmem>> -> memref<512x64xf32, #tpu.memory_space<vmem>>
      %dma_wait3A_1256 = arith.constant 0 : i32
      %dma_wait3A_1257 = arith.constant 0 : i32
      %dma_wait3A_1258 = tpu.memref_slice %arg3[%dma_wait3A_1252, %dma_wait3A_1256, %dma_wait3A_1257] : memref<2048x2048x64xf32, #tpu.memory_space<hbm>> -> memref<1x512x64xf32, #tpu.memory_space<hbm>>
      %dma_wait3A_1259 = tpu.memref_squeeze %dma_wait3A_1258 : memref<1x512x64xf32, #tpu.memory_space<hbm>> -> memref<512x64xf32, #tpu.memory_space<hbm>>
      %dma_wait3A_1260 = arith.constant 0 : i32
      %dma_wait3A_1261 = arith.constant 0 : i32
      %dma_wait3A_1262 = tpu.memref_slice %arg3[%dma_wait3A_1252, %dma_wait3A_1260, %dma_wait3A_1261] : memref<2048x2048x64xf32, #tpu.memory_space<hbm>> -> memref<1x512x64xf32, #tpu.memory_space<hbm>>
      %dma_wait3A_1263 = tpu.memref_squeeze %dma_wait3A_1262 : memref<1x512x64xf32, #tpu.memory_space<hbm>> -> memref<512x64xf32, #tpu.memory_space<hbm>>
      %dma_wait3A_1264 = arith.constant 0 : i32
      %dma_wait3A_1265 = arith.constant 0 : i32
      %dma_wait3A_1266 = tpu.memref_slice %arg5[%dma_wait3A_1264, %dma_wait3A_1265] : memref<576x64xf32, #tpu.memory_space<vmem>> -> memref<512x64xf32, #tpu.memory_space<vmem>>
      tpu.wait_dma2 semaphore(%arg6 : memref<!tpu.dma_semaphore, #tpu.memory_space<semaphore_mem>>) src(%dma_wait3A_1266 : memref<512x64xf32, #tpu.memory_space<vmem>>) dst(%dma_wait3A_1263 : memref<512x64xf32, #tpu.memory_space<hbm>>)
      %add3A_1267 = arith.constant 8 : i32
      %add3A_1268 = arith.addi %add3A_1267, %scan3A_1250 : i32
      %sub3A_1269 = arith.constant 63 : i32
      %sub3A_1270 = arith.subi %sub3A_1269, %add3A_1268 : i32
      %add3A_1271 = arith.addi %mul3A_2, %add3A_1268 : i32
      %dma_start3A_1272 = arith.constant 0 : i32
      %dma_start3A_1273 = tpu.memref_slice %arg5[%sub3A_1270, %dma_start3A_1272] : memref<576x64xf32, #tpu.memory_space<vmem>> -> memref<512x64xf32, #tpu.memory_space<vmem>>
      %dma_start3A_1274 = arith.constant 1536 : i32
      %dma_start3A_1275 = arith.constant 0 : i32
      %dma_start3A_1276 = tpu.memref_slice %arg3[%add3A_1271, %dma_start3A_1274, %dma_start3A_1275] : memref<2048x2048x64xf32, #tpu.memory_space<hbm>> -> memref<1x512x64xf32, #tpu.memory_space<hbm>>
      %dma_start3A_1277 = tpu.memref_squeeze %dma_start3A_1276 : memref<1x512x64xf32, #tpu.memory_space<hbm>> -> memref<512x64xf32, #tpu.memory_space<hbm>>
      %dma_start3A_1278 = arith.constant 1536 : i32
      %dma_start3A_1279 = arith.constant 0 : i32
      %dma_start3A_1280 = tpu.memref_slice %arg3[%add3A_1271, %dma_start3A_1278, %dma_start3A_1279] : memref<2048x2048x64xf32, #tpu.memory_space<hbm>> -> memref<1x512x64xf32, #tpu.memory_space<hbm>>
      %dma_start3A_1281 = tpu.memref_squeeze %dma_start3A_1280 : memref<1x512x64xf32, #tpu.memory_space<hbm>> -> memref<512x64xf32, #tpu.memory_space<hbm>>
      %dma_start3A_1282 = arith.constant 0 : i32
      %dma_start3A_1283 = tpu.memref_slice %arg5[%sub3A_1270, %dma_start3A_1282] : memref<576x64xf32, #tpu.memory_space<vmem>> -> memref<512x64xf32, #tpu.memory_space<vmem>>
      tpu.enqueue_dma source(%dma_start3A_1283 : memref<512x64xf32, #tpu.memory_space<vmem>>) target(%dma_start3A_1281 : memref<512x64xf32, #tpu.memory_space<hbm>>) target_semaphore(%arg6 : memref<!tpu.dma_semaphore, #tpu.memory_space<semaphore_mem>>)
      %scan3A_1284 = arith.constant 0 : i32
      scf.yield %scan3A_1284 : i32
    }
    %scan3A_1129 = arith.constant 56 : i32
    %dma_wait3A_1130 = arith.constant 0 : i32
    %dma_wait3A_1131 = arith.constant 0 : i32
    %dma_wait3A_1132 = arith.constant 0 : i32
    %dma_wait3A_1133 = tpu.memref_slice %arg5[%dma_wait3A_1131, %dma_wait3A_1132] : memref<576x64xf32, #tpu.memory_space<vmem>> -> memref<512x64xf32, #tpu.memory_space<vmem>>
    %dma_wait3A_1134 = arith.constant 0 : i32
    %dma_wait3A_1135 = arith.constant 0 : i32
    %dma_wait3A_1136 = tpu.memref_slice %arg3[%dma_wait3A_1130, %dma_wait3A_1134, %dma_wait3A_1135] : memref<2048x2048x64xf32, #tpu.memory_space<hbm>> -> memref<1x512x64xf32, #tpu.memory_space<hbm>>
    %dma_wait3A_1137 = tpu.memref_squeeze %dma_wait3A_1136 : memref<1x512x64xf32, #tpu.memory_space<hbm>> -> memref<512x64xf32, #tpu.memory_space<hbm>>
    %dma_wait3A_1138 = arith.constant 0 : i32
    %dma_wait3A_1139 = arith.constant 0 : i32
    %dma_wait3A_1140 = tpu.memref_slice %arg3[%dma_wait3A_1130, %dma_wait3A_1138, %dma_wait3A_1139] : memref<2048x2048x64xf32, #tpu.memory_space<hbm>> -> memref<1x512x64xf32, #tpu.memory_space<hbm>>
    %dma_wait3A_1141 = tpu.memref_squeeze %dma_wait3A_1140 : memref<1x512x64xf32, #tpu.memory_space<hbm>> -> memref<512x64xf32, #tpu.memory_space<hbm>>
    %dma_wait3A_1142 = arith.constant 0 : i32
    %dma_wait3A_1143 = arith.constant 0 : i32
    %dma_wait3A_1144 = tpu.memref_slice %arg5[%dma_wait3A_1142, %dma_wait3A_1143] : memref<576x64xf32, #tpu.memory_space<vmem>> -> memref<512x64xf32, #tpu.memory_space<vmem>>
    tpu.wait_dma2 semaphore(%arg6 : memref<!tpu.dma_semaphore, #tpu.memory_space<semaphore_mem>>) src(%dma_wait3A_1144 : memref<512x64xf32, #tpu.memory_space<vmem>>) dst(%dma_wait3A_1141 : memref<512x64xf32, #tpu.memory_space<hbm>>)
    %dma_wait3A_1145 = arith.constant 0 : i32
    %dma_wait3A_1146 = arith.constant 0 : i32
    %dma_wait3A_1147 = arith.constant 0 : i32
    %dma_wait3A_1148 = tpu.memref_slice %arg5[%dma_wait3A_1146, %dma_wait3A_1147] : memref<576x64xf32, #tpu.memory_space<vmem>> -> memref<512x64xf32, #tpu.memory_space<vmem>>
    %dma_wait3A_1149 = arith.constant 0 : i32
    %dma_wait3A_1150 = arith.constant 0 : i32
    %dma_wait3A_1151 = tpu.memref_slice %arg3[%dma_wait3A_1145, %dma_wait3A_1149, %dma_wait3A_1150] : memref<2048x2048x64xf32, #tpu.memory_space<hbm>> -> memref<1x512x64xf32, #tpu.memory_space<hbm>>
    %dma_wait3A_1152 = tpu.memref_squeeze %dma_wait3A_1151 : memref<1x512x64xf32, #tpu.memory_space<hbm>> -> memref<512x64xf32, #tpu.memory_space<hbm>>
    %dma_wait3A_1153 = arith.constant 0 : i32
    %dma_wait3A_1154 = arith.constant 0 : i32
    %dma_wait3A_1155 = tpu.memref_slice %arg3[%dma_wait3A_1145, %dma_wait3A_1153, %dma_wait3A_1154] : memref<2048x2048x64xf32, #tpu.memory_space<hbm>> -> memref<1x512x64xf32, #tpu.memory_space<hbm>>
    %dma_wait3A_1156 = tpu.memref_squeeze %dma_wait3A_1155 : memref<1x512x64xf32, #tpu.memory_space<hbm>> -> memref<512x64xf32, #tpu.memory_space<hbm>>
    %dma_wait3A_1157 = arith.constant 0 : i32
    %dma_wait3A_1158 = arith.constant 0 : i32
    %dma_wait3A_1159 = tpu.memref_slice %arg5[%dma_wait3A_1157, %dma_wait3A_1158] : memref<576x64xf32, #tpu.memory_space<vmem>> -> memref<512x64xf32, #tpu.memory_space<vmem>>
    tpu.wait_dma2 semaphore(%arg6 : memref<!tpu.dma_semaphore, #tpu.memory_space<semaphore_mem>>) src(%dma_wait3A_1159 : memref<512x64xf32, #tpu.memory_space<vmem>>) dst(%dma_wait3A_1156 : memref<512x64xf32, #tpu.memory_space<hbm>>)
    %dma_wait3A_1160 = arith.constant 0 : i32
    %dma_wait3A_1161 = arith.constant 0 : i32
    %dma_wait3A_1162 = arith.constant 0 : i32
    %dma_wait3A_1163 = tpu.memref_slice %arg5[%dma_wait3A_1161, %dma_wait3A_1162] : memref<576x64xf32, #tpu.memory_space<vmem>> -> memref<512x64xf32, #tpu.memory_space<vmem>>
    %dma_wait3A_1164 = arith.constant 0 : i32
    %dma_wait3A_1165 = arith.constant 0 : i32
    %dma_wait3A_1166 = tpu.memref_slice %arg3[%dma_wait3A_1160, %dma_wait3A_1164, %dma_wait3A_1165] : memref<2048x2048x64xf32, #tpu.memory_space<hbm>> -> memref<1x512x64xf32, #tpu.memory_space<hbm>>
    %dma_wait3A_1167 = tpu.memref_squeeze %dma_wait3A_1166 : memref<1x512x64xf32, #tpu.memory_space<hbm>> -> memref<512x64xf32, #tpu.memory_space<hbm>>
    %dma_wait3A_1168 = arith.constant 0 : i32
    %dma_wait3A_1169 = arith.constant 0 : i32
    %dma_wait3A_1170 = tpu.memref_slice %arg3[%dma_wait3A_1160, %dma_wait3A_1168, %dma_wait3A_1169] : memref<2048x2048x64xf32, #tpu.memory_space<hbm>> -> memref<1x512x64xf32, #tpu.memory_space<hbm>>
    %dma_wait3A_1171 = tpu.memref_squeeze %dma_wait3A_1170 : memref<1x512x64xf32, #tpu.memory_space<hbm>> -> memref<512x64xf32, #tpu.memory_space<hbm>>
    %dma_wait3A_1172 = arith.constant 0 : i32
    %dma_wait3A_1173 = arith.constant 0 : i32
    %dma_wait3A_1174 = tpu.memref_slice %arg5[%dma_wait3A_1172, %dma_wait3A_1173] : memref<576x64xf32, #tpu.memory_space<vmem>> -> memref<512x64xf32, #tpu.memory_space<vmem>>
    tpu.wait_dma2 semaphore(%arg6 : memref<!tpu.dma_semaphore, #tpu.memory_space<semaphore_mem>>) src(%dma_wait3A_1174 : memref<512x64xf32, #tpu.memory_space<vmem>>) dst(%dma_wait3A_1171 : memref<512x64xf32, #tpu.memory_space<hbm>>)
    %dma_wait3A_1175 = arith.constant 0 : i32
    %dma_wait3A_1176 = arith.constant 0 : i32
    %dma_wait3A_1177 = arith.constant 0 : i32
    %dma_wait3A_1178 = tpu.memref_slice %arg5[%dma_wait3A_1176, %dma_wait3A_1177] : memref<576x64xf32, #tpu.memory_space<vmem>> -> memref<512x64xf32, #tpu.memory_space<vmem>>
    %dma_wait3A_1179 = arith.constant 0 : i32
    %dma_wait3A_1180 = arith.constant 0 : i32
    %dma_wait3A_1181 = tpu.memref_slice %arg3[%dma_wait3A_1175, %dma_wait3A_1179, %dma_wait3A_1180] : memref<2048x2048x64xf32, #tpu.memory_space<hbm>> -> memref<1x512x64xf32, #tpu.memory_space<hbm>>
    %dma_wait3A_1182 = tpu.memref_squeeze %dma_wait3A_1181 : memref<1x512x64xf32, #tpu.memory_space<hbm>> -> memref<512x64xf32, #tpu.memory_space<hbm>>
    %dma_wait3A_1183 = arith.constant 0 : i32
    %dma_wait3A_1184 = arith.constant 0 : i32
    %dma_wait3A_1185 = tpu.memref_slice %arg3[%dma_wait3A_1175, %dma_wait3A_1183, %dma_wait3A_1184] : memref<2048x2048x64xf32, #tpu.memory_space<hbm>> -> memref<1x512x64xf32, #tpu.memory_space<hbm>>
    %dma_wait3A_1186 = tpu.memref_squeeze %dma_wait3A_1185 : memref<1x512x64xf32, #tpu.memory_space<hbm>> -> memref<512x64xf32, #tpu.memory_space<hbm>>
    %dma_wait3A_1187 = arith.constant 0 : i32
    %dma_wait3A_1188 = arith.constant 0 : i32
    %dma_wait3A_1189 = tpu.memref_slice %arg5[%dma_wait3A_1187, %dma_wait3A_1188] : memref<576x64xf32, #tpu.memory_space<vmem>> -> memref<512x64xf32, #tpu.memory_space<vmem>>
    tpu.wait_dma2 semaphore(%arg6 : memref<!tpu.dma_semaphore, #tpu.memory_space<semaphore_mem>>) src(%dma_wait3A_1189 : memref<512x64xf32, #tpu.memory_space<vmem>>) dst(%dma_wait3A_1186 : memref<512x64xf32, #tpu.memory_space<hbm>>)
    %dma_wait3A_1190 = arith.constant 0 : i32
    %dma_wait3A_1191 = arith.constant 0 : i32
    %dma_wait3A_1192 = arith.constant 0 : i32
    %dma_wait3A_1193 = tpu.memref_slice %arg5[%dma_wait3A_1191, %dma_wait3A_1192] : memref<576x64xf32, #tpu.memory_space<vmem>> -> memref<512x64xf32, #tpu.memory_space<vmem>>
    %dma_wait3A_1194 = arith.constant 0 : i32
    %dma_wait3A_1195 = arith.constant 0 : i32
    %dma_wait3A_1196 = tpu.memref_slice %arg3[%dma_wait3A_1190, %dma_wait3A_1194, %dma_wait3A_1195] : memref<2048x2048x64xf32, #tpu.memory_space<hbm>> -> memref<1x512x64xf32, #tpu.memory_space<hbm>>
    %dma_wait3A_1197 = tpu.memref_squeeze %dma_wait3A_1196 : memref<1x512x64xf32, #tpu.memory_space<hbm>> -> memref<512x64xf32, #tpu.memory_space<hbm>>
    %dma_wait3A_1198 = arith.constant 0 : i32
    %dma_wait3A_1199 = arith.constant 0 : i32
    %dma_wait3A_1200 = tpu.memref_slice %arg3[%dma_wait3A_1190, %dma_wait3A_1198, %dma_wait3A_1199] : memref<2048x2048x64xf32, #tpu.memory_space<hbm>> -> memref<1x512x64xf32, #tpu.memory_space<hbm>>
    %dma_wait3A_1201 = tpu.memref_squeeze %dma_wait3A_1200 : memref<1x512x64xf32, #tpu.memory_space<hbm>> -> memref<512x64xf32, #tpu.memory_space<hbm>>
    %dma_wait3A_1202 = arith.constant 0 : i32
    %dma_wait3A_1203 = arith.constant 0 : i32
    %dma_wait3A_1204 = tpu.memref_slice %arg5[%dma_wait3A_1202, %dma_wait3A_1203] : memref<576x64xf32, #tpu.memory_space<vmem>> -> memref<512x64xf32, #tpu.memory_space<vmem>>
    tpu.wait_dma2 semaphore(%arg6 : memref<!tpu.dma_semaphore, #tpu.memory_space<semaphore_mem>>) src(%dma_wait3A_1204 : memref<512x64xf32, #tpu.memory_space<vmem>>) dst(%dma_wait3A_1201 : memref<512x64xf32, #tpu.memory_space<hbm>>)
    %dma_wait3A_1205 = arith.constant 0 : i32
    %dma_wait3A_1206 = arith.constant 0 : i32
    %dma_wait3A_1207 = arith.constant 0 : i32
    %dma_wait3A_1208 = tpu.memref_slice %arg5[%dma_wait3A_1206, %dma_wait3A_1207] : memref<576x64xf32, #tpu.memory_space<vmem>> -> memref<512x64xf32, #tpu.memory_space<vmem>>
    %dma_wait3A_1209 = arith.constant 0 : i32
    %dma_wait3A_1210 = arith.constant 0 : i32
    %dma_wait3A_1211 = tpu.memref_slice %arg3[%dma_wait3A_1205, %dma_wait3A_1209, %dma_wait3A_1210] : memref<2048x2048x64xf32, #tpu.memory_space<hbm>> -> memref<1x512x64xf32, #tpu.memory_space<hbm>>
    %dma_wait3A_1212 = tpu.memref_squeeze %dma_wait3A_1211 : memref<1x512x64xf32, #tpu.memory_space<hbm>> -> memref<512x64xf32, #tpu.memory_space<hbm>>
    %dma_wait3A_1213 = arith.constant 0 : i32
    %dma_wait3A_1214 = arith.constant 0 : i32
    %dma_wait3A_1215 = tpu.memref_slice %arg3[%dma_wait3A_1205, %dma_wait3A_1213, %dma_wait3A_1214] : memref<2048x2048x64xf32, #tpu.memory_space<hbm>> -> memref<1x512x64xf32, #tpu.memory_space<hbm>>
    %dma_wait3A_1216 = tpu.memref_squeeze %dma_wait3A_1215 : memref<1x512x64xf32, #tpu.memory_space<hbm>> -> memref<512x64xf32, #tpu.memory_space<hbm>>
    %dma_wait3A_1217 = arith.constant 0 : i32
    %dma_wait3A_1218 = arith.constant 0 : i32
    %dma_wait3A_1219 = tpu.memref_slice %arg5[%dma_wait3A_1217, %dma_wait3A_1218] : memref<576x64xf32, #tpu.memory_space<vmem>> -> memref<512x64xf32, #tpu.memory_space<vmem>>
    tpu.wait_dma2 semaphore(%arg6 : memref<!tpu.dma_semaphore, #tpu.memory_space<semaphore_mem>>) src(%dma_wait3A_1219 : memref<512x64xf32, #tpu.memory_space<vmem>>) dst(%dma_wait3A_1216 : memref<512x64xf32, #tpu.memory_space<hbm>>)
    %dma_wait3A_1220 = arith.constant 0 : i32
    %dma_wait3A_1221 = arith.constant 0 : i32
    %dma_wait3A_1222 = arith.constant 0 : i32
    %dma_wait3A_1223 = tpu.memref_slice %arg5[%dma_wait3A_1221, %dma_wait3A_1222] : memref<576x64xf32, #tpu.memory_space<vmem>> -> memref<512x64xf32, #tpu.memory_space<vmem>>
    %dma_wait3A_1224 = arith.constant 0 : i32
    %dma_wait3A_1225 = arith.constant 0 : i32
    %dma_wait3A_1226 = tpu.memref_slice %arg3[%dma_wait3A_1220, %dma_wait3A_1224, %dma_wait3A_1225] : memref<2048x2048x64xf32, #tpu.memory_space<hbm>> -> memref<1x512x64xf32, #tpu.memory_space<hbm>>
    %dma_wait3A_1227 = tpu.memref_squeeze %dma_wait3A_1226 : memref<1x512x64xf32, #tpu.memory_space<hbm>> -> memref<512x64xf32, #tpu.memory_space<hbm>>
    %dma_wait3A_1228 = arith.constant 0 : i32
    %dma_wait3A_1229 = arith.constant 0 : i32
    %dma_wait3A_1230 = tpu.memref_slice %arg3[%dma_wait3A_1220, %dma_wait3A_1228, %dma_wait3A_1229] : memref<2048x2048x64xf32, #tpu.memory_space<hbm>> -> memref<1x512x64xf32, #tpu.memory_space<hbm>>
    %dma_wait3A_1231 = tpu.memref_squeeze %dma_wait3A_1230 : memref<1x512x64xf32, #tpu.memory_space<hbm>> -> memref<512x64xf32, #tpu.memory_space<hbm>>
    %dma_wait3A_1232 = arith.constant 0 : i32
    %dma_wait3A_1233 = arith.constant 0 : i32
    %dma_wait3A_1234 = tpu.memref_slice %arg5[%dma_wait3A_1232, %dma_wait3A_1233] : memref<576x64xf32, #tpu.memory_space<vmem>> -> memref<512x64xf32, #tpu.memory_space<vmem>>
    tpu.wait_dma2 semaphore(%arg6 : memref<!tpu.dma_semaphore, #tpu.memory_space<semaphore_mem>>) src(%dma_wait3A_1234 : memref<512x64xf32, #tpu.memory_space<vmem>>) dst(%dma_wait3A_1231 : memref<512x64xf32, #tpu.memory_space<hbm>>)
    %dma_wait3A_1235 = arith.constant 0 : i32
    %dma_wait3A_1236 = arith.constant 0 : i32
    %dma_wait3A_1237 = arith.constant 0 : i32
    %dma_wait3A_1238 = tpu.memref_slice %arg5[%dma_wait3A_1236, %dma_wait3A_1237] : memref<576x64xf32, #tpu.memory_space<vmem>> -> memref<512x64xf32, #tpu.memory_space<vmem>>
    %dma_wait3A_1239 = arith.constant 0 : i32
    %dma_wait3A_1240 = arith.constant 0 : i32
    %dma_wait3A_1241 = tpu.memref_slice %arg3[%dma_wait3A_1235, %dma_wait3A_1239, %dma_wait3A_1240] : memref<2048x2048x64xf32, #tpu.memory_space<hbm>> -> memref<1x512x64xf32, #tpu.memory_space<hbm>>
    %dma_wait3A_1242 = tpu.memref_squeeze %dma_wait3A_1241 : memref<1x512x64xf32, #tpu.memory_space<hbm>> -> memref<512x64xf32, #tpu.memory_space<hbm>>
    %dma_wait3A_1243 = arith.constant 0 : i32
    %dma_wait3A_1244 = arith.constant 0 : i32
    %dma_wait3A_1245 = tpu.memref_slice %arg3[%dma_wait3A_1235, %dma_wait3A_1243, %dma_wait3A_1244] : memref<2048x2048x64xf32, #tpu.memory_space<hbm>> -> memref<1x512x64xf32, #tpu.memory_space<hbm>>
    %dma_wait3A_1246 = tpu.memref_squeeze %dma_wait3A_1245 : memref<1x512x64xf32, #tpu.memory_space<hbm>> -> memref<512x64xf32, #tpu.memory_space<hbm>>
    %dma_wait3A_1247 = arith.constant 0 : i32
    %dma_wait3A_1248 = arith.constant 0 : i32
    %dma_wait3A_1249 = tpu.memref_slice %arg5[%dma_wait3A_1247, %dma_wait3A_1248] : memref<576x64xf32, #tpu.memory_space<vmem>> -> memref<512x64xf32, #tpu.memory_space<vmem>>
    tpu.wait_dma2 semaphore(%arg6 : memref<!tpu.dma_semaphore, #tpu.memory_space<semaphore_mem>>) src(%dma_wait3A_1249 : memref<512x64xf32, #tpu.memory_space<vmem>>) dst(%dma_wait3A_1246 : memref<512x64xf32, #tpu.memory_space<hbm>>)
    return
  }
}

</mosaic_0001>

<sc_bundles>
// kernel: kernel.3.cloned.1.call-start
scs
__scs_entry_jumppad:
0x0: {  	(pc) =	sbr.rel $0x88, $3  }
0x1: {  	(tag) =	ssettag $0x0;
	lr =	simm.s32 $0x1  }
0x2: {  	[smem:$0x3FA0] =	sst lr;
	_ =	strace $0xD0000000  }
0x3: {  	_ = 	snop  }
0x4: {  	_ = 	snop  }
0x5: {  	_ = 	snop  }
0x6: {  	_ = 	snop  }
0x7: {  	_ = 	snop  }
__scs_overlays_trampoline_lowered:
0x8: {  	[smem:$0x3FAF] =	sst s0  }
0x9: {  	[smem:$0x3FB0] =	sst s1  }
0xa: {  	[smem:$0x3FB1] =	sst s2  }
0xb: {  	[smem:$0x3FB2] =	sst s3  }
0xc: {  	[smem:$0x3FB3] =	sst s4  }
0xd: {  	[smem:$0x3FB4] =	sst s5  }
0xe: {  	[smem:$0x3FB5] =	sst s6  }
0xf: {  	[smem:$0x3FB6] =	sst s7  }
0x10: {  	[smem:$0x3FB7] =	sst s8  }
0x11: {  	[smem:$0x3FB8] =	sst s9;
	s0 =	simm.s32 @!p0 $0x0  }
0x12: {  	s1 =	sld [smem:$0x3F9E];
	s0 =	simm.s32 @p0 $0x1  }
0x13: {  	[smem:$0x3FB9] =	sst s0;
	s0 =	simm.s32 @!p1 $0x0  }
0x14: {  	s2 =	sld [smem:$0x3F9D];
	s0 =	simm.s32 @p1 $0x1  }
0x15: {  	[smem:$0x3FBA] =	sst s0;
	s0 =	simm.s32 @!p2 $0x0  }
0x16: {  	s3 =	sld [smem:$0x3FDB];
	s0 =	simm.s32 @p2 $0x1  }
0x17: {  	s4 =	simm.s32 $0x1BF5;
	[smem:$0x3FBC] =	sst s0  }
0x18: {  	s0 =	sld [smem:$0x3F9F];
	_ =	swait.ge [sflag:s4], $0x0  }
0x19: {  	s7 =	sld [smem:$0x3FA0]  }
0x1a: {  	s8 =	sadd.s32 $0xFFFFE003, lr  }
0x1b: {  	s9 =	sadd.s32 $0xFFFFFEF7, lr;
	s5 =	simm.s32 $0xFFFFFFFF;
	p2 =	slt.u32 s8, $0xFFFFF086  }
0x1c: {  	p1 =	slt.u32 s9, $0xF7A;
	s5 =	simm.s32 @!p2 $0x0  }
0x1d: {  	s5 =	simm.s32 @p1 $0x1;
	p0 =	seq.s32 s7, s2  }
0x1e: {  	s7 =	smul.u32 @!p0 $0xF7A, s2;
	p2 =	seq.s32 @!p0 s5, $0x0  }
0x1f: {  	s9 =	smul.u32 $0xF7A, s1;
	s8 =	simm.s32 @!p0 $0x1BF5;
	p2 =	por !p2, p0  }
0x20: {  	[sflag:s8] =	ssyncset.s32 @!p0 $0xFFFFF086;
	s6 =	sadd.s32 @!p0 s3, s7;
	s7 =	simm.s32 @!p0 $0x108  }
0x21: {  	s3 =	sadd.s32 s3, s9;
	s6 =	sadd.s32 @!p0 $0x88, s6;
	s7 =	simm.s32 @p2 $0x1082  }
0x22: {  	[simem:s7], [sflag:s8] =	dma.local @!p0 [hbm:s6], $0xF7A  }
0x23: {  	s9 =	sor.u32 $0xD0000000, s2;
	s6 =	simm.s32 $0x108;
	_ =	swait.ge @!p0 [sflag:s8], $0x0  }
0x24: {  	s3 =	sadd.s32 $0x88, s3;
	s6 =	simm.s32 @!p1 $0x1082;
	[sflag:s4] =	ssyncset.s32 $0xFFFFF086  }
0x25: {  	[simem:s6], [sflag:s4] =	dma.local [hbm:s3], $0xF7A  }
0x26: {  	[smem:$0x3FA0] =	sst s1;
	(tag) =	ssettag s2;
	_ =	strace s9  }
0x27: {  	s1 =	sld [smem:$0x3FB0]  }
0x28: {  	s2 =	sld [smem:$0x3FB1]  }
0x29: {  	s4 =	sld [smem:$0x3FB3]  }
0x2a: {  	p0 =	seq.s32 s5, $0x0;
	s5 =	sld [smem:$0x3FB4]  }
0x2b: {  	s6 =	sld [smem:$0x3FB5]  }
0x2c: {  	s7 =	sld [smem:$0x3FB6]  }
0x2d: {  	s3 =	simm.s32 $0x108;
	s8 =	sld [smem:$0x3FB7]  }
0x2e: {  	s3 =	simm.s32 @!p0 $0x1082;
	s9 =	sld [smem:$0x3FB8]  }
0x2f: {  	lr =	sadd.s32 s0, s3;
	s0 =	sld [smem:$0x3FAF]  }
0x30: {  	s3 =	sld [smem:$0x3FB2]  }
0x31: {  	[smem:$0x3FBB] =	sst s10  }
0x32: {  	s10 =	sld [smem:$0x3FB9];
	_ =	sdelay $0x3  }
0x33: {  	p0 =	seq.s32 s10, $0x1;
	s10 =	sld [smem:$0x3FBB];
	_ =	sdelay $0x3  }
0x34: {  	[smem:$0x3FBB] =	sst s10  }
0x35: {  	s10 =	sld [smem:$0x3FBA];
	_ =	sdelay $0x3  }
0x36: {  	p1 =	seq.s32 s10, $0x1;
	s10 =	sld [smem:$0x3FBB];
	_ =	sdelay $0x3  }
0x37: {  	[smem:$0x3FBB] =	sst s10  }
0x38: {  	s10 =	sld [smem:$0x3FBC]  }
0x39: {  	_ = 	snop;
	(pc) =	sbr.ind lr, $3  }
0x3a: {  	_ = 	snop  }
0x3b: {  	_ = 	snop  }
0x3c: {  	p2 =	seq.s32 s10, $0x1;
	s10 =	sld [smem:$0x3FBB]  }
0x3d: {  	_ =	shalt  }
0x3e: {  	_ =	shalt  }
0x3f: {  	_ =	shalt  }
0x40: {  	_ =	shalt  }
0x41: {  	_ =	shalt  }
0x42: {  	_ =	shalt  }
0x43: {  	_ =	shalt  }
0x44: {  	_ =	shalt  }
0x45: {  	_ =	shalt  }
0x46: {  	_ =	shalt  }
0x47: {  	_ =	shalt  }
0x48: {  	_ =	shalt  }
0x49: {  	_ =	shalt  }
0x4a: {  	_ =	shalt  }
0x4b: {  	_ =	shalt  }
0x4c: {  	_ =	shalt  }
0x4d: {  	_ =	shalt  }
0x4e: {  	_ =	shalt  }
0x4f: {  	_ =	shalt  }
0x50: {  	_ =	shalt  }
0x51: {  	_ =	shalt  }
0x52: {  	_ =	shalt  }
0x53: {  	_ =	shalt  }
0x54: {  	_ =	shalt  }
0x55: {  	_ =	shalt  }
0x56: {  	_ =	shalt  }
0x57: {  	_ =	shalt  }
0x58: {  	_ =	shalt  }
0x59: {  	_ =	shalt  }
0x5a: {  	_ =	shalt  }
0x5b: {  	_ =	shalt  }
0x5c: {  	_ =	shalt  }
0x5d: {  	_ =	shalt  }
0x5e: {  	_ =	shalt  }
0x5f: {  	_ =	shalt  }
0x60: {  	_ =	shalt  }
0x61: {  	_ =	shalt  }
0x62: {  	_ =	shalt  }
0x63: {  	_ =	shalt  }
0x64: {  	_ =	shalt  }
0x65: {  	_ =	shalt  }
0x66: {  	_ =	shalt  }
0x67: {  	_ =	shalt  }
0x68: {  	_ =	shalt  }
0x69: {  	_ =	shalt  }
0x6a: {  	_ =	shalt  }
0x6b: {  	_ =	shalt  }
0x6c: {  	_ =	shalt  }
0x6d: {  	_ =	shalt  }
0x6e: {  	_ =	shalt  }
0x6f: {  	_ =	shalt  }
0x70: {  	_ =	shalt  }
0x71: {  	_ =	shalt  }
0x72: {  	_ =	shalt  }
0x73: {  	_ =	shalt  }
0x74: {  	_ =	shalt  }
0x75: {  	_ =	shalt  }
0x76: {  	_ =	shalt  }
0x77: {  	_ =	shalt  }
0x78: {  	_ =	shalt  }
0x79: {  	_ =	shalt  }
0x7a: {  	_ =	shalt  }
0x7b: {  	_ =	shalt  }
0x7c: {  	_ =	shalt  }
0x7d: {  	_ =	shalt  }
0x7e: {  	_ =	shalt  }
0x7f: {  	_ =	shalt  }
0x80: {  	_ =	shalt  }
0x81: {  	_ =	shalt  }
0x82: {  	_ =	shalt  }
0x83: {  	_ =	shalt  }
0x84: {  	_ =	shalt  }
0x85: {  	_ =	shalt  }
0x86: {  	_ =	shalt  }
0x87: {  	_ =	shalt  }
.Lfunc_end0:
.L_simem_size_0:
called_computation_lowered:
.L_overlay_start_0:
0x88: {  	s2 =	sld [smem:$0x3FD9]  }
0x89: {  	s3 =	sld [smem:$0x3FFE];
	_ =	sdelay $0x1  }
0x8a: {  	s1 =	srdreg.scid  }
0x8b: {  	s0 =	sand.u32 $0x1, s1  }
0x8c: {  	s17 =	sshll.u32 s0, $0xA;
	s2 =	sadd.s32 s3, s2  }
0x8d: {  	s2 =	sadd.s32 s2, s17  }
0x8e: {  	[smem:$0x3FC7] =	sst s2  }
0x8f: {  	_ = 	snop  }
0x90: {  	s2 =	sld [smem:$0x3FD0];
	(tm) =	ssettm $0x1  }
0x91: {  	s18 =	sld [smem:$0x3FFB];
	_ =	sdelay $0x3  }
0x92: {  	_ =	strace s18  }
0x93: {  	s3 =	sld [smem:$0x3FFC];
	_ =	sdelay $0x3  }
0x94: {  	_ =	strace s3  }
0x95: {  	s3 =	sld [smem:$0x3FFD];
	_ =	sdelay $0x3  }
0x96: {  	_ =	strace s3  }
0x97: {  	_ =	strace $0x8FFFFFFF  }
0x98: {  	s19 =	sld [smem:$0x3FDB];
	_ =	sdelay $0x1  }
0x99: {  	s4 =	simm.s32 $_scs_section_size  }
0x9a: {  	s5 =	simm.s32 $_size__tile_overlayer_lowered;
	s6 =	simm.s32 $_tile_overlayer_lowered  }
0x9b: {  	s22 =	simm.s32 $0x1BFF;
	s21 =	sshll.u32 s6, $0x1;
	s3 =	sadd.s32 s4, s19  }
0x9c: {  	s7 =	simm.s32 $0x0;
	s20 =	sshll.u32 s5, $0x1;
	s5 =	sadd.s32 s21, s3  }
0x9d: {  	[timem:s7], [sflag:s22] =	dma.local [hbm:s5], s20  }
0x9e: {  	_ =	swait.ge [sflag:s22], s20  }
0x9f: {  	s4 =	ssub.s32 $0x0, s20;
	[sflag:s22] =	ssyncset.done $0x0  }
0xa0: {  	[sflag:s22] =	ssyncadd.s32 s4;
	_ =	sdelay $0x1  }
0xa1: {  	s23 =	simm.s32 $0x1B8B  }
0xa2: {  	_ =	swait.ge [sflag:s23], $0x1  }
0xa3: {  	[sflag:s23] =	ssyncset.done $0x0  }
0xa4: {  	s25 =	simm.s32 $0x1B8E;
	s24 =	sld [smem:$0x3FFE];
	[sflag:s23] =	ssyncadd.s32 $0xFFFFFFFF  }
0xa5: {  	s26 =	simm.s32 $execute0_lowered;
	[smem:$0x3FD2] =	sst s25  }
0xa6: {  	s5 =	sshll.u32 s26, $0x1;
	_ =	strace $0x80000046;
	[dreg:$0x1] =	wrdreg $0xFFFFFFFF  }
0xa7: {  	s28 =	simm.s32 $_size_execute0_lowered;
	s3 =	sadd.s32 s3, s5;
	[dreg:$0x0] =	wrdreg $0x0  }
0xa8: {  	s5 =	sshll.u32 s28, $0x1;
	[dreg:$0x2] =	wrdreg s3  }
0xa9: {  	[dreg:$0x3] =	wrdreg s5  }
0xaa: {  	[dreg:$0x4] =	wrdreg $0xC0  }
0xab: {  	_ =	task [dreg:s7], $0x5FFFF  }
0xac: {  	[dreg:$0x1] =	wrdreg $0xFFFFFFFF  }
0xad: {  	[dreg:$0x0] =	wrdreg $0x60  }
0xae: {  	[dreg:$0x2] =	wrdreg s2  }
0xaf: {  	[dreg:$0x3] =	wrdreg s24  }
0xb0: {  	[dreg:$0x4] =	wrdreg $0x9  }
0xb1: {  	_ =	task.clear_ibuf [dreg:s7], $0x5FFFF;
	_ =	strace $0x90000046  }
0xb2: {  	s29 =	simm.s32 $0x9;
	_ =	strace $0x80000048  }
0xb3: {  	_ =	swait.ge [sflag:s29], $0x1  }
0xb4: {  	[sflag:s29] =	ssyncadd.s32 $0xFFFFFFFF  }
0xb5: {  	_ =	strace $0x90000048  }
0xb6: {  	_ =	sfence  }
0xb7: {  	s30 =	sld [smem:$0x0];
	_ =	sdelay $0x2  }
0xb8: {  	s31 =	sshll.u32 s1, $0xD;
	s1 =	sshrl.u32 s1, $0x2  }
0xb9: {  	s3 =	sand.u32 $0x4000, s31;
	s1 =	sadd.s32 s1, s30  }
0xba: {  	s0 =	sor.u32 s3, s0;
	s1 =	sshll.u32 s1, $0x11  }
0xbb: {  	s0 =	sor.u32 s1, s0  }
0xbc: {  	s0 =	sadd.s32 $0x8F2B, s0  }
0xbd: {  	[sflag:s0] =	ssyncadd.remote.s32 $0x1  }
0xbe: {  	_ =	sfence.sel $0xFFFF  }
0xbf: {  	[dreg:$0x0] =	wrdreg $0xFFFFFFFF;
	(pc) =	sbr.abs _section_cstart, $3  }
0xc0: {  	[dreg:$0x1] =	wrdreg $0xFFFFFFFF  }
0xc1: {  	_ =	task.clear_ibuf [dreg:s7], $0x2FFFF;
	_ =	strace $0x9FFFFFFF  }
0xc2: {  	(tm) =	ssettm $0x7FFFFFFF  }
0xc3: {  	_ =	shalt  }
tec
execute0_lowered:
.L_overlay_start_1:
0x0: {  	(tag) =	ssettag $0x1  }
0x1: {  	s0 =	srdreg.scid;
	s18 =	stileid.u32  }
0x2: {  	s2 =	rddreg [dreg:$0x1];
	s3 =	simm.s32 $0x0;
	s1 =	sand.u32 $0x1, s0  }
0x3: {  	s12 =	sshll.u32 s18, $0x7;
	[smem:$0x7FF] =	sst s3;
	s2 =	sadd.s32 $0x400, s2  }
0x4: {  	s26 =	sshll.u32 s18, $0xF;
	s4 =	sshll.u32 s1, $0x6;
	s13 =	ssub.s32 $0x2, s1  }
0x5: {  	_ =	strace $0x80000047;
	s0 =	sor.u32 s4, s12;
	s5 =	sshrl.u32 s13, $0x1  }
0x6: {  	s6 =	sadd.s32 $0xFFFFFFBF, s0;
	s7 =	ssub.s32 s13, s5;
	s8 =	smin.u32 s0, $0x180  }
0x7: {  	s10 =	sadd.s32 $0xFFFFFDBF, s0;
	s14 =	sshll.u32 s0, $0xF;
	s11 =	sadd.s32 $0xFFFFFBBF, s0  }
0x8: {  	s15 =	smax.u32 s0, $0x140;
	s12 =	sadd.s32 $0xFFFFF9BF, s0;
	s13 =	smax.u32 s0, $0x340  }
0x9: {  	s16 =	smax.u32 s0, $0x41;
	p0 =	sgt.s32 s6, $0x0;
	s5 =	sadd.s32 $0xC0, s8  }
0xa: {  	s29 =	sadd.s32 s2, s14;
	s20 =	smin.u32 s15, $0x380;
	s14 =	sadd.s32 $0xFFFFFFBF, s16  }
0xb: {  	s15 =	sshll.u32 s18, $0x16;
	s16 =	sshll.u32 s1, $0xE;
	s1 =	sshll.u32 s1, $0x15  }
0xc: {  	s18 =	smax.u32 s0, $0x540;
	s13 =	smin.u32 s13, $0x580;
	s7 =	smax.u32 s7, $0x1  }
0xd: {  	s6 =	simm.s32 @!p0 $0x0;
	p0 =	sgt.s32 s10, $0x0;
	s9 =	sadd.s32 $0xFFFFFEC0, s20  }
0xe: {  	s2 =	sadd.s32 s15, s2;
	s14 =	smax.u32 s14, $0x1;
	[dreg:$0x8] =	wrdreg s7  }
0xf: {  	s18 =	smin.u32 s18, $0x780;
	[dreg:$0x4] =	wrdreg s29;
	s21 =	smin.u32 s6, $0x240  }
0x10: {  	s10 =	simm.s32 @!p0 $0x0;
	p0 =	sgt.s32 s11, $0x0;
	s4 =	sadd.s32 s1, s2  }
0x11: {  	s14 =	smin.u32 s14, $0x240;
	s30 =	sadd.s32 $0xFFFFFAC0, s18;
	s22 =	smin.u32 s10, $0x240  }
0x12: {  	s11 =	simm.s32 @!p0 $0x0;
	p0 =	sgt.s32 s12, $0x0;
	s17 =	sshll.u32 s21, $0x8  }
0x13: {  	s31 =	sadd.s32 $0x46000, s4;
	s19 =	smin.u32 s11, $0x240;
	s12 =	simm.s32 @!p0 $0x0  }
0x14: {  	s23 =	ssub.s32 s17, s16;
	s24 =	sshll.u32 s22, $0x8;
	p0 =	sne.s32 s6, $0x0  }
0x15: {  	[dreg:$0x5] =	wrdreg s22;
	p6 =	slt.u32 s22, s9;
	s1 =	ssub.s32 s24, s16  }
0x16: {  	s25 =	sshll.u32 s19, $0x8;
	s17 =	sshll.u32 s12, $0x8;
	s15 =	ssub.s32 s23, s26  }
0x17: {  	s23 =	sshll.u32 s14, $0x9;
	s6 =	simm.s32 @!p0 $0x0;
	s24 =	sshll.u32 s8, $0x7  }
0x18: {  	s8 =	sadd.s32 $0xBF, s8;
	s14 =	smax.u32 s0, $0x441;
	[dreg:$0x7] =	wrdreg s19  }
0x19: {  	p2 =	sne.s32 s12, $0x0;
	[dreg:$0x6] =	wrdreg s12;
	p4 =	slt.u32 s12, s30  }
0x1a: {  	s2 =	ssub.s32 s25, s16;
	s16 =	ssub.s32 s17, s16;
	s1 =	ssub.s32 s1, s26  }
0x1b: {  	[dreg:$0x9] =	wrdreg s23;
	s6 =	simm.s32 @p0 $0x1;
	p0 =	sne.s32 s10, $0x0  }
0x1c: {  	s25 =	smax.u32 s0, $0x241;
	[dreg:$0xa] =	wrdreg s8;
	s10 =	sshll.u32 s21, $0x7  }
0x1d: {  	s8 =	smov.u32 s21;
	s21 =	sshll.u32 s22, $0x7;
	s0 =	smax.u32 s0, $0x641  }
0x1e: {  	s22 =	sadd.s32 $0xA000, s29;
	s2 =	ssub.s32 s2, s26;
	s17 =	ssub.s32 s16, s26  }
0x1f: {  	[smem:$0x7E5] =	sst s6;
	s7 =	simm.s32 @!p0 $0x0;
	s6 =	sadd.s32 $0xA080, s24  }
0x20: {  	s26 =	sadd.s32 $0xFFFFFDBF, s25;
	s25 =	sadd.s32 $0x40A0, s10;
	s1 =	sadd.s32 $0x24180, s1  }
0x21: {  	s24 =	sshll.u32 s13, $0x7;
	s0 =	ssub.s32 $0x641, s0;
	[dreg:$0x1c] =	wrdreg s22  }
0x22: {  	s10 =	sadd.s32 $0xFFFFFABF, s18;
	s22 =	sadd.s32 $0x24000, s29;
	[dreg:$0xb] =	wrdreg s6  }
0x23: {  	s7 =	simm.s32 @p0 $0x1;
	p0 =	sne.s32 s11, $0x0;
	[dreg:$0x12] =	wrdreg s0  }
0x24: {  	s6 =	smax.u32 s26, $0x1;
	s11 =	sadd.s32 $0x41C0, s15;
	[dreg:$0x13] =	wrdreg s10  }
0x25: {  	s15 =	sadd.s32 $0xFFFFFEBF, s20;
	s20 =	sshll.u32 s20, $0x7;
	[smem:$0x7F2] =	sst s22  }
0x26: {  	s26 =	sadd.s32 $0xFFFFFCBF, s13;
	s10 =	sadd.s32 $0x10000, s29;
	[smem:$0x7E6] =	sst s7  }
0x27: {  	s22 =	sadd.s32 $0x3E000, s29;
	s7 =	simm.s32 @!p0 $0x0;
	[dreg:$0xd] =	wrdreg s15  }
0x28: {  	s6 =	smin.u32 s6, $0x240;
	s16 =	sshra.s32 s11, $0x2;
	[dreg:$0x10] =	wrdreg s26  }
0x29: {  	s11 =	sshll.u32 s18, $0x7;
	s18 =	sadd.s32 $0x42000, s4;
	[dreg:$0x15] =	wrdreg s10  }
0x2a: {  	s15 =	stileid.u32;
	s10 =	sadd.s32 $0x2A000, s29;
	[smem:$0x7FD] =	sst s22  }
0x2b: {  	s7 =	simm.s32 @p0 $0x1;
	s6 =	sshll.u32 s6, $0x9;
	[smem:$0x7EB] =	sst s10  }
0x2c: {  	p0 =	slt.u32 s15, $0x3;
	s10 =	sadd.s32 $0x6000, s29;
	[smem:$0x7E7] =	sst s7  }
0x2d: {  	[dreg:$0xc] =	wrdreg s6;
	s6 =	sadd.s32 $0xFFFFFBBF, s14;
	s7 =	sadd.s32 $0xFFFFA080, s20  }
0x2e: {  	s20 =	sadd.s32 $0x40A0, s21;
	s21 =	sshra.s32 s1, $0x2;
	[smem:$0x7F6] =	sst s10  }
0x2f: {  	s1 =	sadd.s32 $0xFFFEA080, s24;
	s14 =	sshll.u32 s12, $0x7;
	[dreg:$0xe] =	wrdreg s7  }
0x30: {  	s12 =	sadd.s32 $0x20000, s29;
	s6 =	smax.u32 s6, $0x1;
	[dreg:$0x11] =	wrdreg s1  }
0x31: {  	s1 =	sadd.s32 $0xFFFDA080, s11;
	s11 =	sadd.s32 $0x18000, s29;
	[dreg:$0x17] =	wrdreg s12  }
0x32: {  	s0 =	sadd.s32 $0x40A0, s14;
	s14 =	sadd.s32 $0x28000, s29;
	[dreg:$0x16] =	wrdreg s11  }
0x33: {  	s7 =	sshll.u32 s19, $0x7;
	s12 =	sadd.s32 $0x3A000, s29;
	[dreg:$0x18] =	wrdreg s14  }
0x34: {  	s6 =	smin.u32 s6, $0x240;
	s11 =	sadd.s32 $0x32000, s29;
	[smem:$0x7ED] =	sst s12  }
0x35: {  	s26 =	sadd.s32 $0x40A0, s7;
	s14 =	sadd.s32 $0x4000, s29;
	[smem:$0x7EC] =	sst s11  }
0x36: {  	s7 =	stileid.u32;
	s12 =	sadd.s32 $0x16000, s29;
	[smem:$0x7EE] =	sst s14  }
0x37: {  	s23 =	sshll.u32 s6, $0x9;
	s6 =	sadd.s32 $0x44180, s2;
	[smem:$0x7F8] =	sst s12  }
0x38: {  	p3 =	seq.s32 s7, $0xF;
	s7 =	sadd.s32 $0x1A000, s29;
	[dreg:$0xf] =	wrdreg s23  }
0x39: {  	s11 =	sadd.s32 $0xE000, s29;
	s14 =	sadd.s32 $0x1E000, s29;
	[dreg:$0x1e] =	wrdreg s7  }
0x3a: {  	s23 =	sadd.s32 $0xFFFFFCC0, s13;
	s28 =	sshra.s32 s6, $0x2;
	[smem:$0x7F7] =	sst s11  }
0x3b: {  	s13 =	sadd.s32 $0x64180, s17;
	s17 =	smov.u32 s8;
	[smem:$0x7F9] =	sst s14  }
0x3c: {  	s6 =	simm.s32 @!p0 $0x0;
	s7 =	sadd.s32 $0x34000, s29;
	[dreg:$0x3] =	wrdreg s17  }
0x3d: {  	s22 =	simm.s32 $0x5C80;
	s6 =	simm.s32 @p0 $0x1;
	[smem:$0x7F4] =	sst s7  }
0x3e: {  	p0 =	slt.u32 s8, s5;
	s8 =	sadd.s32 $0x8000, s29;
	[smem:$0x7E8] =	sst s6  }
0x3f: {  	s24 =	sadd.s32 $0x44000, s4;
	s17 =	sadd.s32 $0x38000, s29;
	[dreg:$0x14] =	wrdreg s8  }
0x40: {  	p1 =	slt.u32 s19, s23;
	s19 =	sadd.s32 $0x2000, s29;
	[dreg:$0x1a] =	wrdreg s17  }
0x41: {  	s10 =	simm.s32 $0x6000;
	[dreg:$0x1b] =	wrdreg s19;
	s8 =	sadd.s32 $0x22000, s29  }
0x42: {  	s12 =	simm.s32 $0x5D80;
	s17 =	sadd.s32 $0x14000, s29;
	[dreg:$0x1f] =	wrdreg s8  }
0x43: {  	s6 =	simm.s32 @!p0 $0x0;
	s19 =	sadd.s32 $0x1C000, s29;
	[smem:$0x7F0] =	sst s17  }
0x44: {  	s11 =	simm.s32 $0x5E80;
	s6 =	simm.s32 @p0 $0x1;
	[smem:$0x7F1] =	sst s19  }
0x45: {  	s2 =	sshra.s32 s13, $0x2;
	s8 =	sadd.s32 $0x3C000, s29;
	[smem:$0x7E9] =	sst s6  }
0x46: {  	p0 =	slt.u32 s15, $0x7;
	s17 =	sadd.s32 $0x2E000, s29;
	[smem:$0x7F5] =	sst s8  }
0x47: {  	s19 =	sadd.s32 $0x36000, s29;
	s6 =	simm.s32 @!p0 $0x0;
	[smem:$0x7FB] =	sst s17  }
0x48: {  	s13 =	sadd.s32 $0x40000, s4;
	[smem:$0x7FC] =	sst s19;
	s6 =	simm.s32 @p0 $0x1  }
0x49: {  	p0 =	slt.u32 s15, $0xB;
	s15 =	sadd.s32 $0x30000, s29;
	[smem:$0x7EA] =	sst s6  }
0x4a: {  	s4 =	simm.s32 $0x5E00;
	[dreg:$0x19] =	wrdreg s15;
	s6 =	sadd.s32 $0x12000, s29  }
0x4b: {  	s7 =	simm.s32 $0x1;
	s15 =	sadd.s32 $0xC000, s29;
	[dreg:$0x1d] =	wrdreg s6  }
0x4c: {  	s8 =	simm.s32 $0x5F00;
	[smem:$0x7EF] =	sst s15;
	s6 =	sadd.s32 $0x2C000, s29  }
0x4d: {  	s17 =	simm.s32 $0x5D00;
	s15 =	sadd.s32 $0x26000, s29;
	[smem:$0x7F3] =	sst s6  }
0x4e: {  	s29 =	simm.s32 $0x5F80;
	[smem:$0x7FA] =	sst s15;
	s6 =	simm.s32 $0x0  }
.LBB2_1:
0x4f: {  	s14 =	rddreg [dreg:$0x0];
	s19 =	simm.s32 $0x2  }
0x50: {  	[tilespmem:s3], [sflag:$0x2] =	stream.linear.gather [hbm4b:s14+s3], $0x4080, $0x38;
	[tilespmem:$0x16080] =	vst v63  }
0x51: {  	_ =	swait.ge [sflag:s19], $0x4080  }
0x52: {  	[sflag:s19] =	ssyncset.done $0x0  }
0x53: {  	s15 =	sld [smem:$0x7E5];
	[sflag:s19] =	ssyncadd.s32 $0xFFFFBF80  }
0x54: {  	v5 =	vld [tilespmem:$0x0]  }
0x55: {  	v4 =	vld [tilespmem:$0x10]  }
0x56: {  	v6 =	vld [tilespmem:$0x20];
	p5 =	seq.s32 s15, $0x1  }
.Ltmp0:
0x57: {  	v7 =	vld [tilespmem:$0x30];
	(pc) =	sbr.rel @!p5 .LBB2_2-.Ltmp0, $4  }
0x58: {  	v0 =	vld [tilespmem:$0x4010]  }
0x59: {  	v1 =	vld [tilespmem:$0x4000]  }
0x5a: {  	v2 =	vld [tilespmem:$0x4020]  }
0x5b: {  	s14 =	simm.s32 $0x40A0;
	v3 =	vld [tilespmem:$0x4030]  }
0x5c: {  	s15 =	rddreg [dreg:$0x9]  }
0x5d: {  	p5 =	seq.s32 s15, $0x200  }
.Ltmp1:
0x5e: {  	_ = 	snop;
	(pc) =	sbr.rel @p5 .LBB2_42-.Ltmp1, $4  }
0x5f: {  	_ = 	snop  }
0x60: {  	[tilespmem:s14+$0xFFFFFFE0] =	vst v5  }
0x61: {  	[tilespmem:s14+$0x10] =	vst v7  }
0x62: {  	[tilespmem:s14+$0x0] =	vst v6;
	s15 =	sadd.s32 $0xFFFFFE00, s15  }
.LBB2_41:
0x63: {  	p5 =	seq.s32 s15, $0x200;
	s15 =	sadd.s32 $0xFFFFFE00, s15;
	[tilespmem:s14+$0xFFFFFFF0] =	vst v4;
	s14 =	sadd.s32 $0x80, s14  }
.Ltmp2:
0x64: {  	[tilespmem:s14+$0xFFFFFFE0] =	vst v5;
	(pc) =	sbr.rel @!p5 .LBB2_41-.Ltmp2, $3  }
0x65: {  	_ =	sdelay $0x1  }
0x66: {  	[tilespmem:s14+$0x10] =	vst v7  }
0x67: {  	[tilespmem:s14+$0x0] =	vst v6  }
.LBB2_42:
0x68: {  	[tilespmem:s14+$0xFFFFFFF0] =	vst v4  }
.LBB2_2:
0x69: {  	s14 =	sld [smem:$0x7E8];
	_ =	sdelay $0x2  }
0x6a: {  	p5 =	seq.s32 s14, $0x1  }
.Ltmp3:
0x6b: {  	_ = 	snop;
	(pc) =	sbr.rel @!p5 .LBB2_3-.Ltmp3, $1  }
0x6c: {  	_ =	sdelay $0x3  }
0x6d: {  	s14 =	rddreg [dreg:$0xa]  }
0x6e: {  	s14 =	sadd.s32 $0x1, s14  }
0x6f: {  	p5 =	slt.u32 s14, $0x23F  }
.Ltmp4:
0x70: {  	_ = 	snop;
	(pc) =	sbr.rel @!p5 .LBB2_45-.Ltmp4, $4  }
0x71: {  	s15 =	rddreg [dreg:$0xb]  }
0x72: {  	[tilespmem:s15+$0x0] =	vst v1  }
0x73: {  	[tilespmem:s15+$0x30] =	vst v3  }
0x74: {  	[tilespmem:s15+$0x20] =	vst v2  }
.LBB2_44:
0x75: {  	s14 =	sadd.s32 $0x1, s14  }
0x76: {  	[tilespmem:s15+$0x10] =	vst v0;
	s15 =	sadd.s32 $0x80, s15;
	p5 =	slt.u32 s14, $0x23F  }
.Ltmp5:
0x77: {  	[tilespmem:s15+$0x0] =	vst v1;
	(pc) =	sbr.rel @p5 .LBB2_44-.Ltmp5, $3  }
0x78: {  	_ =	sdelay $0x1  }
0x79: {  	[tilespmem:s15+$0x30] =	vst v3  }
0x7a: {  	[tilespmem:s15+$0x20] =	vst v2  }
.LBB2_45:
0x7b: {  	[tilespmem:s15+$0x10] =	vst v0  }
.LBB2_3:
0x7c: {  	s14 =	sld [smem:$0x7E9];
	_ =	sdelay $0x2  }
0x7d: {  	p5 =	seq.s32 s14, $0x1  }
.Ltmp6:
0x7e: {  	_ = 	snop;
	(pc) =	sbr.rel @!p5 .LBB2_6-.Ltmp6, $1  }
0x7f: {  	_ =	sdelay $0x3  }
0x80: {  	v8 =	vld [tilespmem:s16+$0xFFFFFFD0];
	_ =	sdelay $0x4  }
0x81: {  	[tilespmem:s25+$0xFFFFFFE0] =	vst v8  }
0x82: {  	v8 =	vld [tilespmem:s16+$0xFFFFFFE0];
	_ =	sdelay $0x4  }
0x83: {  	[tilespmem:s25+$0xFFFFFFF0] =	vst v8  }
0x84: {  	v8 =	vld [tilespmem:s16+$0xFFFFFFF0];
	_ =	sdelay $0x3  }
0x85: {  	s14 =	rddreg [dreg:$0x3]  }
0x86: {  	s14 =	sadd.s32 $0x1, s14;
	[tilespmem:s25+$0x0] =	vst v8  }
0x87: {  	p5 =	slt.u32 s14, s5;
	v8 =	vld [tilespmem:s16+$0x0]  }
.Ltmp7:
0x88: {  	_ = 	snop;
	(pc) =	sbr.rel @!p5 .LBB2_6-.Ltmp7, $2  }
0x89: {  	_ =	sdelay $0x2  }
0x8a: {  	s19 =	sadd.s32 $0x40, s16;
	s15 =	smov.u32 s25;
	[tilespmem:s25+$0x10] =	vst v8  }
.LBB2_5:
0x8b: {  	v8 =	vld [tilespmem:s19+$0xFFFFFFD0];
	s14 =	sadd.s32 $0x1, s14  }
0x8c: {  	p5 =	slt.u32 s14, s5;
	_ =	sdelay $0x2  }
0x8d: {  	s15 =	sadd.s32 $0x80, s15  }
0x8e: {  	[tilespmem:s15+$0xFFFFFFE0] =	vst v8  }
0x8f: {  	v8 =	vld [tilespmem:s19+$0xFFFFFFE0];
	_ =	sdelay $0x4  }
0x90: {  	[tilespmem:s15+$0xFFFFFFF0] =	vst v8  }
0x91: {  	v8 =	vld [tilespmem:s19+$0xFFFFFFF0];
	_ =	sdelay $0x4  }
0x92: {  	[tilespmem:s15+$0x0] =	vst v8  }
0x93: {  	v8 =	vld [tilespmem:s19+$0x0]  }
.Ltmp8:
0x94: {  	(pc) =	sbr.rel @p5 .LBB2_5-.Ltmp8, $2  }
0x95: {  	_ =	sdelay $0x2  }
0x96: {  	s19 =	sadd.s32 $0x40, s19;
	[tilespmem:s15+$0x10] =	vst v8  }
.LBB2_6:
0x97: {  	s14 =	rddreg [dreg:$0x4]  }
0x98: {  	[hbm4b:s14+s3] =	stream.linear.scatter [tilespmem:s10], [sflag:$0x1], $0x10000, $0x38;
	[tilespmem:$0x16080] =	vst v63  }
0x99: {  	s15 =	rddreg [dreg:$0x14]  }
0x9a: {  	[hbm4b:s15+s3] =	stream.linear.scatter [tilespmem:s29], [sflag:$0x1], $0x10000, $0x38;
	[tilespmem:$0x16080] =	vst v63  }
0x9b: {  	s19 =	rddreg [dreg:$0x15]  }
0x9c: {  	[hbm4b:s19+s3] =	stream.linear.scatter [tilespmem:s8], [sflag:$0x1], $0x10000, $0x38;
	[tilespmem:$0x16080] =	vst v63  }
0x9d: {  	s15 =	rddreg [dreg:$0x16]  }
0x9e: {  	[hbm4b:s15+s3] =	stream.linear.scatter [tilespmem:s11], [sflag:$0x1], $0x10000, $0x38;
	[tilespmem:$0x16080] =	vst v63  }
0x9f: {  	s19 =	rddreg [dreg:$0x17]  }
0xa0: {  	[hbm4b:s19+s3] =	stream.linear.scatter [tilespmem:s4], [sflag:$0x1], $0x10000, $0x38;
	[tilespmem:$0x16080] =	vst v63  }
0xa1: {  	s15 =	rddreg [dreg:$0x18]  }
0xa2: {  	[hbm4b:s15+s3] =	stream.linear.scatter [tilespmem:s12], [sflag:$0x1], $0x10000, $0x38;
	[tilespmem:$0x16080] =	vst v63  }
0xa3: {  	s19 =	rddreg [dreg:$0x19]  }
0xa4: {  	[hbm4b:s19+s3] =	stream.linear.scatter [tilespmem:s17], [sflag:$0x1], $0x10000, $0x38;
	[tilespmem:$0x16080] =	vst v63  }
0xa5: {  	s15 =	rddreg [dreg:$0x1a]  }
0xa6: {  	[hbm4b:s15+s3] =	stream.linear.scatter [tilespmem:s22], [sflag:$0x1], $0x10000, $0x38;
	[tilespmem:$0x16080] =	vst v63  }
0xa7: {  	_ =	swait.ge [sflag:s7], $0x10000  }
0xa8: {  	s14 =	simm.s32 $0x6C00;
	[sflag:s7] =	ssyncset.done $0x0  }
0xa9: {  	s19 =	simm.s32 $0x5C00;
	s15 =	smov.u32 s13;
	[sflag:s7] =	ssyncadd.s32 $0xFFFF0000  }
0xaa: {  	[hbm4b:s13+s3] =	stream.linear.scatter [tilespmem:s19], [sflag:$0x1], $0x10000, $0x38;
	[tilespmem:$0x16080] =	vst v63  }
.LBB2_7:
0xab: {  	_ =	swait.ge [sflag:s7], $0x10000;
	p5 =	sne.s32 s14, $0x0  }
.Ltmp9:
0xac: {  	(pc) =	sbr.rel @p5 .LBB2_7-.Ltmp9, $4  }
0xad: {  	s19 =	sshra.s32 s14, $0x2  }
0xae: {  	s14 =	sadd.s32 $0xFFFFFE00, s14;
	[sflag:s7] =	ssyncset.done $0x0  }
0xaf: {  	s15 =	sadd.s32 $0x8000, s15;
	s19 =	sadd.s32 $0x4080, s19;
	[sflag:s7] =	ssyncadd.s32 $0xFFFF0000  }
0xb0: {  	[hbm4b:s15+s3] =	stream.linear.scatter [tilespmem:s19], [sflag:$0x1], $0x10000, $0x38;
	[tilespmem:$0x16080] =	vst v63  }
0xb1: {  	_ =	swait.ge [sflag:s7], $0x10000  }
0xb2: {  	[sflag:s7] =	ssyncset.done $0x0  }
0xb3: {  	[sflag:s7] =	ssyncadd.s32 $0xFFFF0000  }
0xb4: {  	_ =	swait.ge [sflag:s7], $0x10000  }
0xb5: {  	[sflag:s7] =	ssyncset.done $0x0  }
0xb6: {  	[sflag:s7] =	ssyncadd.s32 $0xFFFF0000  }
0xb7: {  	_ =	swait.ge [sflag:s7], $0x10000  }
0xb8: {  	[sflag:s7] =	ssyncset.done $0x0  }
0xb9: {  	[sflag:s7] =	ssyncadd.s32 $0xFFFF0000  }
0xba: {  	_ =	swait.ge [sflag:s7], $0x10000  }
0xbb: {  	[sflag:s7] =	ssyncset.done $0x0  }
0xbc: {  	[sflag:s7] =	ssyncadd.s32 $0xFFFF0000  }
0xbd: {  	_ =	swait.ge [sflag:s7], $0x10000  }
0xbe: {  	[sflag:s7] =	ssyncset.done $0x0  }
0xbf: {  	[sflag:s7] =	ssyncadd.s32 $0xFFFF0000  }
0xc0: {  	_ =	swait.ge [sflag:s7], $0x10000  }
0xc1: {  	[sflag:s7] =	ssyncset.done $0x0  }
0xc2: {  	[sflag:s7] =	ssyncadd.s32 $0xFFFF0000  }
0xc3: {  	_ =	swait.ge [sflag:s7], $0x10000  }
0xc4: {  	[sflag:s7] =	ssyncset.done $0x0  }
0xc5: {  	[sflag:s7] =	ssyncadd.s32 $0xFFFF0000  }
0xc6: {  	_ =	swait.ge [sflag:s7], $0x10000  }
0xc7: {  	s15 =	sld [smem:$0x7E6];
	_ =	sdelay $0x2  }
0xc8: {  	p5 =	seq.s32 s15, $0x1  }
.Ltmp10:
0xc9: {  	_ = 	snop;
	(pc) =	sbr.rel @!p5 .LBB2_12-.Ltmp10, $3  }
0xca: {  	_ =	sdelay $0x1  }
0xcb: {  	[sflag:s7] =	ssyncset.done $0x0  }
0xcc: {  	s14 =	simm.s32 $0x40A0;
	[sflag:s7] =	ssyncadd.s32 $0xFFFF0000  }
0xcd: {  	s15 =	rddreg [dreg:$0xc]  }
0xce: {  	p5 =	seq.s32 s15, $0x200  }
.Ltmp11:
0xcf: {  	_ = 	snop;
	(pc) =	sbr.rel @p5 .LBB2_11-.Ltmp11, $4  }
0xd0: {  	_ = 	snop  }
0xd1: {  	[tilespmem:s14+$0xFFFFFFE0] =	vst v5  }
0xd2: {  	[tilespmem:s14+$0x10] =	vst v7  }
0xd3: {  	[tilespmem:s14+$0x0] =	vst v6;
	s15 =	sadd.s32 $0xFFFFFE00, s15  }
.LBB2_10:
0xd4: {  	p5 =	seq.s32 s15, $0x200;
	s15 =	sadd.s32 $0xFFFFFE00, s15;
	[tilespmem:s14+$0xFFFFFFF0] =	vst v4;
	s14 =	sadd.s32 $0x80, s14  }
.Ltmp12:
0xd5: {  	[tilespmem:s14+$0xFFFFFFE0] =	vst v5;
	(pc) =	sbr.rel @!p5 .LBB2_10-.Ltmp12, $3  }
0xd6: {  	_ =	sdelay $0x1  }
0xd7: {  	[tilespmem:s14+$0x10] =	vst v7  }
0xd8: {  	[tilespmem:s14+$0x0] =	vst v6  }
.LBB2_11:
0xd9: {  	[tilespmem:s14+$0xFFFFFFF0] =	vst v4  }
.LBB2_12:
0xda: {  	s14 =	sld [smem:$0x7EA];
	_ =	sdelay $0x2  }
0xdb: {  	p5 =	seq.s32 s14, $0x1  }
.Ltmp13:
0xdc: {  	_ = 	snop;
	(pc) =	sbr.rel @!p5 .LBB2_13-.Ltmp13, $1  }
0xdd: {  	_ =	sdelay $0x3  }
0xde: {  	s14 =	rddreg [dreg:$0xd]  }
0xdf: {  	s14 =	sadd.s32 $0x1, s14  }
0xe0: {  	p5 =	slt.u32 s14, $0x23F  }
.Ltmp14:
0xe1: {  	_ = 	snop;
	(pc) =	sbr.rel @!p5 .LBB2_48-.Ltmp14, $4  }
0xe2: {  	s15 =	rddreg [dreg:$0xe]  }
0xe3: {  	[tilespmem:s15+$0x0] =	vst v1  }
0xe4: {  	[tilespmem:s15+$0x30] =	vst v3  }
0xe5: {  	[tilespmem:s15+$0x20] =	vst v2  }
.LBB2_47:
0xe6: {  	s14 =	sadd.s32 $0x1, s14  }
0xe7: {  	[tilespmem:s15+$0x10] =	vst v0;
	s15 =	sadd.s32 $0x80, s15;
	p5 =	slt.u32 s14, $0x23F  }
.Ltmp15:
0xe8: {  	[tilespmem:s15+$0x0] =	vst v1;
	(pc) =	sbr.rel @p5 .LBB2_47-.Ltmp15, $3  }
0xe9: {  	_ =	sdelay $0x1  }
0xea: {  	[tilespmem:s15+$0x30] =	vst v3  }
0xeb: {  	[tilespmem:s15+$0x20] =	vst v2  }
.LBB2_48:
0xec: {  	[tilespmem:s15+$0x10] =	vst v0  }
.LBB2_13:
.Ltmp16:
0xed: {  	(pc) =	sbr.rel @!p6 .LBB2_16-.Ltmp16, $1  }
0xee: {  	_ =	sdelay $0x3  }
0xef: {  	v8 =	vld [tilespmem:s21+$0xFFFFFFE0];
	_ =	sdelay $0x4  }
0xf0: {  	[tilespmem:s20+$0xFFFFFFE0] =	vst v8  }
0xf1: {  	v8 =	vld [tilespmem:s21+$0xFFFFFFF0];
	_ =	sdelay $0x4  }
0xf2: {  	[tilespmem:s20+$0xFFFFFFF0] =	vst v8  }
0xf3: {  	v8 =	vld [tilespmem:s21+$0x0];
	_ =	sdelay $0x3  }
0xf4: {  	s14 =	rddreg [dreg:$0x5]  }
0xf5: {  	s14 =	sadd.s32 $0x1, s14;
	[tilespmem:s20+$0x0] =	vst v8  }
0xf6: {  	p5 =	slt.u32 s14, s9;
	v8 =	vld [tilespmem:s21+$0x10]  }
.Ltmp17:
0xf7: {  	_ = 	snop;
	(pc) =	sbr.rel @!p5 .LBB2_16-.Ltmp17, $2  }
0xf8: {  	_ =	sdelay $0x2  }
0xf9: {  	s19 =	sadd.s32 $0x40, s21;
	s15 =	smov.u32 s20;
	[tilespmem:s20+$0x10] =	vst v8  }
.LBB2_15:
0xfa: {  	v8 =	vld [tilespmem:s19+$0xFFFFFFE0];
	s14 =	sadd.s32 $0x1, s14  }
0xfb: {  	p5 =	slt.u32 s14, s9;
	_ =	sdelay $0x2  }
0xfc: {  	s15 =	sadd.s32 $0x80, s15  }
0xfd: {  	[tilespmem:s15+$0xFFFFFFE0] =	vst v8  }
0xfe: {  	v8 =	vld [tilespmem:s19+$0xFFFFFFF0];
	_ =	sdelay $0x4  }
0xff: {  	[tilespmem:s15+$0xFFFFFFF0] =	vst v8  }
0x100: {  	v8 =	vld [tilespmem:s19+$0x0];
	_ =	sdelay $0x4  }
0x101: {  	[tilespmem:s15+$0x0] =	vst v8  }
0x102: {  	v8 =	vld [tilespmem:s19+$0x10]  }
.Ltmp18:
0x103: {  	(pc) =	sbr.rel @p5 .LBB2_15-.Ltmp18, $2  }
0x104: {  	_ =	sdelay $0x2  }
0x105: {  	s19 =	sadd.s32 $0x40, s19;
	[tilespmem:s15+$0x10] =	vst v8  }
.LBB2_16:
0x106: {  	s14 =	rddreg [dreg:$0x1b]  }
0x107: {  	s15 =	rddreg [dreg:$0x1c]  }
0x108: {  	[hbm4b:s14+s3] =	stream.linear.scatter [tilespmem:s10], [sflag:$0x1], $0x10000, $0x38;
	[tilespmem:$0x16080] =	vst v63  }
0x109: {  	s19 =	rddreg [dreg:$0x1d]  }
0x10a: {  	[hbm4b:s15+s3] =	stream.linear.scatter [tilespmem:s29], [sflag:$0x1], $0x10000, $0x38;
	[tilespmem:$0x16080] =	vst v63  }
0x10b: {  	s15 =	rddreg [dreg:$0x1e]  }
0x10c: {  	[hbm4b:s19+s3] =	stream.linear.scatter [tilespmem:s8], [sflag:$0x1], $0x10000, $0x38;
	[tilespmem:$0x16080] =	vst v63  }
0x10d: {  	s19 =	rddreg [dreg:$0x1f]  }
0x10e: {  	[hbm4b:s15+s3] =	stream.linear.scatter [tilespmem:s11], [sflag:$0x1], $0x10000, $0x38;
	[tilespmem:$0x16080] =	vst v63  }
0x10f: {  	s15 =	sld [smem:$0x7EB]  }
0x110: {  	[hbm4b:s19+s3] =	stream.linear.scatter [tilespmem:s4], [sflag:$0x1], $0x10000, $0x38;
	[tilespmem:$0x16080] =	vst v63  }
0x111: {  	s19 =	sld [smem:$0x7EC]  }
0x112: {  	[hbm4b:s15+s3] =	stream.linear.scatter [tilespmem:s12], [sflag:$0x1], $0x10000, $0x38;
	[tilespmem:$0x16080] =	vst v63  }
0x113: {  	s15 =	sld [smem:$0x7ED]  }
0x114: {  	[hbm4b:s19+s3] =	stream.linear.scatter [tilespmem:s17], [sflag:$0x1], $0x10000, $0x38;
	[tilespmem:$0x16080] =	vst v63  }
0x115: {  	_ = 	snop  }
0x116: {  	[hbm4b:s15+s3] =	stream.linear.scatter [tilespmem:s22], [sflag:$0x1], $0x10000, $0x38;
	[tilespmem:$0x16080] =	vst v63  }
0x117: {  	_ =	swait.ge [sflag:s7], $0x10000  }
0x118: {  	s14 =	simm.s32 $0x6C00;
	[sflag:s7] =	ssyncset.done $0x0  }
0x119: {  	s19 =	simm.s32 $0x5C00;
	s15 =	smov.u32 s18;
	[sflag:s7] =	ssyncadd.s32 $0xFFFF0000  }
0x11a: {  	[hbm4b:s18+s3] =	stream.linear.scatter [tilespmem:s19], [sflag:$0x1], $0x10000, $0x38;
	[tilespmem:$0x16080] =	vst v63  }
.LBB2_17:
0x11b: {  	_ =	swait.ge [sflag:s7], $0x10000;
	p5 =	sne.s32 s14, $0x0  }
.Ltmp19:
0x11c: {  	(pc) =	sbr.rel @p5 .LBB2_17-.Ltmp19, $4  }
0x11d: {  	s19 =	sshra.s32 s14, $0x2  }
0x11e: {  	s14 =	sadd.s32 $0xFFFFFE00, s14;
	[sflag:s7] =	ssyncset.done $0x0  }
0x11f: {  	s15 =	sadd.s32 $0x8000, s15;
	s19 =	sadd.s32 $0x4080, s19;
	[sflag:s7] =	ssyncadd.s32 $0xFFFF0000  }
0x120: {  	[hbm4b:s15+s3] =	stream.linear.scatter [tilespmem:s19], [sflag:$0x1], $0x10000, $0x38;
	[tilespmem:$0x16080] =	vst v63  }
0x121: {  	_ =	swait.ge [sflag:s7], $0x10000  }
0x122: {  	[sflag:s7] =	ssyncset.done $0x0  }
0x123: {  	[sflag:s7] =	ssyncadd.s32 $0xFFFF0000  }
0x124: {  	_ =	swait.ge [sflag:s7], $0x10000  }
0x125: {  	[sflag:s7] =	ssyncset.done $0x0  }
0x126: {  	[sflag:s7] =	ssyncadd.s32 $0xFFFF0000  }
0x127: {  	_ =	swait.ge [sflag:s7], $0x10000  }
0x128: {  	[sflag:s7] =	ssyncset.done $0x0  }
0x129: {  	[sflag:s7] =	ssyncadd.s32 $0xFFFF0000  }
0x12a: {  	_ =	swait.ge [sflag:s7], $0x10000  }
0x12b: {  	[sflag:s7] =	ssyncset.done $0x0  }
0x12c: {  	[sflag:s7] =	ssyncadd.s32 $0xFFFF0000  }
0x12d: {  	_ =	swait.ge [sflag:s7], $0x10000  }
0x12e: {  	[sflag:s7] =	ssyncset.done $0x0  }
0x12f: {  	[sflag:s7] =	ssyncadd.s32 $0xFFFF0000  }
0x130: {  	_ =	swait.ge [sflag:s7], $0x10000  }
0x131: {  	[sflag:s7] =	ssyncset.done $0x0  }
0x132: {  	[sflag:s7] =	ssyncadd.s32 $0xFFFF0000  }
0x133: {  	_ =	swait.ge [sflag:s7], $0x10000  }
0x134: {  	[sflag:s7] =	ssyncset.done $0x0  }
0x135: {  	[sflag:s7] =	ssyncadd.s32 $0xFFFF0000  }
0x136: {  	_ =	swait.ge [sflag:s7], $0x10000  }
0x137: {  	s15 =	sld [smem:$0x7E7];
	_ =	sdelay $0x2  }
0x138: {  	p5 =	seq.s32 s15, $0x1  }
.Ltmp20:
0x139: {  	_ = 	snop;
	(pc) =	sbr.rel @!p5 .LBB2_22-.Ltmp20, $3  }
0x13a: {  	_ =	sdelay $0x1  }
0x13b: {  	[sflag:s7] =	ssyncset.done $0x0  }
0x13c: {  	s14 =	simm.s32 $0x40A0;
	[sflag:s7] =	ssyncadd.s32 $0xFFFF0000  }
0x13d: {  	s15 =	rddreg [dreg:$0xf]  }
0x13e: {  	p5 =	seq.s32 s15, $0x200  }
.Ltmp21:
0x13f: {  	_ = 	snop;
	(pc) =	sbr.rel @p5 .LBB2_21-.Ltmp21, $4  }
0x140: {  	_ = 	snop  }
0x141: {  	[tilespmem:s14+$0xFFFFFFE0] =	vst v5  }
0x142: {  	[tilespmem:s14+$0x10] =	vst v7  }
0x143: {  	[tilespmem:s14+$0x0] =	vst v6;
	s15 =	sadd.s32 $0xFFFFFE00, s15  }
.LBB2_20:
0x144: {  	p5 =	seq.s32 s15, $0x200;
	s15 =	sadd.s32 $0xFFFFFE00, s15;
	[tilespmem:s14+$0xFFFFFFF0] =	vst v4;
	s14 =	sadd.s32 $0x80, s14  }
.Ltmp22:
0x145: {  	[tilespmem:s14+$0xFFFFFFE0] =	vst v5;
	(pc) =	sbr.rel @!p5 .LBB2_20-.Ltmp22, $3  }
0x146: {  	_ =	sdelay $0x1  }
0x147: {  	[tilespmem:s14+$0x10] =	vst v7  }
0x148: {  	[tilespmem:s14+$0x0] =	vst v6  }
.LBB2_21:
0x149: {  	[tilespmem:s14+$0xFFFFFFF0] =	vst v4  }
.LBB2_22:
.Ltmp23:
0x14a: {  	(pc) =	sbr.rel @!p0 .LBB2_23-.Ltmp23, $1  }
0x14b: {  	_ =	sdelay $0x3  }
0x14c: {  	s14 =	rddreg [dreg:$0x10]  }
0x14d: {  	s14 =	sadd.s32 $0x1, s14  }
0x14e: {  	p5 =	slt.u32 s14, $0x23F  }
.Ltmp24:
0x14f: {  	_ = 	snop;
	(pc) =	sbr.rel @!p5 .LBB2_51-.Ltmp24, $4  }
0x150: {  	s15 =	rddreg [dreg:$0x11]  }
0x151: {  	[tilespmem:s15+$0x0] =	vst v1  }
0x152: {  	[tilespmem:s15+$0x30] =	vst v3  }
0x153: {  	[tilespmem:s15+$0x20] =	vst v2  }
.LBB2_50:
0x154: {  	s14 =	sadd.s32 $0x1, s14  }
0x155: {  	[tilespmem:s15+$0x10] =	vst v0;
	s15 =	sadd.s32 $0x80, s15;
	p5 =	slt.u32 s14, $0x23F  }
.Ltmp25:
0x156: {  	[tilespmem:s15+$0x0] =	vst v1;
	(pc) =	sbr.rel @p5 .LBB2_50-.Ltmp25, $3  }
0x157: {  	_ =	sdelay $0x1  }
0x158: {  	[tilespmem:s15+$0x30] =	vst v3  }
0x159: {  	[tilespmem:s15+$0x20] =	vst v2  }
.LBB2_51:
0x15a: {  	[tilespmem:s15+$0x10] =	vst v0  }
.LBB2_23:
.Ltmp26:
0x15b: {  	(pc) =	sbr.rel @!p1 .LBB2_26-.Ltmp26, $1  }
0x15c: {  	_ =	sdelay $0x3  }
0x15d: {  	v8 =	vld [tilespmem:s28+$0xFFFFFFE0];
	_ =	sdelay $0x4  }
0x15e: {  	[tilespmem:s26+$0xFFFFFFE0] =	vst v8  }
0x15f: {  	v8 =	vld [tilespmem:s28+$0xFFFFFFF0];
	_ =	sdelay $0x4  }
0x160: {  	[tilespmem:s26+$0xFFFFFFF0] =	vst v8  }
0x161: {  	v8 =	vld [tilespmem:s28+$0x0];
	_ =	sdelay $0x3  }
0x162: {  	s14 =	rddreg [dreg:$0x7]  }
0x163: {  	s14 =	sadd.s32 $0x1, s14;
	[tilespmem:s26+$0x0] =	vst v8  }
0x164: {  	p5 =	slt.u32 s14, s23;
	v8 =	vld [tilespmem:s28+$0x10]  }
.Ltmp27:
0x165: {  	_ = 	snop;
	(pc) =	sbr.rel @!p5 .LBB2_26-.Ltmp27, $2  }
0x166: {  	_ =	sdelay $0x2  }
0x167: {  	s19 =	sadd.s32 $0x40, s28;
	s15 =	smov.u32 s26;
	[tilespmem:s26+$0x10] =	vst v8  }
.LBB2_25:
0x168: {  	v8 =	vld [tilespmem:s19+$0xFFFFFFE0];
	s14 =	sadd.s32 $0x1, s14  }
0x169: {  	p5 =	slt.u32 s14, s23;
	_ =	sdelay $0x2  }
0x16a: {  	s15 =	sadd.s32 $0x80, s15  }
0x16b: {  	[tilespmem:s15+$0xFFFFFFE0] =	vst v8  }
0x16c: {  	v8 =	vld [tilespmem:s19+$0xFFFFFFF0];
	_ =	sdelay $0x4  }
0x16d: {  	[tilespmem:s15+$0xFFFFFFF0] =	vst v8  }
0x16e: {  	v8 =	vld [tilespmem:s19+$0x0];
	_ =	sdelay $0x4  }
0x16f: {  	[tilespmem:s15+$0x0] =	vst v8  }
0x170: {  	v8 =	vld [tilespmem:s19+$0x10]  }
.Ltmp28:
0x171: {  	(pc) =	sbr.rel @p5 .LBB2_25-.Ltmp28, $2  }
0x172: {  	_ =	sdelay $0x2  }
0x173: {  	s19 =	sadd.s32 $0x40, s19;
	[tilespmem:s15+$0x10] =	vst v8  }
.LBB2_26:
0x174: {  	s14 =	sld [smem:$0x7EE];
	_ =	sdelay $0x1  }
0x175: {  	s15 =	sld [smem:$0x7EF]  }
0x176: {  	[hbm4b:s14+s3] =	stream.linear.scatter [tilespmem:s10], [sflag:$0x1], $0x10000, $0x38;
	[tilespmem:$0x16080] =	vst v63  }
0x177: {  	s19 =	sld [smem:$0x7F0]  }
0x178: {  	[hbm4b:s15+s3] =	stream.linear.scatter [tilespmem:s29], [sflag:$0x1], $0x10000, $0x38;
	[tilespmem:$0x16080] =	vst v63  }
0x179: {  	s15 =	sld [smem:$0x7F1]  }
0x17a: {  	[hbm4b:s19+s3] =	stream.linear.scatter [tilespmem:s8], [sflag:$0x1], $0x10000, $0x38;
	[tilespmem:$0x16080] =	vst v63  }
0x17b: {  	s19 =	sld [smem:$0x7F2]  }
0x17c: {  	[hbm4b:s15+s3] =	stream.linear.scatter [tilespmem:s11], [sflag:$0x1], $0x10000, $0x38;
	[tilespmem:$0x16080] =	vst v63  }
0x17d: {  	s15 =	sld [smem:$0x7F3]  }
0x17e: {  	[hbm4b:s19+s3] =	stream.linear.scatter [tilespmem:s4], [sflag:$0x1], $0x10000, $0x38;
	[tilespmem:$0x16080] =	vst v63  }
0x17f: {  	s19 =	sld [smem:$0x7F4]  }
0x180: {  	[hbm4b:s15+s3] =	stream.linear.scatter [tilespmem:s12], [sflag:$0x1], $0x10000, $0x38;
	[tilespmem:$0x16080] =	vst v63  }
0x181: {  	s15 =	sld [smem:$0x7F5]  }
0x182: {  	[hbm4b:s19+s3] =	stream.linear.scatter [tilespmem:s17], [sflag:$0x1], $0x10000, $0x38;
	[tilespmem:$0x16080] =	vst v63  }
0x183: {  	_ = 	snop  }
0x184: {  	[hbm4b:s15+s3] =	stream.linear.scatter [tilespmem:s22], [sflag:$0x1], $0x10000, $0x38;
	[tilespmem:$0x16080] =	vst v63  }
0x185: {  	_ =	swait.ge [sflag:s7], $0x10000  }
0x186: {  	s14 =	simm.s32 $0x6C00;
	[sflag:s7] =	ssyncset.done $0x0  }
0x187: {  	s19 =	simm.s32 $0x5C00;
	s15 =	smov.u32 s24;
	[sflag:s7] =	ssyncadd.s32 $0xFFFF0000  }
0x188: {  	[hbm4b:s24+s3] =	stream.linear.scatter [tilespmem:s19], [sflag:$0x1], $0x10000, $0x38;
	[tilespmem:$0x16080] =	vst v63  }
.LBB2_27:
0x189: {  	_ =	swait.ge [sflag:s7], $0x10000;
	p5 =	sne.s32 s14, $0x0  }
.Ltmp29:
0x18a: {  	(pc) =	sbr.rel @p5 .LBB2_27-.Ltmp29, $4  }
0x18b: {  	s19 =	sshra.s32 s14, $0x2  }
0x18c: {  	s14 =	sadd.s32 $0xFFFFFE00, s14;
	[sflag:s7] =	ssyncset.done $0x0  }
0x18d: {  	s15 =	sadd.s32 $0x8000, s15;
	s19 =	sadd.s32 $0x4080, s19;
	[sflag:s7] =	ssyncadd.s32 $0xFFFF0000  }
0x18e: {  	[hbm4b:s15+s3] =	stream.linear.scatter [tilespmem:s19], [sflag:$0x1], $0x10000, $0x38;
	[tilespmem:$0x16080] =	vst v63  }
0x18f: {  	_ =	swait.ge [sflag:s7], $0x10000  }
0x190: {  	[sflag:s7] =	ssyncset.done $0x0  }
0x191: {  	[sflag:s7] =	ssyncadd.s32 $0xFFFF0000  }
0x192: {  	_ =	swait.ge [sflag:s7], $0x10000  }
0x193: {  	[sflag:s7] =	ssyncset.done $0x0  }
0x194: {  	[sflag:s7] =	ssyncadd.s32 $0xFFFF0000  }
0x195: {  	_ =	swait.ge [sflag:s7], $0x10000  }
0x196: {  	[sflag:s7] =	ssyncset.done $0x0  }
0x197: {  	[sflag:s7] =	ssyncadd.s32 $0xFFFF0000  }
0x198: {  	_ =	swait.ge [sflag:s7], $0x10000  }
0x199: {  	[sflag:s7] =	ssyncset.done $0x0  }
0x19a: {  	[sflag:s7] =	ssyncadd.s32 $0xFFFF0000  }
0x19b: {  	_ =	swait.ge [sflag:s7], $0x10000  }
0x19c: {  	[sflag:s7] =	ssyncset.done $0x0  }
0x19d: {  	[sflag:s7] =	ssyncadd.s32 $0xFFFF0000  }
0x19e: {  	_ =	swait.ge [sflag:s7], $0x10000  }
0x19f: {  	[sflag:s7] =	ssyncset.done $0x0  }
0x1a0: {  	[sflag:s7] =	ssyncadd.s32 $0xFFFF0000  }
0x1a1: {  	_ =	swait.ge [sflag:s7], $0x10000  }
.Ltmp30:
0x1a2: {  	[sflag:s7] =	ssyncset.done $0x0;
	(pc) =	sbr.rel @!p2 .LBB2_32-.Ltmp30, $4  }
0x1a3: {  	[sflag:s7] =	ssyncadd.s32 $0xFFFF0000  }
0x1a4: {  	_ =	swait.ge [sflag:s7], $0x10000  }
0x1a5: {  	[sflag:s7] =	ssyncset.done $0x0  }
0x1a6: {  	s14 =	simm.s32 $0x40A0;
	[sflag:s7] =	ssyncadd.s32 $0xFFFF0000  }
0x1a7: {  	s15 =	rddreg [dreg:$0x12]  }
0x1a8: {  	s15 =	sadd.s32 $0x1, s15  }
0x1a9: {  	p5 =	seq.s32 s15, $0x0  }
.Ltmp31:
0x1aa: {  	_ = 	snop;
	(pc) =	sbr.rel @p5 .LBB2_31-.Ltmp31, $4  }
0x1ab: {  	_ = 	snop  }
0x1ac: {  	[tilespmem:s14+$0xFFFFFFE0] =	vst v5  }
0x1ad: {  	[tilespmem:s14+$0x10] =	vst v7  }
0x1ae: {  	[tilespmem:s14+$0x0] =	vst v6  }
.LBB2_30:
0x1af: {  	s15 =	sadd.s32 $0x1, s15  }
0x1b0: {  	[tilespmem:s14+$0xFFFFFFF0] =	vst v4;
	s14 =	sadd.s32 $0x80, s14;
	p5 =	seq.s32 s15, $0x0  }
.Ltmp32:
0x1b1: {  	[tilespmem:s14+$0xFFFFFFE0] =	vst v5;
	(pc) =	sbr.rel @!p5 .LBB2_30-.Ltmp32, $3  }
0x1b2: {  	_ =	sdelay $0x1  }
0x1b3: {  	[tilespmem:s14+$0x10] =	vst v7  }
0x1b4: {  	[tilespmem:s14+$0x0] =	vst v6  }
.LBB2_31:
0x1b5: {  	[tilespmem:s14+$0xFFFFFFF0] =	vst v4  }
.LBB2_32:
.Ltmp33:
0x1b6: {  	(pc) =	sbr.rel @p3 .LBB2_33-.Ltmp33, $1  }
0x1b7: {  	_ =	sdelay $0x3  }
0x1b8: {  	s14 =	rddreg [dreg:$0x13]  }
0x1b9: {  	s14 =	sadd.s32 $0x1, s14  }
0x1ba: {  	p5 =	slt.u32 s14, $0x23F  }
.Ltmp34:
0x1bb: {  	_ = 	snop;
	(pc) =	sbr.rel @!p5 .LBB2_54-.Ltmp34, $4  }
0x1bc: {  	_ = 	snop  }
0x1bd: {  	[tilespmem:s1+$0x0] =	vst v1  }
0x1be: {  	[tilespmem:s1+$0x30] =	vst v3  }
0x1bf: {  	[tilespmem:s1+$0x20] =	vst v2;
	s15 =	smov.u32 s1  }
.LBB2_53:
0x1c0: {  	s14 =	sadd.s32 $0x1, s14  }
0x1c1: {  	[tilespmem:s15+$0x10] =	vst v0;
	s15 =	sadd.s32 $0x80, s15;
	p5 =	slt.u32 s14, $0x23F  }
.Ltmp35:
0x1c2: {  	[tilespmem:s15+$0x0] =	vst v1;
	(pc) =	sbr.rel @p5 .LBB2_53-.Ltmp35, $3  }
0x1c3: {  	_ =	sdelay $0x1  }
0x1c4: {  	[tilespmem:s15+$0x30] =	vst v3  }
0x1c5: {  	[tilespmem:s15+$0x20] =	vst v2  }
.LBB2_54:
0x1c6: {  	[tilespmem:s15+$0x10] =	vst v0  }
.LBB2_33:
.Ltmp36:
0x1c7: {  	(pc) =	sbr.rel @!p4 .LBB2_36-.Ltmp36, $1  }
0x1c8: {  	_ =	sdelay $0x3  }
0x1c9: {  	v0 =	vld [tilespmem:s2+$0xFFFFFFE0];
	_ =	sdelay $0x4  }
0x1ca: {  	[tilespmem:s0+$0xFFFFFFE0] =	vst v0  }
0x1cb: {  	v0 =	vld [tilespmem:s2+$0xFFFFFFF0];
	_ =	sdelay $0x4  }
0x1cc: {  	[tilespmem:s0+$0xFFFFFFF0] =	vst v0  }
0x1cd: {  	v0 =	vld [tilespmem:s2+$0x0];
	_ =	sdelay $0x3  }
0x1ce: {  	s14 =	rddreg [dreg:$0x6]  }
0x1cf: {  	s14 =	sadd.s32 $0x1, s14;
	[tilespmem:s0+$0x0] =	vst v0  }
0x1d0: {  	p5 =	slt.u32 s14, s30;
	v0 =	vld [tilespmem:s2+$0x10]  }
.Ltmp37:
0x1d1: {  	_ = 	snop;
	(pc) =	sbr.rel @!p5 .LBB2_36-.Ltmp37, $2  }
0x1d2: {  	_ =	sdelay $0x2  }
0x1d3: {  	s19 =	sadd.s32 $0x40, s2;
	s15 =	smov.u32 s0;
	[tilespmem:s0+$0x10] =	vst v0  }
.LBB2_35:
0x1d4: {  	v0 =	vld [tilespmem:s19+$0xFFFFFFE0];
	s14 =	sadd.s32 $0x1, s14  }
0x1d5: {  	p5 =	slt.u32 s14, s30;
	_ =	sdelay $0x2  }
0x1d6: {  	s15 =	sadd.s32 $0x80, s15  }
0x1d7: {  	[tilespmem:s15+$0xFFFFFFE0] =	vst v0  }
0x1d8: {  	v0 =	vld [tilespmem:s19+$0xFFFFFFF0];
	_ =	sdelay $0x4  }
0x1d9: {  	[tilespmem:s15+$0xFFFFFFF0] =	vst v0  }
0x1da: {  	v0 =	vld [tilespmem:s19+$0x0];
	_ =	sdelay $0x4  }
0x1db: {  	[tilespmem:s15+$0x0] =	vst v0  }
0x1dc: {  	v0 =	vld [tilespmem:s19+$0x10]  }
.Ltmp38:
0x1dd: {  	(pc) =	sbr.rel @p5 .LBB2_35-.Ltmp38, $2  }
0x1de: {  	_ =	sdelay $0x2  }
0x1df: {  	s19 =	sadd.s32 $0x40, s19;
	[tilespmem:s15+$0x10] =	vst v0  }
.LBB2_36:
0x1e0: {  	s14 =	sld [smem:$0x7F6];
	_ =	sdelay $0x1  }
0x1e1: {  	s15 =	sld [smem:$0x7F7]  }
0x1e2: {  	[hbm4b:s14+s3] =	stream.linear.scatter [tilespmem:s10], [sflag:$0x1], $0x10000, $0x38;
	[tilespmem:$0x16080] =	vst v63  }
0x1e3: {  	s19 =	sld [smem:$0x7F8]  }
0x1e4: {  	[hbm4b:s15+s3] =	stream.linear.scatter [tilespmem:s29], [sflag:$0x1], $0x10000, $0x38;
	[tilespmem:$0x16080] =	vst v63  }
0x1e5: {  	s15 =	sld [smem:$0x7F9]  }
0x1e6: {  	[hbm4b:s19+s3] =	stream.linear.scatter [tilespmem:s8], [sflag:$0x1], $0x10000, $0x38;
	[tilespmem:$0x16080] =	vst v63  }
0x1e7: {  	s19 =	sld [smem:$0x7FA]  }
0x1e8: {  	[hbm4b:s15+s3] =	stream.linear.scatter [tilespmem:s11], [sflag:$0x1], $0x10000, $0x38;
	[tilespmem:$0x16080] =	vst v63  }
0x1e9: {  	s15 =	sld [smem:$0x7FB]  }
0x1ea: {  	[hbm4b:s19+s3] =	stream.linear.scatter [tilespmem:s4], [sflag:$0x1], $0x10000, $0x38;
	[tilespmem:$0x16080] =	vst v63  }
0x1eb: {  	s19 =	sld [smem:$0x7FC]  }
0x1ec: {  	[hbm4b:s15+s3] =	stream.linear.scatter [tilespmem:s12], [sflag:$0x1], $0x10000, $0x38;
	[tilespmem:$0x16080] =	vst v63  }
0x1ed: {  	s15 =	sld [smem:$0x7FD]  }
0x1ee: {  	[hbm4b:s19+s3] =	stream.linear.scatter [tilespmem:s17], [sflag:$0x1], $0x10000, $0x38;
	[tilespmem:$0x16080] =	vst v63  }
0x1ef: {  	_ = 	snop  }
0x1f0: {  	[hbm4b:s15+s3] =	stream.linear.scatter [tilespmem:s22], [sflag:$0x1], $0x10000, $0x38;
	[tilespmem:$0x16080] =	vst v63  }
0x1f1: {  	_ =	swait.ge [sflag:s7], $0x10000  }
0x1f2: {  	s14 =	simm.s32 $0x6C00;
	[sflag:s7] =	ssyncset.done $0x0  }
0x1f3: {  	s19 =	simm.s32 $0x5C00;
	s15 =	smov.u32 s31;
	[sflag:s7] =	ssyncadd.s32 $0xFFFF0000  }
0x1f4: {  	[hbm4b:s31+s3] =	stream.linear.scatter [tilespmem:s19], [sflag:$0x1], $0x10000, $0x38;
	[tilespmem:$0x16080] =	vst v63  }
.LBB2_37:
0x1f5: {  	_ =	swait.ge [sflag:s7], $0x10000;
	p5 =	sne.s32 s14, $0x0  }
.Ltmp39:
0x1f6: {  	(pc) =	sbr.rel @p5 .LBB2_37-.Ltmp39, $4  }
0x1f7: {  	s19 =	sshra.s32 s14, $0x2  }
0x1f8: {  	s14 =	sadd.s32 $0xFFFFFE00, s14;
	[sflag:s7] =	ssyncset.done $0x0  }
0x1f9: {  	s15 =	sadd.s32 $0x8000, s15;
	s19 =	sadd.s32 $0x4080, s19;
	[sflag:s7] =	ssyncadd.s32 $0xFFFF0000  }
0x1fa: {  	[hbm4b:s15+s3] =	stream.linear.scatter [tilespmem:s19], [sflag:$0x1], $0x10000, $0x38;
	[tilespmem:$0x16080] =	vst v63  }
0x1fb: {  	_ =	swait.ge [sflag:s7], $0x10000  }
0x1fc: {  	[sflag:s7] =	ssyncset.done $0x0  }
0x1fd: {  	[sflag:s7] =	ssyncadd.s32 $0xFFFF0000  }
0x1fe: {  	_ =	swait.ge [sflag:s7], $0x10000  }
0x1ff: {  	[sflag:s7] =	ssyncset.done $0x0  }
0x200: {  	[sflag:s7] =	ssyncadd.s32 $0xFFFF0000  }
0x201: {  	_ =	swait.ge [sflag:s7], $0x10000  }
0x202: {  	[sflag:s7] =	ssyncset.done $0x0  }
0x203: {  	[sflag:s7] =	ssyncadd.s32 $0xFFFF0000  }
0x204: {  	_ =	swait.ge [sflag:s7], $0x10000  }
0x205: {  	[sflag:s7] =	ssyncset.done $0x0  }
0x206: {  	[sflag:s7] =	ssyncadd.s32 $0xFFFF0000  }
0x207: {  	_ =	swait.ge [sflag:s7], $0x10000  }
0x208: {  	[sflag:s7] =	ssyncset.done $0x0  }
0x209: {  	[sflag:s7] =	ssyncadd.s32 $0xFFFF0000  }
0x20a: {  	_ =	swait.ge [sflag:s7], $0x10000  }
0x20b: {  	[sflag:s7] =	ssyncset.done $0x0  }
0x20c: {  	[sflag:s7] =	ssyncadd.s32 $0xFFFF0000  }
0x20d: {  	_ =	swait.ge [sflag:s7], $0x10000  }
0x20e: {  	[sflag:s7] =	ssyncset.done $0x0  }
0x20f: {  	[sflag:s7] =	ssyncadd.s32 $0xFFFF0000  }
0x210: {  	_ =	swait.ge [sflag:s7], $0x10000  }
0x211: {  	s6 =	sadd.s32 $0x1, s6;
	s14 =	rddreg [dreg:$0x8]  }
0x212: {  	p5 =	sne.s32 s6, s14  }
.Ltmp40:
0x213: {  	_ = 	snop;
	(pc) =	sbr.rel @p5 .LBB2_1-.Ltmp40, $3  }
0x214: {  	_ =	sdelay $0x1  }
0x215: {  	[sflag:s7] =	ssyncset.done $0x0  }
0x216: {  	[sflag:s7] =	ssyncadd.s32 $0xFFFF0000  }
0x217: {  	_ =	sfence.sel $0x180000  }
0x218: {  	[bflag:$0x0] =	sbarrier.arrive $0xFFFF  }
0x219: {  	_ =	strace $0x90000047  }
0x21a: {  	s0 =	stileid.u32;
	[bflag:$0x2] =	sbarrier.arrive $0xFFFF  }
0x21b: {  	p0 =	sne.s32 s0, $0x0;
	s0 =	rddreg [dreg:$0x2]  }
0x21c: {  	s0 =	sadd.s32 @!p0 $0x100000, s0  }
0x21d: {  	[sflag:s0] =	ssyncadd.tile.s32 @!p0 $0x1;
	_ =	shalt  }
.Lfunc_end2:
_tile_overlayer_lowered:
.L_overlay_start_2:
0x21e: {  	(tag) =	ssettag $0x2  }
0x21f: {  	s0 =	rddreg [dreg:$0x0];
	s2 =	stileid.u32  }
0x220: {  	s1 =	rddreg [dreg:$0x1];
	p0 =	sne.s32 s2, $0x0  }
0x221: {  	s3 =	rddreg [dreg:$0x2];
	[bflag:$0x3] =	sbarrier.arrive $0xFFFF;
	s2 =	simm.s32 @!p0 $0x1C02  }
0x222: {  	[timem:s3], [sflag:s2] =	dma.local @!p0 [hbm:s0], s1  }
0x223: {  	s0 =	simm.s32 @!p0 $0x2  }
0x224: {  	_ =	swait.ge @!p0 [sflag:s0], s1  }
0x225: {  	s1 =	ssub.s32 @!p0 $0x0, s1;
	[sflag:s0] =	ssyncset.done @!p0 $0x0  }
0x226: {  	[sflag:s0] =	ssyncadd.s32 @!p0 s1  }
0x227: {  	[bflag:$0x3] =	sbarrier.arrive $0xFFFF  }
0x228: {  	_ =	shalt  }

</sc_bundles>
